<compile_context>
chip_gen: v7x
topology: tpu7x:2x2x1
jax: 0.10.2.dev20260603
libtpu: 0.0.44.dev20260713+nightly
codegen_flags: <defaults>
</compile_context>

<pallas_src>
import functools

import jax
import jax.numpy as jnp
from jax import lax
from jax.experimental import pallas as pl
from jax.experimental.pallas import tpu as pltpu
from jax.experimental.pallas import tpu_sc as plsc

N_NODES = 10000
N_EDGES = 320000
NC = 2
NS = 16
NW = NC * NS
EPT = N_EDGES // NW
CHUNK = 80
KBUF = 5
NCH = EPT // CHUNK
N_PAD = 10112
RPT = N_PAD // NS

_mesh = plsc.VectorSubcoreMesh(core_axis_name="c", subcore_axis_name="s")
_sc_params = pltpu.CompilerParams(use_tc_tiling_on_sc=False)



@functools.partial(
    pl.kernel,
    out_type=jax.ShapeDtypeStruct((NC, N_PAD, 128), jnp.float32),
    mesh=_mesh,
    scratch_types=[
        pltpu.VMEM_SHARED((N_PAD, 16), jnp.float32),
        pltpu.VMEM((CHUNK, 16), jnp.float32),
        pltpu.VMEM((EPT,), jnp.int32),
        pltpu.SemaphoreType.DMA,
    ],
    compiler_params=_sc_params,
)
def _deg_kernel(edge_hbm, zeros_hbm, ones_hbm, out_hbm, acc, ones_v, didx, ssem):
    c = lax.axis_index("c")
    s = lax.axis_index("s")
    wid = c * NS + s
    pltpu.sync_copy(zeros_hbm.at[s], acc.at[pl.ds(s * RPT, RPT)])
    pltpu.sync_copy(ones_hbm, ones_v)
    pltpu.sync_copy(edge_hbm.at[1, pl.ds(wid * EPT, EPT)], didx)
    plsc.subcore_barrier()

    def issue(j, _):
        pltpu.async_copy(ones_v, acc.at[didx.at[pl.ds(j * CHUNK, CHUNK)]],
                         ssem, add=True)
        return 0

    lax.fori_loop(0, NCH, issue, 0)

    def drain(j, _):
        pltpu.make_async_copy(
            ones_v, acc.at[didx.at[pl.ds(0, CHUNK)]], ssem).wait()
        return 0

    lax.fori_loop(0, NCH, drain, 0)
    plsc.subcore_barrier()
    pltpu.sync_copy(acc.at[pl.ds(s * RPT, RPT)],
                    out_hbm.at[c, pl.ds(s * RPT, RPT), pl.ds(0, 16)])



@functools.partial(
    pl.kernel,
    out_type=jax.ShapeDtypeStruct((NC, N_PAD, 128), jnp.float32),
    mesh=_mesh,
    scratch_types=[
        pltpu.VMEM_SHARED((N_PAD, 32), jnp.float32),
        pltpu.VMEM_SHARED((N_NODES, 32), jnp.float32),
        pltpu.VMEM((KBUF, CHUNK, 32), jnp.float32),
        pltpu.VMEM((EPT,), jnp.int32),
        pltpu.VMEM((EPT,), jnp.int32),
        pltpu.SemaphoreType.DMA((KBUF,)),
        pltpu.SemaphoreType.DMA((KBUF,)),
    ],
    compiler_params=_sc_params,
)
def _agg_kernel(g_hbm, edge_hbm, zeros_hbm, out_hbm,
                acc, table, rows, sidx, didx, gsem, ssem):
    c = lax.axis_index("c")
    s = lax.axis_index("s")
    wid = c * NS + s
    pltpu.sync_copy(zeros_hbm.at[s], acc.at[pl.ds(s * RPT, RPT)])
    gpt = N_NODES // NS
    pltpu.sync_copy(g_hbm.at[pl.ds(s * gpt, gpt), pl.ds(0, 32)],
                    table.at[pl.ds(s * gpt, gpt)])
    pltpu.sync_copy(edge_hbm.at[0, pl.ds(wid * EPT, EPT)], sidx)
    pltpu.sync_copy(edge_hbm.at[1, pl.ds(wid * EPT, EPT)], didx)
    plsc.subcore_barrier()

    def body(i, _):
        for b in range(KBUF):
            j = i * KBUF + b

            @pl.when(i > 0)
            def _():
                pltpu.make_async_copy(
                    rows.at[b], acc.at[didx.at[pl.ds(0, CHUNK)]],
                    ssem.at[b]).wait()

            pltpu.async_copy(table.at[sidx.at[pl.ds(j * CHUNK, CHUNK)]],
                             rows.at[b], gsem.at[b])
        for b in range(KBUF):
            j = i * KBUF + b
            pltpu.make_async_copy(
                table.at[sidx.at[pl.ds(j * CHUNK, CHUNK)]],
                rows.at[b], gsem.at[b]).wait()
            pltpu.async_copy(rows.at[b],
                             acc.at[didx.at[pl.ds(j * CHUNK, CHUNK)]],
                             ssem.at[b], add=True)
        return 0

    lax.fori_loop(0, NCH // KBUF, body, 0)
    for b in range(KBUF):
        pltpu.make_async_copy(
            rows.at[b], acc.at[didx.at[pl.ds(0, CHUNK)]], ssem.at[b]).wait()
    plsc.subcore_barrier()
    pltpu.sync_copy(acc.at[pl.ds(s * RPT, RPT)],
                    out_hbm.at[c, pl.ds(s * RPT, RPT), pl.ds(0, 32)])



BM = 2000


def _mm_body(x_ref, w_ref, o_ref):
    o_ref[...] = jnp.dot(x_ref[...], w_ref[...],
                         preferred_element_type=jnp.float32)


def _matmul(x, w):
    m, k = x.shape
    h = w.shape[1]
    return pl.pallas_call(
        _mm_body,
        grid=(m // BM,),
        in_specs=[
            pl.BlockSpec((BM, k), lambda i: (i, 0)),
            pl.BlockSpec((k, h), lambda i: (0, 0)),
        ],
        out_specs=pl.BlockSpec((BM, h), lambda i: (i, 0)),
        out_shape=jax.ShapeDtypeStruct((m, h), jnp.float32),
    )(x, w)


def _scale_body(d0_ref, d1_ref, u_ref, dinv_ref, g_ref):
    deg = d0_ref[0][:, 0:1] + d1_ref[0][:, 0:1] + 1.0
    dinv = lax.rsqrt(deg)
    dinv_ref[...] = dinv
    g_ref[:, 0:32] = u_ref[...] * dinv


def _deg_scale(degp, u1):
    return pl.pallas_call(
        _scale_body,
        grid=(N_NODES // BM,),
        in_specs=[
            pl.BlockSpec((1, BM, 128), lambda i: (0, i, 0)),
            pl.BlockSpec((1, BM, 128), lambda i: (1, i, 0)),
            pl.BlockSpec((BM, 32), lambda i: (i, 0)),
        ],
        out_specs=[
            pl.BlockSpec((BM, 1), lambda i: (i, 0)),
            pl.BlockSpec((BM, 128), lambda i: (i, 0)),
        ],
        out_shape=[
            jax.ShapeDtypeStruct((N_NODES, 1), jnp.float32),
            jax.ShapeDtypeStruct((N_NODES, 128), jnp.float32),
        ],
    )(degp, degp, u1)


def _layer_body(s0_ref, s1_ref, g_ref, dinv_ref, b_ref, w_ref, o_ref):
    dinv = dinv_ref[...]
    acc = (s0_ref[0][:, 0:32] + s1_ref[0][:, 0:32] + g_ref[:, 0:32])
    h = jax.nn.relu(acc * dinv + b_ref[0:1, 0:32])
    o = jnp.dot(h, w_ref[...], preferred_element_type=jnp.float32)
    if o_ref.shape[1] == 128:
        o_ref[:, 0:32] = o * dinv
    else:
        o_ref[...] = o + b_ref[0, 32:33]


def _layer(s, g, dinv, b, w, hout):
    return pl.pallas_call(
        _layer_body,
        grid=(N_NODES // BM,),
        in_specs=[
            pl.BlockSpec((1, BM, 128), lambda i: (0, i, 0)),
            pl.BlockSpec((1, BM, 128), lambda i: (1, i, 0)),
            pl.BlockSpec((BM, 128), lambda i: (i, 0)),
            pl.BlockSpec((BM, 1), lambda i: (i, 0)),
            pl.BlockSpec((1, 33), lambda i: (0, 0)),
            pl.BlockSpec((32, hout if hout != 128 else 32), lambda i: (0, 0)),
        ],
        out_specs=pl.BlockSpec((BM, hout), lambda i: (i, 0)),
        out_shape=jax.ShapeDtypeStruct((N_NODES, hout), jnp.float32),
    )(s, s, g, dinv, b, w)


def kernel(x, edge_index, W1, b1, W2, b2, Wfc, bfc):
    ei = edge_index.astype(jnp.int32)
    zeros16 = jnp.zeros((NS, RPT, 16), jnp.float32)
    zeros32 = jnp.zeros((NS, RPT, 32), jnp.float32)
    ones16 = jnp.ones((CHUNK, 16), jnp.float32)

    degp = _deg_kernel(ei, zeros16, ones16)
    u1 = _matmul(x, W1)
    dinv, g1 = _deg_scale(degp, u1)

    zero1 = jnp.zeros((1,), jnp.float32)
    b1p = jnp.concatenate([b1, zero1]).reshape(1, 33)
    b2p = jnp.concatenate([b2, bfc]).reshape(1, 33)

    s1 = _agg_kernel(g1, ei, zeros32)
    g2 = _layer(s1, g1, dinv, b1p, W2, 128)

    s2 = _agg_kernel(g2, ei, zeros32)
    return _layer(s2, g2, dinv, b2p, Wfc, 1)

# --- scband reference (transcript-rebuilt; emitter-appended) ---
"""Pipeline reference for scband-gcn-net-56332791054869 (READ-ONLY COPY).

The authoritative reference and input builder live on the scoring server;
editing this copy changes nothing except your own understanding.
"""

import jax, jax.numpy as jnp
import numpy as np

N_NODES = 10000
N_EDGES = 320000
IN_CH = 128
HID = 32


def _gcn_conv(x, edge_index, W, b):
    n = x.shape[0]
    src = edge_index[0]
    dst = edge_index[1]
    # add self-loops (PyG GCNConv default add_self_loops=True)
    loop = jnp.arange(n, dtype=src.dtype)
    src = jnp.concatenate([src, loop])
    dst = jnp.concatenate([dst, loop])
    ew = jnp.ones(src.shape[0], dtype=x.dtype)
    # symmetric normalization: deg computed over target (col) index
    deg = jnp.zeros(n, dtype=x.dtype).at[dst].add(ew)
    deg_inv_sqrt = jnp.where(deg > 0, deg ** -0.5, 0.0)
    norm = deg_inv_sqrt[src] * ew * deg_inv_sqrt[dst]
    # linear transform then gather/scatter aggregation at target nodes
    h = x @ W
    msg = h[src] * norm[:, None]
    out = jnp.zeros((n, h.shape[1]), dtype=x.dtype).at[dst].add(msg)
    return out + b


def setup_inputs(seed: int = 0) -> dict:
    key = jax.random.key(seed)
    k = jax.random.split(key, 8)
    x = jax.random.normal(k[0], (N_NODES, IN_CH), dtype=jnp.float32)
    edge_index = jax.random.randint(k[1], (2, N_EDGES), 0, N_NODES, dtype=jnp.int64)
    # glorot-style init for conv weights, like PyG GCNConv
    W1 = jax.random.normal(k[2], (IN_CH, HID), dtype=jnp.float32) * (1.0 / np.sqrt(IN_CH))
    b1 = jnp.zeros((HID,), dtype=jnp.float32)
    W2 = jax.random.normal(k[3], (HID, HID), dtype=jnp.float32) * (1.0 / np.sqrt(HID))
    b2 = jnp.zeros((HID,), dtype=jnp.float32)
    Wfc = jax.random.normal(k[4], (HID, 1), dtype=jnp.float32) * (1.0 / np.sqrt(HID))
    bfc = jnp.zeros((1,), dtype=jnp.float32)
    return {"x": x, "edge_index": edge_index, "W1": W1, "b1": b1, "W2": W2, "b2": b2, "Wfc": Wfc, "bfc": bfc}


def reference(x, edge_index, W1, b1, W2, b2, Wfc, bfc):
    h = jax.nn.relu(_gcn_conv(x, edge_index, W1, b1))
    h = jax.nn.relu(_gcn_conv(h, edge_index, W2, b2))
    return h @ Wfc + bfc

if __name__ == "__main__":
    import jax
    _d = setup_inputs()
    print(jax.jit(kernel)(*tuple(_d.values())))

</pallas_src>

<mosaic_0001>
#map = affine_map<(d0, d1) -> (0, 0)>
#map1 = affine_map<(d0, d1) -> (0, 0, 0)>
module attributes {stable_mosaic.version = 14 : i64} {
  func.func @_deg_kernel(%arg0: i32, %arg1: i32, %arg2: memref<2x320000xi32, #tpu.memory_space<hbm>>, %arg3: memref<16x632x16xf32, #tpu.memory_space<hbm>>, %arg4: memref<80x16xf32, #tpu.memory_space<hbm>>, %arg5: memref<2x10112x128xf32, #tpu.memory_space<hbm>>, %arg6: memref<10112x16xf32, #tpu.memory_space<vmem_shared>>, %arg7: memref<80x16xf32, #tpu.memory_space<vmem>>, %arg8: memref<10000xi32, #tpu.memory_space<vmem>>, %arg9: memref<!tpu.dma_semaphore, #tpu.memory_space<semaphore_mem>>) attributes {dimension_semantics = [#tpu.dimension_semantics<core_parallel>, #tpu.dimension_semantics<subcore_parallel>], iteration_bounds = array<i64: 2, 16>, scalar_prefetch = 0 : i64, scratch_operands = 4 : i64, tpu.core_type = #tpu.core_type<sc_vector_subcore>, window_params = [{transform_indices = #map}, {transform_indices = #map1}, {transform_indices = #map}, {transform_indices = #map1}]} {
    %mul3A = arith.constant 16 : i32
    %mul3A_0 = arith.muli %arg0, %mul3A : i32
    %add3A = arith.addi %mul3A_0, %arg1 : i32
    %mul3A_1 = arith.constant 632 : i32
    %mul3A_2 = arith.muli %arg1, %mul3A_1 : i32
    "tpu.region"() ({
      %run_scoped3A_23 = tpu.sem_alloc : memref<!tpu.dma_semaphore, #tpu.memory_space<semaphore_mem>>
      %dma_start3A = arith.constant 0 : i32
      %dma_start3A_24 = tpu.memref_slice %arg6[%mul3A_2, %dma_start3A] : memref<10112x16xf32, #tpu.memory_space<vmem_shared>> -> memref<632x16xf32, #tpu.memory_space<vmem_shared>>
      %dma_start3A_25 = arith.constant 0 : i32
      %dma_start3A_26 = arith.constant 0 : i32
      %dma_start3A_27 = tpu.memref_slice %arg3[%arg1, %dma_start3A_25, %dma_start3A_26] : memref<16x632x16xf32, #tpu.memory_space<hbm>> -> memref<1x632x16xf32, #tpu.memory_space<hbm>>
      %dma_start3A_28 = tpu.memref_squeeze %dma_start3A_27 : memref<1x632x16xf32, #tpu.memory_space<hbm>> -> memref<632x16xf32, #tpu.memory_space<hbm>>
      tpu.enqueue_dma source(%dma_start3A_28 : memref<632x16xf32, #tpu.memory_space<hbm>>) target(%dma_start3A_24 : memref<632x16xf32, #tpu.memory_space<vmem_shared>>) target_semaphore(%run_scoped3A_23 : memref<!tpu.dma_semaphore, #tpu.memory_space<semaphore_mem>>)
      %dma_wait3A = arith.constant 0 : i32
      %dma_wait3A_29 = tpu.memref_slice %arg6[%mul3A_2, %dma_wait3A] : memref<10112x16xf32, #tpu.memory_space<vmem_shared>> -> memref<632x16xf32, #tpu.memory_space<vmem_shared>>
      %dma_wait3A_30 = arith.constant 0 : i32
      %dma_wait3A_31 = arith.constant 0 : i32
      %dma_wait3A_32 = tpu.memref_slice %arg3[%arg1, %dma_wait3A_30, %dma_wait3A_31] : memref<16x632x16xf32, #tpu.memory_space<hbm>> -> memref<1x632x16xf32, #tpu.memory_space<hbm>>
      %dma_wait3A_33 = tpu.memref_squeeze %dma_wait3A_32 : memref<1x632x16xf32, #tpu.memory_space<hbm>> -> memref<632x16xf32, #tpu.memory_space<hbm>>
      tpu.wait_dma2 semaphore(%run_scoped3A_23 : memref<!tpu.dma_semaphore, #tpu.memory_space<semaphore_mem>>) src(%dma_wait3A_33 : memref<632x16xf32, #tpu.memory_space<hbm>>) dst(%dma_wait3A_29 : memref<632x16xf32, #tpu.memory_space<vmem_shared>>)
      tpu.yield
    }) : () -> ()
    "tpu.region"() ({
      %run_scoped3A_23 = tpu.sem_alloc : memref<!tpu.dma_semaphore, #tpu.memory_space<semaphore_mem>>
      tpu.enqueue_dma source(%arg4 : memref<80x16xf32, #tpu.memory_space<hbm>>) target(%arg7 : memref<80x16xf32, #tpu.memory_space<vmem>>) target_semaphore(%run_scoped3A_23 : memref<!tpu.dma_semaphore, #tpu.memory_space<semaphore_mem>>)
      tpu.wait_dma2 semaphore(%run_scoped3A_23 : memref<!tpu.dma_semaphore, #tpu.memory_space<semaphore_mem>>) src(%arg4 : memref<80x16xf32, #tpu.memory_space<hbm>>) dst(%arg7 : memref<80x16xf32, #tpu.memory_space<vmem>>)
      tpu.yield
    }) : () -> ()
    %mul3A_3 = arith.constant 10000 : i32
    %mul3A_4 = arith.muli %add3A, %mul3A_3 : i32
    %run_scoped3A = arith.constant 1 : i32
    "tpu.region"() ({
      %run_scoped3A_23 = tpu.sem_alloc : memref<!tpu.dma_semaphore, #tpu.memory_space<semaphore_mem>>
      %dma_start3A = tpu.memref_slice %arg2[%run_scoped3A, %mul3A_4] : memref<2x320000xi32, #tpu.memory_space<hbm>> -> memref<1x10000xi32, #tpu.memory_space<hbm>>
      %dma_start3A_24 = tpu.memref_squeeze %dma_start3A : memref<1x10000xi32, #tpu.memory_space<hbm>> -> memref<10000xi32, #tpu.memory_space<hbm>>
      %dma_start3A_25 = tpu.memref_slice %arg2[%run_scoped3A, %mul3A_4] : memref<2x320000xi32, #tpu.memory_space<hbm>> -> memref<1x10000xi32, #tpu.memory_space<hbm>>
      %dma_start3A_26 = tpu.memref_squeeze %dma_start3A_25 : memref<1x10000xi32, #tpu.memory_space<hbm>> -> memref<10000xi32, #tpu.memory_space<hbm>>
      tpu.enqueue_dma source(%dma_start3A_26 : memref<10000xi32, #tpu.memory_space<hbm>>) target(%arg8 : memref<10000xi32, #tpu.memory_space<vmem>>) target_semaphore(%run_scoped3A_23 : memref<!tpu.dma_semaphore, #tpu.memory_space<semaphore_mem>>)
      %dma_wait3A = tpu.memref_slice %arg2[%run_scoped3A, %mul3A_4] : memref<2x320000xi32, #tpu.memory_space<hbm>> -> memref<1x10000xi32, #tpu.memory_space<hbm>>
      %dma_wait3A_27 = tpu.memref_squeeze %dma_wait3A : memref<1x10000xi32, #tpu.memory_space<hbm>> -> memref<10000xi32, #tpu.memory_space<hbm>>
      %dma_wait3A_28 = tpu.memref_slice %arg2[%run_scoped3A, %mul3A_4] : memref<2x320000xi32, #tpu.memory_space<hbm>> -> memref<1x10000xi32, #tpu.memory_space<hbm>>
      %dma_wait3A_29 = tpu.memref_squeeze %dma_wait3A_28 : memref<1x10000xi32, #tpu.memory_space<hbm>> -> memref<10000xi32, #tpu.memory_space<hbm>>
      tpu.wait_dma2 semaphore(%run_scoped3A_23 : memref<!tpu.dma_semaphore, #tpu.memory_space<semaphore_mem>>) src(%dma_wait3A_29 : memref<10000xi32, #tpu.memory_space<hbm>>) dst(%arg8 : memref<10000xi32, #tpu.memory_space<vmem>>)
      tpu.yield
    }) : () -> ()
    %barrier3A = arith.constant 0 : index
    tpu.barrier barrier_id(%barrier3A)
    %scan3A = arith.constant 0 : i32
    %scan3A_5 = arith.constant 0 : i32
    %scan3A_6 = arith.constant 125 : i32
    %scan3A_7 = arith.addi %scan3A_5, %scan3A_6 : i32
    %scan3A_8 = arith.constant 1 : i32
    %scan3A_9 = scf.for %scan3A_23 = %scan3A_5 to %scan3A_7 step %scan3A_8 iter_args(%scan3A_24 = %scan3A) -> (i32)  : i32 {
      %mul3A_25 = arith.constant 80 : i32
      %mul3A_26 = arith.muli %scan3A_23, %mul3A_25 : i32
      %dma_start3A = tpu.memref_slice %arg8[%mul3A_26] : memref<10000xi32, #tpu.memory_space<vmem>> -> memref<80xi32, #tpu.memory_space<vmem>>
      %dma_start3A_27 = arith.constant 0 : i32
      %dma_start3A_28 = arith.constant 0 : i32
      %dma_start3A_29 = tpu.memref_slice %arg6[%dma_start3A_27, %dma_start3A_28] : memref<10112x16xf32, #tpu.memory_space<vmem_shared>> -> memref<10112x16xf32, #tpu.memory_space<vmem_shared>>
      tpu.enqueue_indirect_dma source(%arg7 : memref<80x16xf32, #tpu.memory_space<vmem>>) target(%dma_start3A_29 : memref<10112x16xf32, #tpu.memory_space<vmem_shared>>) offsets(%dma_start3A : memref<80xi32, #tpu.memory_space<vmem>>) semaphore(%arg9 : memref<!tpu.dma_semaphore, #tpu.memory_space<semaphore_mem>>) {add = true}
      %scan3A_30 = arith.constant 0 : i32
      scf.yield %scan3A_30 : i32
    }
    %scan3A_10 = arith.constant 125 : i32
    %scan3A_11 = arith.constant 0 : i32
    %scan3A_12 = arith.constant 0 : i32
    %scan3A_13 = arith.constant 125 : i32
    %scan3A_14 = arith.addi %scan3A_12, %scan3A_13 : i32
    %scan3A_15 = arith.constant 1 : i32
    %scan3A_16 = scf.for %scan3A_23 = %scan3A_12 to %scan3A_14 step %scan3A_15 iter_args(%scan3A_24 = %scan3A_11) -> (i32)  : i32 {
      %dma_wait3A = arith.constant 0 : i32
      %dma_wait3A_25 = tpu.memref_slice %arg8[%dma_wait3A] : memref<10000xi32, #tpu.memory_space<vmem>> -> memref<80xi32, #tpu.memory_space<vmem>>
      %dma_wait3A_26 = arith.constant 0 : i32
      %dma_wait3A_27 = arith.constant 0 : i32
      %dma_wait3A_28 = tpu.memref_slice %arg6[%dma_wait3A_26, %dma_wait3A_27] : memref<10112x16xf32, #tpu.memory_space<vmem_shared>> -> memref<10112x16xf32, #tpu.memory_space<vmem_shared>>
      tpu.wait_indirect_dma semaphore(%arg9 : memref<!tpu.dma_semaphore, #tpu.memory_space<semaphore_mem>>) src(%arg7 : memref<80x16xf32, #tpu.memory_space<vmem>>) dst(%dma_wait3A_28 : memref<10112x16xf32, #tpu.memory_space<vmem_shared>>)
      %scan3A_29 = arith.constant 0 : i32
      scf.yield %scan3A_29 : i32
    }
    %scan3A_17 = arith.constant 125 : i32
    %barrier3A_18 = arith.constant 0 : index
    tpu.barrier barrier_id(%barrier3A_18)
    %mul3A_19 = arith.constant 632 : i32
    %mul3A_20 = arith.muli %arg1, %mul3A_19 : i32
    %mul3A_21 = arith.constant 632 : i32
    %mul3A_22 = arith.muli %arg1, %mul3A_21 : i32
    "tpu.region"() ({
      %run_scoped3A_23 = tpu.sem_alloc : memref<!tpu.dma_semaphore, #tpu.memory_space<semaphore_mem>>
      %dma_start3A = arith.constant 0 : i32
      %dma_start3A_24 = tpu.memref_slice %arg5[%arg0, %mul3A_22, %dma_start3A] : memref<2x10112x128xf32, #tpu.memory_space<hbm>> -> memref<1x632x16xf32, #tpu.memory_space<hbm>>
      %dma_start3A_25 = tpu.memref_squeeze %dma_start3A_24 : memref<1x632x16xf32, #tpu.memory_space<hbm>> -> memref<632x16xf32, #tpu.memory_space<hbm>>
      %dma_start3A_26 = arith.constant 0 : i32
      %dma_start3A_27 = tpu.memref_slice %arg6[%mul3A_20, %dma_start3A_26] : memref<10112x16xf32, #tpu.memory_space<vmem_shared>> -> memref<632x16xf32, #tpu.memory_space<vmem_shared>>
      tpu.enqueue_dma source(%dma_start3A_27 : memref<632x16xf32, #tpu.memory_space<vmem_shared>>) target(%dma_start3A_25 : memref<632x16xf32, #tpu.memory_space<hbm>>) target_semaphore(%run_scoped3A_23 : memref<!tpu.dma_semaphore, #tpu.memory_space<semaphore_mem>>)
      %dma_wait3A = arith.constant 0 : i32
      %dma_wait3A_28 = tpu.memref_slice %arg5[%arg0, %mul3A_22, %dma_wait3A] : memref<2x10112x128xf32, #tpu.memory_space<hbm>> -> memref<1x632x16xf32, #tpu.memory_space<hbm>>
      %dma_wait3A_29 = tpu.memref_squeeze %dma_wait3A_28 : memref<1x632x16xf32, #tpu.memory_space<hbm>> -> memref<632x16xf32, #tpu.memory_space<hbm>>
      %dma_wait3A_30 = arith.constant 0 : i32
      %dma_wait3A_31 = tpu.memref_slice %arg6[%mul3A_20, %dma_wait3A_30] : memref<10112x16xf32, #tpu.memory_space<vmem_shared>> -> memref<632x16xf32, #tpu.memory_space<vmem_shared>>
      tpu.wait_dma2 semaphore(%run_scoped3A_23 : memref<!tpu.dma_semaphore, #tpu.memory_space<semaphore_mem>>) src(%dma_wait3A_31 : memref<632x16xf32, #tpu.memory_space<vmem_shared>>) dst(%dma_wait3A_29 : memref<632x16xf32, #tpu.memory_space<hbm>>)
      tpu.yield
    }) : () -> ()
    return
  }
}

#map = affine_map<(d0, d1) -> (0, 0)>
#map1 = affine_map<(d0, d1) -> (0, 0, 0)>
module attributes {stable_mosaic.version = 14 : i64} {
  func.func @_agg_kernel(%arg0: i32, %arg1: i32, %arg2: memref<10000x128xf32, #tpu.memory_space<hbm>>, %arg3: memref<2x320000xi32, #tpu.memory_space<hbm>>, %arg4: memref<16x632x32xf32, #tpu.memory_space<hbm>>, %arg5: memref<2x10112x128xf32, #tpu.memory_space<hbm>>, %arg6: memref<10112x32xf32, #tpu.memory_space<vmem_shared>>, %arg7: memref<10000x32xf32, #tpu.memory_space<vmem_shared>>, %arg8: memref<5x80x32xf32, #tpu.memory_space<vmem>>, %arg9: memref<10000xi32, #tpu.memory_space<vmem>>, %arg10: memref<10000xi32, #tpu.memory_space<vmem>>, %arg11: memref<5x!tpu.dma_semaphore, #tpu.memory_space<semaphore_mem>>, %arg12: memref<5x!tpu.dma_semaphore, #tpu.memory_space<semaphore_mem>>) attributes {dimension_semantics = [#tpu.dimension_semantics<core_parallel>, #tpu.dimension_semantics<subcore_parallel>], iteration_bounds = array<i64: 2, 16>, scalar_prefetch = 0 : i64, scratch_operands = 7 : i64, tpu.core_type = #tpu.core_type<sc_vector_subcore>, window_params = [{transform_indices = #map}, {transform_indices = #map}, {transform_indices = #map1}, {transform_indices = #map1}]} {
    %mul3A = arith.constant 16 : i32
    %mul3A_0 = arith.muli %arg0, %mul3A : i32
    %add3A = arith.addi %mul3A_0, %arg1 : i32
    %mul3A_1 = arith.constant 632 : i32
    %mul3A_2 = arith.muli %arg1, %mul3A_1 : i32
    "tpu.region"() ({
      %run_scoped3A_87 = tpu.sem_alloc : memref<!tpu.dma_semaphore, #tpu.memory_space<semaphore_mem>>
      %dma_start3A = arith.constant 0 : i32
      %dma_start3A_88 = tpu.memref_slice %arg6[%mul3A_2, %dma_start3A] : memref<10112x32xf32, #tpu.memory_space<vmem_shared>> -> memref<632x32xf32, #tpu.memory_space<vmem_shared>>
      %dma_start3A_89 = arith.constant 0 : i32
      %dma_start3A_90 = arith.constant 0 : i32
      %dma_start3A_91 = tpu.memref_slice %arg4[%arg1, %dma_start3A_89, %dma_start3A_90] : memref<16x632x32xf32, #tpu.memory_space<hbm>> -> memref<1x632x32xf32, #tpu.memory_space<hbm>>
      %dma_start3A_92 = tpu.memref_squeeze %dma_start3A_91 : memref<1x632x32xf32, #tpu.memory_space<hbm>> -> memref<632x32xf32, #tpu.memory_space<hbm>>
      tpu.enqueue_dma source(%dma_start3A_92 : memref<632x32xf32, #tpu.memory_space<hbm>>) target(%dma_start3A_88 : memref<632x32xf32, #tpu.memory_space<vmem_shared>>) target_semaphore(%run_scoped3A_87 : memref<!tpu.dma_semaphore, #tpu.memory_space<semaphore_mem>>)
      %dma_wait3A_93 = arith.constant 0 : i32
      %dma_wait3A_94 = tpu.memref_slice %arg6[%mul3A_2, %dma_wait3A_93] : memref<10112x32xf32, #tpu.memory_space<vmem_shared>> -> memref<632x32xf32, #tpu.memory_space<vmem_shared>>
      %dma_wait3A_95 = arith.constant 0 : i32
      %dma_wait3A_96 = arith.constant 0 : i32
      %dma_wait3A_97 = tpu.memref_slice %arg4[%arg1, %dma_wait3A_95, %dma_wait3A_96] : memref<16x632x32xf32, #tpu.memory_space<hbm>> -> memref<1x632x32xf32, #tpu.memory_space<hbm>>
      %dma_wait3A_98 = tpu.memref_squeeze %dma_wait3A_97 : memref<1x632x32xf32, #tpu.memory_space<hbm>> -> memref<632x32xf32, #tpu.memory_space<hbm>>
      tpu.wait_dma2 semaphore(%run_scoped3A_87 : memref<!tpu.dma_semaphore, #tpu.memory_space<semaphore_mem>>) src(%dma_wait3A_98 : memref<632x32xf32, #tpu.memory_space<hbm>>) dst(%dma_wait3A_94 : memref<632x32xf32, #tpu.memory_space<vmem_shared>>)
      tpu.yield
    }) : () -> ()
    %mul3A_3 = arith.constant 625 : i32
    %mul3A_4 = arith.muli %arg1, %mul3A_3 : i32
    %mul3A_5 = arith.constant 625 : i32
    %mul3A_6 = arith.muli %arg1, %mul3A_5 : i32
    "tpu.region"() ({
      %run_scoped3A_87 = tpu.sem_alloc : memref<!tpu.dma_semaphore, #tpu.memory_space<semaphore_mem>>
      %dma_start3A = arith.constant 0 : i32
      %dma_start3A_88 = tpu.memref_slice %arg7[%mul3A_6, %dma_start3A] : memref<10000x32xf32, #tpu.memory_space<vmem_shared>> -> memref<625x32xf32, #tpu.memory_space<vmem_shared>>
      %dma_start3A_89 = arith.constant 0 : i32
      %dma_start3A_90 = tpu.memref_slice %arg2[%mul3A_4, %dma_start3A_89] : memref<10000x128xf32, #tpu.memory_space<hbm>> -> memref<625x32xf32, #tpu.memory_space<hbm>>
      tpu.enqueue_dma source(%dma_start3A_90 : memref<625x32xf32, #tpu.memory_space<hbm>>) target(%dma_start3A_88 : memref<625x32xf32, #tpu.memory_space<vmem_shared>>) target_semaphore(%run_scoped3A_87 : memref<!tpu.dma_semaphore, #tpu.memory_space<semaphore_mem>>)
      %dma_wait3A_91 = arith.constant 0 : i32
      %dma_wait3A_92 = tpu.memref_slice %arg7[%mul3A_6, %dma_wait3A_91] : memref<10000x32xf32, #tpu.memory_space<vmem_shared>> -> memref<625x32xf32, #tpu.memory_space<vmem_shared>>
      %dma_wait3A_93 = arith.constant 0 : i32
      %dma_wait3A_94 = tpu.memref_slice %arg2[%mul3A_4, %dma_wait3A_93] : memref<10000x128xf32, #tpu.memory_space<hbm>> -> memref<625x32xf32, #tpu.memory_space<hbm>>
      tpu.wait_dma2 semaphore(%run_scoped3A_87 : memref<!tpu.dma_semaphore, #tpu.memory_space<semaphore_mem>>) src(%dma_wait3A_94 : memref<625x32xf32, #tpu.memory_space<hbm>>) dst(%dma_wait3A_92 : memref<625x32xf32, #tpu.memory_space<vmem_shared>>)
      tpu.yield
    }) : () -> ()
    %mul3A_7 = arith.constant 10000 : i32
    %mul3A_8 = arith.muli %add3A, %mul3A_7 : i32
    %run_scoped3A = arith.constant 0 : i32
    "tpu.region"() ({
      %run_scoped3A_87 = tpu.sem_alloc : memref<!tpu.dma_semaphore, #tpu.memory_space<semaphore_mem>>
      %dma_start3A = tpu.memref_slice %arg3[%run_scoped3A, %mul3A_8] : memref<2x320000xi32, #tpu.memory_space<hbm>> -> memref<1x10000xi32, #tpu.memory_space<hbm>>
      %dma_start3A_88 = tpu.memref_squeeze %dma_start3A : memref<1x10000xi32, #tpu.memory_space<hbm>> -> memref<10000xi32, #tpu.memory_space<hbm>>
      %dma_start3A_89 = tpu.memref_slice %arg3[%run_scoped3A, %mul3A_8] : memref<2x320000xi32, #tpu.memory_space<hbm>> -> memref<1x10000xi32, #tpu.memory_space<hbm>>
      %dma_start3A_90 = tpu.memref_squeeze %dma_start3A_89 : memref<1x10000xi32, #tpu.memory_space<hbm>> -> memref<10000xi32, #tpu.memory_space<hbm>>
      tpu.enqueue_dma source(%dma_start3A_90 : memref<10000xi32, #tpu.memory_space<hbm>>) target(%arg9 : memref<10000xi32, #tpu.memory_space<vmem>>) target_semaphore(%run_scoped3A_87 : memref<!tpu.dma_semaphore, #tpu.memory_space<semaphore_mem>>)
      %dma_wait3A_91 = tpu.memref_slice %arg3[%run_scoped3A, %mul3A_8] : memref<2x320000xi32, #tpu.memory_space<hbm>> -> memref<1x10000xi32, #tpu.memory_space<hbm>>
      %dma_wait3A_92 = tpu.memref_squeeze %dma_wait3A_91 : memref<1x10000xi32, #tpu.memory_space<hbm>> -> memref<10000xi32, #tpu.memory_space<hbm>>
      %dma_wait3A_93 = tpu.memref_slice %arg3[%run_scoped3A, %mul3A_8] : memref<2x320000xi32, #tpu.memory_space<hbm>> -> memref<1x10000xi32, #tpu.memory_space<hbm>>
      %dma_wait3A_94 = tpu.memref_squeeze %dma_wait3A_93 : memref<1x10000xi32, #tpu.memory_space<hbm>> -> memref<10000xi32, #tpu.memory_space<hbm>>
      tpu.wait_dma2 semaphore(%run_scoped3A_87 : memref<!tpu.dma_semaphore, #tpu.memory_space<semaphore_mem>>) src(%dma_wait3A_94 : memref<10000xi32, #tpu.memory_space<hbm>>) dst(%arg9 : memref<10000xi32, #tpu.memory_space<vmem>>)
      tpu.yield
    }) : () -> ()
    %mul3A_9 = arith.constant 10000 : i32
    %mul3A_10 = arith.muli %add3A, %mul3A_9 : i32
    %run_scoped3A_11 = arith.constant 1 : i32
    "tpu.region"() ({
      %run_scoped3A_87 = tpu.sem_alloc : memref<!tpu.dma_semaphore, #tpu.memory_space<semaphore_mem>>
      %dma_start3A = tpu.memref_slice %arg3[%run_scoped3A_11, %mul3A_10] : memref<2x320000xi32, #tpu.memory_space<hbm>> -> memref<1x10000xi32, #tpu.memory_space<hbm>>
      %dma_start3A_88 = tpu.memref_squeeze %dma_start3A : memref<1x10000xi32, #tpu.memory_space<hbm>> -> memref<10000xi32, #tpu.memory_space<hbm>>
      %dma_start3A_89 = tpu.memref_slice %arg3[%run_scoped3A_11, %mul3A_10] : memref<2x320000xi32, #tpu.memory_space<hbm>> -> memref<1x10000xi32, #tpu.memory_space<hbm>>
      %dma_start3A_90 = tpu.memref_squeeze %dma_start3A_89 : memref<1x10000xi32, #tpu.memory_space<hbm>> -> memref<10000xi32, #tpu.memory_space<hbm>>
      tpu.enqueue_dma source(%dma_start3A_90 : memref<10000xi32, #tpu.memory_space<hbm>>) target(%arg10 : memref<10000xi32, #tpu.memory_space<vmem>>) target_semaphore(%run_scoped3A_87 : memref<!tpu.dma_semaphore, #tpu.memory_space<semaphore_mem>>)
      %dma_wait3A_91 = tpu.memref_slice %arg3[%run_scoped3A_11, %mul3A_10] : memref<2x320000xi32, #tpu.memory_space<hbm>> -> memref<1x10000xi32, #tpu.memory_space<hbm>>
      %dma_wait3A_92 = tpu.memref_squeeze %dma_wait3A_91 : memref<1x10000xi32, #tpu.memory_space<hbm>> -> memref<10000xi32, #tpu.memory_space<hbm>>
      %dma_wait3A_93 = tpu.memref_slice %arg3[%run_scoped3A_11, %mul3A_10] : memref<2x320000xi32, #tpu.memory_space<hbm>> -> memref<1x10000xi32, #tpu.memory_space<hbm>>
      %dma_wait3A_94 = tpu.memref_squeeze %dma_wait3A_93 : memref<1x10000xi32, #tpu.memory_space<hbm>> -> memref<10000xi32, #tpu.memory_space<hbm>>
      tpu.wait_dma2 semaphore(%run_scoped3A_87 : memref<!tpu.dma_semaphore, #tpu.memory_space<semaphore_mem>>) src(%dma_wait3A_94 : memref<10000xi32, #tpu.memory_space<hbm>>) dst(%arg10 : memref<10000xi32, #tpu.memory_space<vmem>>)
      tpu.yield
    }) : () -> ()
    %barrier3A = arith.constant 0 : index
    tpu.barrier barrier_id(%barrier3A)
    %scan3A = arith.constant 0 : i32
    %scan3A_12 = arith.constant 0 : i32
    %scan3A_13 = arith.constant 25 : i32
    %scan3A_14 = arith.addi %scan3A_12, %scan3A_13 : i32
    %scan3A_15 = arith.constant 1 : i32
    %scan3A_16 = scf.for %scan3A_87 = %scan3A_12 to %scan3A_14 step %scan3A_15 iter_args(%scan3A_88 = %scan3A) -> (i32)  : i32 {
      %mul3A_89 = arith.constant 5 : i32
      %mul3A_90 = arith.muli %scan3A_87, %mul3A_89 : i32
      %add3A_91 = arith.constant 0 : i32
      %add3A_92 = arith.addi %mul3A_90, %add3A_91 : i32
      %gt3A = arith.constant 0 : i32
      %gt3A_93 = arith.cmpi sgt, %scan3A_87, %gt3A : i32
      %convert_element_type3A = arith.extui %gt3A_93 : i1 to i32
      %cond3A = arith.constant 0 : i32
      %cond3A_94 = arith.cmpi ne, %convert_element_type3A, %cond3A : i32
      scf.if %cond3A_94 {
        %dma_wait3A_361 = arith.constant 0 : i32
        %dma_wait3A_362 = arith.constant 0 : i32
        %dma_wait3A_363 = arith.constant 0 : i32
        %dma_wait3A_364 = arith.constant 0 : i32
        %dma_wait3A_365 = tpu.memref_slice %arg8[%dma_wait3A_361, %dma_wait3A_363, %dma_wait3A_364] : memref<5x80x32xf32, #tpu.memory_space<vmem>> -> memref<1x80x32xf32, #tpu.memory_space<vmem>>
        %dma_wait3A_366 = tpu.memref_squeeze %dma_wait3A_365 : memref<1x80x32xf32, #tpu.memory_space<vmem>> -> memref<80x32xf32, #tpu.memory_space<vmem>>
        %dma_wait3A_367 = arith.constant 0 : i32
        %dma_wait3A_368 = tpu.memref_slice %arg10[%dma_wait3A_367] : memref<10000xi32, #tpu.memory_space<vmem>> -> memref<80xi32, #tpu.memory_space<vmem>>
        %dma_wait3A_369 = arith.constant 0 : i32
        %dma_wait3A_370 = arith.constant 0 : i32
        %dma_wait3A_371 = tpu.memref_slice %arg6[%dma_wait3A_369, %dma_wait3A_370] : memref<10112x32xf32, #tpu.memory_space<vmem_shared>> -> memref<10112x32xf32, #tpu.memory_space<vmem_shared>>
        %dma_wait3A_372 = tpu.memref_slice %arg12[%dma_wait3A_362] : memref<5x!tpu.dma_semaphore, #tpu.memory_space<semaphore_mem>> -> memref<1x!tpu.dma_semaphore, #tpu.memory_space<semaphore_mem>>
        %dma_wait3A_373 = tpu.memref_squeeze %dma_wait3A_372 : memref<1x!tpu.dma_semaphore, #tpu.memory_space<semaphore_mem>> -> memref<!tpu.dma_semaphore, #tpu.memory_space<semaphore_mem>>
        tpu.wait_indirect_dma semaphore(%dma_wait3A_373 : memref<!tpu.dma_semaphore, #tpu.memory_space<semaphore_mem>>) src(%dma_wait3A_366 : memref<80x32xf32, #tpu.memory_space<vmem>>) dst(%dma_wait3A_371 : memref<10112x32xf32, #tpu.memory_space<vmem_shared>>)
      } else {
      }
      %mul3A_95 = arith.constant 80 : i32
      %mul3A_96 = arith.muli %add3A_92, %mul3A_95 : i32
      %dma_start3A = arith.constant 0 : i32
      %dma_start3A_97 = arith.constant 0 : i32
      %dma_start3A_98 = arith.constant 0 : i32
      %dma_start3A_99 = arith.constant 0 : i32
      %dma_start3A_100 = tpu.memref_slice %arg8[%dma_start3A, %dma_start3A_98, %dma_start3A_99] : memref<5x80x32xf32, #tpu.memory_space<vmem>> -> memref<1x80x32xf32, #tpu.memory_space<vmem>>
      %dma_start3A_101 = tpu.memref_squeeze %dma_start3A_100 : memref<1x80x32xf32, #tpu.memory_space<vmem>> -> memref<80x32xf32, #tpu.memory_space<vmem>>
      %dma_start3A_102 = tpu.memref_slice %arg9[%mul3A_96] : memref<10000xi32, #tpu.memory_space<vmem>> -> memref<80xi32, #tpu.memory_space<vmem>>
      %dma_start3A_103 = arith.constant 0 : i32
      %dma_start3A_104 = arith.constant 0 : i32
      %dma_start3A_105 = tpu.memref_slice %arg7[%dma_start3A_103, %dma_start3A_104] : memref<10000x32xf32, #tpu.memory_space<vmem_shared>> -> memref<10000x32xf32, #tpu.memory_space<vmem_shared>>
      %dma_start3A_106 = tpu.memref_slice %arg11[%dma_start3A_97] : memref<5x!tpu.dma_semaphore, #tpu.memory_space<semaphore_mem>> -> memref<1x!tpu.dma_semaphore, #tpu.memory_space<semaphore_mem>>
      %dma_start3A_107 = tpu.memref_squeeze %dma_start3A_106 : memref<1x!tpu.dma_semaphore, #tpu.memory_space<semaphore_mem>> -> memref<!tpu.dma_semaphore, #tpu.memory_space<semaphore_mem>>
      tpu.enqueue_indirect_dma source(%dma_start3A_105 : memref<10000x32xf32, #tpu.memory_space<vmem_shared>>) target(%dma_start3A_101 : memref<80x32xf32, #tpu.memory_space<vmem>>) offsets(%dma_start3A_102 : memref<80xi32, #tpu.memory_space<vmem>>) semaphore(%dma_start3A_107 : memref<!tpu.dma_semaphore, #tpu.memory_space<semaphore_mem>>)
      %mul3A_108 = arith.constant 5 : i32
      %mul3A_109 = arith.muli %scan3A_87, %mul3A_108 : i32
      %add3A_110 = arith.constant 1 : i32
      %add3A_111 = arith.addi %mul3A_109, %add3A_110 : i32
      %gt3A_112 = arith.constant 0 : i32
      %gt3A_113 = arith.cmpi sgt, %scan3A_87, %gt3A_112 : i32
      %convert_element_type3A_114 = arith.extui %gt3A_113 : i1 to i32
      %cond3A_115 = arith.constant 0 : i32
      %cond3A_116 = arith.cmpi ne, %convert_element_type3A_114, %cond3A_115 : i32
      scf.if %cond3A_116 {
        %dma_wait3A_361 = arith.constant 1 : i32
        %dma_wait3A_362 = arith.constant 1 : i32
        %dma_wait3A_363 = arith.constant 0 : i32
        %dma_wait3A_364 = arith.constant 0 : i32
        %dma_wait3A_365 = tpu.memref_slice %arg8[%dma_wait3A_361, %dma_wait3A_363, %dma_wait3A_364] : memref<5x80x32xf32, #tpu.memory_space<vmem>> -> memref<1x80x32xf32, #tpu.memory_space<vmem>>
        %dma_wait3A_366 = tpu.memref_squeeze %dma_wait3A_365 : memref<1x80x32xf32, #tpu.memory_space<vmem>> -> memref<80x32xf32, #tpu.memory_space<vmem>>
        %dma_wait3A_367 = arith.constant 0 : i32
        %dma_wait3A_368 = tpu.memref_slice %arg10[%dma_wait3A_367] : memref<10000xi32, #tpu.memory_space<vmem>> -> memref<80xi32, #tpu.memory_space<vmem>>
        %dma_wait3A_369 = arith.constant 0 : i32
        %dma_wait3A_370 = arith.constant 0 : i32
        %dma_wait3A_371 = tpu.memref_slice %arg6[%dma_wait3A_369, %dma_wait3A_370] : memref<10112x32xf32, #tpu.memory_space<vmem_shared>> -> memref<10112x32xf32, #tpu.memory_space<vmem_shared>>
        %dma_wait3A_372 = tpu.memref_slice %arg12[%dma_wait3A_362] : memref<5x!tpu.dma_semaphore, #tpu.memory_space<semaphore_mem>> -> memref<1x!tpu.dma_semaphore, #tpu.memory_space<semaphore_mem>>
        %dma_wait3A_373 = tpu.memref_squeeze %dma_wait3A_372 : memref<1x!tpu.dma_semaphore, #tpu.memory_space<semaphore_mem>> -> memref<!tpu.dma_semaphore, #tpu.memory_space<semaphore_mem>>
        tpu.wait_indirect_dma semaphore(%dma_wait3A_373 : memref<!tpu.dma_semaphore, #tpu.memory_space<semaphore_mem>>) src(%dma_wait3A_366 : memref<80x32xf32, #tpu.memory_space<vmem>>) dst(%dma_wait3A_371 : memref<10112x32xf32, #tpu.memory_space<vmem_shared>>)
      } else {
      }
      %mul3A_117 = arith.constant 80 : i32
      %mul3A_118 = arith.muli %add3A_111, %mul3A_117 : i32
      %dma_start3A_119 = arith.constant 1 : i32
      %dma_start3A_120 = arith.constant 1 : i32
      %dma_start3A_121 = arith.constant 0 : i32
      %dma_start3A_122 = arith.constant 0 : i32
      %dma_start3A_123 = tpu.memref_slice %arg8[%dma_start3A_119, %dma_start3A_121, %dma_start3A_122] : memref<5x80x32xf32, #tpu.memory_space<vmem>> -> memref<1x80x32xf32, #tpu.memory_space<vmem>>
      %dma_start3A_124 = tpu.memref_squeeze %dma_start3A_123 : memref<1x80x32xf32, #tpu.memory_space<vmem>> -> memref<80x32xf32, #tpu.memory_space<vmem>>
      %dma_start3A_125 = tpu.memref_slice %arg9[%mul3A_118] : memref<10000xi32, #tpu.memory_space<vmem>> -> memref<80xi32, #tpu.memory_space<vmem>>
      %dma_start3A_126 = arith.constant 0 : i32
      %dma_start3A_127 = arith.constant 0 : i32
      %dma_start3A_128 = tpu.memref_slice %arg7[%dma_start3A_126, %dma_start3A_127] : memref<10000x32xf32, #tpu.memory_space<vmem_shared>> -> memref<10000x32xf32, #tpu.memory_space<vmem_shared>>
      %dma_start3A_129 = tpu.memref_slice %arg11[%dma_start3A_120] : memref<5x!tpu.dma_semaphore, #tpu.memory_space<semaphore_mem>> -> memref<1x!tpu.dma_semaphore, #tpu.memory_space<semaphore_mem>>
      %dma_start3A_130 = tpu.memref_squeeze %dma_start3A_129 : memref<1x!tpu.dma_semaphore, #tpu.memory_space<semaphore_mem>> -> memref<!tpu.dma_semaphore, #tpu.memory_space<semaphore_mem>>
      tpu.enqueue_indirect_dma source(%dma_start3A_128 : memref<10000x32xf32, #tpu.memory_space<vmem_shared>>) target(%dma_start3A_124 : memref<80x32xf32, #tpu.memory_space<vmem>>) offsets(%dma_start3A_125 : memref<80xi32, #tpu.memory_space<vmem>>) semaphore(%dma_start3A_130 : memref<!tpu.dma_semaphore, #tpu.memory_space<semaphore_mem>>)
      %mul3A_131 = arith.constant 5 : i32
      %mul3A_132 = arith.muli %scan3A_87, %mul3A_131 : i32
      %add3A_133 = arith.constant 2 : i32
      %add3A_134 = arith.addi %mul3A_132, %add3A_133 : i32
      %gt3A_135 = arith.constant 0 : i32
      %gt3A_136 = arith.cmpi sgt, %scan3A_87, %gt3A_135 : i32
      %convert_element_type3A_137 = arith.extui %gt3A_136 : i1 to i32
      %cond3A_138 = arith.constant 0 : i32
      %cond3A_139 = arith.cmpi ne, %convert_element_type3A_137, %cond3A_138 : i32
      scf.if %cond3A_139 {
        %dma_wait3A_361 = arith.constant 2 : i32
        %dma_wait3A_362 = arith.constant 2 : i32
        %dma_wait3A_363 = arith.constant 0 : i32
        %dma_wait3A_364 = arith.constant 0 : i32
        %dma_wait3A_365 = tpu.memref_slice %arg8[%dma_wait3A_361, %dma_wait3A_363, %dma_wait3A_364] : memref<5x80x32xf32, #tpu.memory_space<vmem>> -> memref<1x80x32xf32, #tpu.memory_space<vmem>>
        %dma_wait3A_366 = tpu.memref_squeeze %dma_wait3A_365 : memref<1x80x32xf32, #tpu.memory_space<vmem>> -> memref<80x32xf32, #tpu.memory_space<vmem>>
        %dma_wait3A_367 = arith.constant 0 : i32
        %dma_wait3A_368 = tpu.memref_slice %arg10[%dma_wait3A_367] : memref<10000xi32, #tpu.memory_space<vmem>> -> memref<80xi32, #tpu.memory_space<vmem>>
        %dma_wait3A_369 = arith.constant 0 : i32
        %dma_wait3A_370 = arith.constant 0 : i32
        %dma_wait3A_371 = tpu.memref_slice %arg6[%dma_wait3A_369, %dma_wait3A_370] : memref<10112x32xf32, #tpu.memory_space<vmem_shared>> -> memref<10112x32xf32, #tpu.memory_space<vmem_shared>>
        %dma_wait3A_372 = tpu.memref_slice %arg12[%dma_wait3A_362] : memref<5x!tpu.dma_semaphore, #tpu.memory_space<semaphore_mem>> -> memref<1x!tpu.dma_semaphore, #tpu.memory_space<semaphore_mem>>
        %dma_wait3A_373 = tpu.memref_squeeze %dma_wait3A_372 : memref<1x!tpu.dma_semaphore, #tpu.memory_space<semaphore_mem>> -> memref<!tpu.dma_semaphore, #tpu.memory_space<semaphore_mem>>
        tpu.wait_indirect_dma semaphore(%dma_wait3A_373 : memref<!tpu.dma_semaphore, #tpu.memory_space<semaphore_mem>>) src(%dma_wait3A_366 : memref<80x32xf32, #tpu.memory_space<vmem>>) dst(%dma_wait3A_371 : memref<10112x32xf32, #tpu.memory_space<vmem_shared>>)
      } else {
      }
      %mul3A_140 = arith.constant 80 : i32
      %mul3A_141 = arith.muli %add3A_134, %mul3A_140 : i32
      %dma_start3A_142 = arith.constant 2 : i32
      %dma_start3A_143 = arith.constant 2 : i32
      %dma_start3A_144 = arith.constant 0 : i32
      %dma_start3A_145 = arith.constant 0 : i32
      %dma_start3A_146 = tpu.memref_slice %arg8[%dma_start3A_142, %dma_start3A_144, %dma_start3A_145] : memref<5x80x32xf32, #tpu.memory_space<vmem>> -> memref<1x80x32xf32, #tpu.memory_space<vmem>>
      %dma_start3A_147 = tpu.memref_squeeze %dma_start3A_146 : memref<1x80x32xf32, #tpu.memory_space<vmem>> -> memref<80x32xf32, #tpu.memory_space<vmem>>
      %dma_start3A_148 = tpu.memref_slice %arg9[%mul3A_141] : memref<10000xi32, #tpu.memory_space<vmem>> -> memref<80xi32, #tpu.memory_space<vmem>>
      %dma_start3A_149 = arith.constant 0 : i32
      %dma_start3A_150 = arith.constant 0 : i32
      %dma_start3A_151 = tpu.memref_slice %arg7[%dma_start3A_149, %dma_start3A_150] : memref<10000x32xf32, #tpu.memory_space<vmem_shared>> -> memref<10000x32xf32, #tpu.memory_space<vmem_shared>>
      %dma_start3A_152 = tpu.memref_slice %arg11[%dma_start3A_143] : memref<5x!tpu.dma_semaphore, #tpu.memory_space<semaphore_mem>> -> memref<1x!tpu.dma_semaphore, #tpu.memory_space<semaphore_mem>>
      %dma_start3A_153 = tpu.memref_squeeze %dma_start3A_152 : memref<1x!tpu.dma_semaphore, #tpu.memory_space<semaphore_mem>> -> memref<!tpu.dma_semaphore, #tpu.memory_space<semaphore_mem>>
      tpu.enqueue_indirect_dma source(%dma_start3A_151 : memref<10000x32xf32, #tpu.memory_space<vmem_shared>>) target(%dma_start3A_147 : memref<80x32xf32, #tpu.memory_space<vmem>>) offsets(%dma_start3A_148 : memref<80xi32, #tpu.memory_space<vmem>>) semaphore(%dma_start3A_153 : memref<!tpu.dma_semaphore, #tpu.memory_space<semaphore_mem>>)
      %mul3A_154 = arith.constant 5 : i32
      %mul3A_155 = arith.muli %scan3A_87, %mul3A_154 : i32
      %add3A_156 = arith.constant 3 : i32
      %add3A_157 = arith.addi %mul3A_155, %add3A_156 : i32
      %gt3A_158 = arith.constant 0 : i32
      %gt3A_159 = arith.cmpi sgt, %scan3A_87, %gt3A_158 : i32
      %convert_element_type3A_160 = arith.extui %gt3A_159 : i1 to i32
      %cond3A_161 = arith.constant 0 : i32
      %cond3A_162 = arith.cmpi ne, %convert_element_type3A_160, %cond3A_161 : i32
      scf.if %cond3A_162 {
        %dma_wait3A_361 = arith.constant 3 : i32
        %dma_wait3A_362 = arith.constant 3 : i32
        %dma_wait3A_363 = arith.constant 0 : i32
        %dma_wait3A_364 = arith.constant 0 : i32
        %dma_wait3A_365 = tpu.memref_slice %arg8[%dma_wait3A_361, %dma_wait3A_363, %dma_wait3A_364] : memref<5x80x32xf32, #tpu.memory_space<vmem>> -> memref<1x80x32xf32, #tpu.memory_space<vmem>>
        %dma_wait3A_366 = tpu.memref_squeeze %dma_wait3A_365 : memref<1x80x32xf32, #tpu.memory_space<vmem>> -> memref<80x32xf32, #tpu.memory_space<vmem>>
        %dma_wait3A_367 = arith.constant 0 : i32
        %dma_wait3A_368 = tpu.memref_slice %arg10[%dma_wait3A_367] : memref<10000xi32, #tpu.memory_space<vmem>> -> memref<80xi32, #tpu.memory_space<vmem>>
        %dma_wait3A_369 = arith.constant 0 : i32
        %dma_wait3A_370 = arith.constant 0 : i32
        %dma_wait3A_371 = tpu.memref_slice %arg6[%dma_wait3A_369, %dma_wait3A_370] : memref<10112x32xf32, #tpu.memory_space<vmem_shared>> -> memref<10112x32xf32, #tpu.memory_space<vmem_shared>>
        %dma_wait3A_372 = tpu.memref_slice %arg12[%dma_wait3A_362] : memref<5x!tpu.dma_semaphore, #tpu.memory_space<semaphore_mem>> -> memref<1x!tpu.dma_semaphore, #tpu.memory_space<semaphore_mem>>
        %dma_wait3A_373 = tpu.memref_squeeze %dma_wait3A_372 : memref<1x!tpu.dma_semaphore, #tpu.memory_space<semaphore_mem>> -> memref<!tpu.dma_semaphore, #tpu.memory_space<semaphore_mem>>
        tpu.wait_indirect_dma semaphore(%dma_wait3A_373 : memref<!tpu.dma_semaphore, #tpu.memory_space<semaphore_mem>>) src(%dma_wait3A_366 : memref<80x32xf32, #tpu.memory_space<vmem>>) dst(%dma_wait3A_371 : memref<10112x32xf32, #tpu.memory_space<vmem_shared>>)
      } else {
      }
      %mul3A_163 = arith.constant 80 : i32
      %mul3A_164 = arith.muli %add3A_157, %mul3A_163 : i32
      %dma_start3A_165 = arith.constant 3 : i32
      %dma_start3A_166 = arith.constant 3 : i32
      %dma_start3A_167 = arith.constant 0 : i32
      %dma_start3A_168 = arith.constant 0 : i32
      %dma_start3A_169 = tpu.memref_slice %arg8[%dma_start3A_165, %dma_start3A_167, %dma_start3A_168] : memref<5x80x32xf32, #tpu.memory_space<vmem>> -> memref<1x80x32xf32, #tpu.memory_space<vmem>>
      %dma_start3A_170 = tpu.memref_squeeze %dma_start3A_169 : memref<1x80x32xf32, #tpu.memory_space<vmem>> -> memref<80x32xf32, #tpu.memory_space<vmem>>
      %dma_start3A_171 = tpu.memref_slice %arg9[%mul3A_164] : memref<10000xi32, #tpu.memory_space<vmem>> -> memref<80xi32, #tpu.memory_space<vmem>>
      %dma_start3A_172 = arith.constant 0 : i32
      %dma_start3A_173 = arith.constant 0 : i32
      %dma_start3A_174 = tpu.memref_slice %arg7[%dma_start3A_172, %dma_start3A_173] : memref<10000x32xf32, #tpu.memory_space<vmem_shared>> -> memref<10000x32xf32, #tpu.memory_space<vmem_shared>>
      %dma_start3A_175 = tpu.memref_slice %arg11[%dma_start3A_166] : memref<5x!tpu.dma_semaphore, #tpu.memory_space<semaphore_mem>> -> memref<1x!tpu.dma_semaphore, #tpu.memory_space<semaphore_mem>>
      %dma_start3A_176 = tpu.memref_squeeze %dma_start3A_175 : memref<1x!tpu.dma_semaphore, #tpu.memory_space<semaphore_mem>> -> memref<!tpu.dma_semaphore, #tpu.memory_space<semaphore_mem>>
      tpu.enqueue_indirect_dma source(%dma_start3A_174 : memref<10000x32xf32, #tpu.memory_space<vmem_shared>>) target(%dma_start3A_170 : memref<80x32xf32, #tpu.memory_space<vmem>>) offsets(%dma_start3A_171 : memref<80xi32, #tpu.memory_space<vmem>>) semaphore(%dma_start3A_176 : memref<!tpu.dma_semaphore, #tpu.memory_space<semaphore_mem>>)
      %mul3A_177 = arith.constant 5 : i32
      %mul3A_178 = arith.muli %scan3A_87, %mul3A_177 : i32
      %add3A_179 = arith.constant 4 : i32
      %add3A_180 = arith.addi %mul3A_178, %add3A_179 : i32
      %gt3A_181 = arith.constant 0 : i32
      %gt3A_182 = arith.cmpi sgt, %scan3A_87, %gt3A_181 : i32
      %convert_element_type3A_183 = arith.extui %gt3A_182 : i1 to i32
      %cond3A_184 = arith.constant 0 : i32
      %cond3A_185 = arith.cmpi ne, %convert_element_type3A_183, %cond3A_184 : i32
      scf.if %cond3A_185 {
        %dma_wait3A_361 = arith.constant 4 : i32
        %dma_wait3A_362 = arith.constant 4 : i32
        %dma_wait3A_363 = arith.constant 0 : i32
        %dma_wait3A_364 = arith.constant 0 : i32
        %dma_wait3A_365 = tpu.memref_slice %arg8[%dma_wait3A_361, %dma_wait3A_363, %dma_wait3A_364] : memref<5x80x32xf32, #tpu.memory_space<vmem>> -> memref<1x80x32xf32, #tpu.memory_space<vmem>>
        %dma_wait3A_366 = tpu.memref_squeeze %dma_wait3A_365 : memref<1x80x32xf32, #tpu.memory_space<vmem>> -> memref<80x32xf32, #tpu.memory_space<vmem>>
        %dma_wait3A_367 = arith.constant 0 : i32
        %dma_wait3A_368 = tpu.memref_slice %arg10[%dma_wait3A_367] : memref<10000xi32, #tpu.memory_space<vmem>> -> memref<80xi32, #tpu.memory_space<vmem>>
        %dma_wait3A_369 = arith.constant 0 : i32
        %dma_wait3A_370 = arith.constant 0 : i32
        %dma_wait3A_371 = tpu.memref_slice %arg6[%dma_wait3A_369, %dma_wait3A_370] : memref<10112x32xf32, #tpu.memory_space<vmem_shared>> -> memref<10112x32xf32, #tpu.memory_space<vmem_shared>>
        %dma_wait3A_372 = tpu.memref_slice %arg12[%dma_wait3A_362] : memref<5x!tpu.dma_semaphore, #tpu.memory_space<semaphore_mem>> -> memref<1x!tpu.dma_semaphore, #tpu.memory_space<semaphore_mem>>
        %dma_wait3A_373 = tpu.memref_squeeze %dma_wait3A_372 : memref<1x!tpu.dma_semaphore, #tpu.memory_space<semaphore_mem>> -> memref<!tpu.dma_semaphore, #tpu.memory_space<semaphore_mem>>
        tpu.wait_indirect_dma semaphore(%dma_wait3A_373 : memref<!tpu.dma_semaphore, #tpu.memory_space<semaphore_mem>>) src(%dma_wait3A_366 : memref<80x32xf32, #tpu.memory_space<vmem>>) dst(%dma_wait3A_371 : memref<10112x32xf32, #tpu.memory_space<vmem_shared>>)
      } else {
      }
      %mul3A_186 = arith.constant 80 : i32
      %mul3A_187 = arith.muli %add3A_180, %mul3A_186 : i32
      %dma_start3A_188 = arith.constant 4 : i32
      %dma_start3A_189 = arith.constant 4 : i32
      %dma_start3A_190 = arith.constant 0 : i32
      %dma_start3A_191 = arith.constant 0 : i32
      %dma_start3A_192 = tpu.memref_slice %arg8[%dma_start3A_188, %dma_start3A_190, %dma_start3A_191] : memref<5x80x32xf32, #tpu.memory_space<vmem>> -> memref<1x80x32xf32, #tpu.memory_space<vmem>>
      %dma_start3A_193 = tpu.memref_squeeze %dma_start3A_192 : memref<1x80x32xf32, #tpu.memory_space<vmem>> -> memref<80x32xf32, #tpu.memory_space<vmem>>
      %dma_start3A_194 = tpu.memref_slice %arg9[%mul3A_187] : memref<10000xi32, #tpu.memory_space<vmem>> -> memref<80xi32, #tpu.memory_space<vmem>>
      %dma_start3A_195 = arith.constant 0 : i32
      %dma_start3A_196 = arith.constant 0 : i32
      %dma_start3A_197 = tpu.memref_slice %arg7[%dma_start3A_195, %dma_start3A_196] : memref<10000x32xf32, #tpu.memory_space<vmem_shared>> -> memref<10000x32xf32, #tpu.memory_space<vmem_shared>>
      %dma_start3A_198 = tpu.memref_slice %arg11[%dma_start3A_189] : memref<5x!tpu.dma_semaphore, #tpu.memory_space<semaphore_mem>> -> memref<1x!tpu.dma_semaphore, #tpu.memory_space<semaphore_mem>>
      %dma_start3A_199 = tpu.memref_squeeze %dma_start3A_198 : memref<1x!tpu.dma_semaphore, #tpu.memory_space<semaphore_mem>> -> memref<!tpu.dma_semaphore, #tpu.memory_space<semaphore_mem>>
      tpu.enqueue_indirect_dma source(%dma_start3A_197 : memref<10000x32xf32, #tpu.memory_space<vmem_shared>>) target(%dma_start3A_193 : memref<80x32xf32, #tpu.memory_space<vmem>>) offsets(%dma_start3A_194 : memref<80xi32, #tpu.memory_space<vmem>>) semaphore(%dma_start3A_199 : memref<!tpu.dma_semaphore, #tpu.memory_space<semaphore_mem>>)
      %mul3A_200 = arith.constant 5 : i32
      %mul3A_201 = arith.muli %scan3A_87, %mul3A_200 : i32
      %add3A_202 = arith.constant 0 : i32
      %add3A_203 = arith.addi %mul3A_201, %add3A_202 : i32
      %mul3A_204 = arith.constant 80 : i32
      %mul3A_205 = arith.muli %add3A_203, %mul3A_204 : i32
      %dma_wait3A_206 = arith.constant 0 : i32
      %dma_wait3A_207 = arith.constant 0 : i32
      %dma_wait3A_208 = arith.constant 0 : i32
      %dma_wait3A_209 = arith.constant 0 : i32
      %dma_wait3A_210 = tpu.memref_slice %arg8[%dma_wait3A_206, %dma_wait3A_208, %dma_wait3A_209] : memref<5x80x32xf32, #tpu.memory_space<vmem>> -> memref<1x80x32xf32, #tpu.memory_space<vmem>>
      %dma_wait3A_211 = tpu.memref_squeeze %dma_wait3A_210 : memref<1x80x32xf32, #tpu.memory_space<vmem>> -> memref<80x32xf32, #tpu.memory_space<vmem>>
      %dma_wait3A_212 = tpu.memref_slice %arg9[%mul3A_205] : memref<10000xi32, #tpu.memory_space<vmem>> -> memref<80xi32, #tpu.memory_space<vmem>>
      %dma_wait3A_213 = arith.constant 0 : i32
      %dma_wait3A_214 = arith.constant 0 : i32
      %dma_wait3A_215 = tpu.memref_slice %arg7[%dma_wait3A_213, %dma_wait3A_214] : memref<10000x32xf32, #tpu.memory_space<vmem_shared>> -> memref<10000x32xf32, #tpu.memory_space<vmem_shared>>
      %dma_wait3A_216 = tpu.memref_slice %arg11[%dma_wait3A_207] : memref<5x!tpu.dma_semaphore, #tpu.memory_space<semaphore_mem>> -> memref<1x!tpu.dma_semaphore, #tpu.memory_space<semaphore_mem>>
      %dma_wait3A_217 = tpu.memref_squeeze %dma_wait3A_216 : memref<1x!tpu.dma_semaphore, #tpu.memory_space<semaphore_mem>> -> memref<!tpu.dma_semaphore, #tpu.memory_space<semaphore_mem>>
      tpu.wait_indirect_dma semaphore(%dma_wait3A_217 : memref<!tpu.dma_semaphore, #tpu.memory_space<semaphore_mem>>) src(%dma_wait3A_215 : memref<10000x32xf32, #tpu.memory_space<vmem_shared>>) dst(%dma_wait3A_211 : memref<80x32xf32, #tpu.memory_space<vmem>>)
      %mul3A_218 = arith.constant 80 : i32
      %mul3A_219 = arith.muli %add3A_203, %mul3A_218 : i32
      %dma_start3A_220 = arith.constant 0 : i32
      %dma_start3A_221 = arith.constant 0 : i32
      %dma_start3A_222 = arith.constant 0 : i32
      %dma_start3A_223 = arith.constant 0 : i32
      %dma_start3A_224 = tpu.memref_slice %arg8[%dma_start3A_220, %dma_start3A_222, %dma_start3A_223] : memref<5x80x32xf32, #tpu.memory_space<vmem>> -> memref<1x80x32xf32, #tpu.memory_space<vmem>>
      %dma_start3A_225 = tpu.memref_squeeze %dma_start3A_224 : memref<1x80x32xf32, #tpu.memory_space<vmem>> -> memref<80x32xf32, #tpu.memory_space<vmem>>
      %dma_start3A_226 = tpu.memref_slice %arg10[%mul3A_219] : memref<10000xi32, #tpu.memory_space<vmem>> -> memref<80xi32, #tpu.memory_space<vmem>>
      %dma_start3A_227 = arith.constant 0 : i32
      %dma_start3A_228 = arith.constant 0 : i32
      %dma_start3A_229 = tpu.memref_slice %arg6[%dma_start3A_227, %dma_start3A_228] : memref<10112x32xf32, #tpu.memory_space<vmem_shared>> -> memref<10112x32xf32, #tpu.memory_space<vmem_shared>>
      %dma_start3A_230 = tpu.memref_slice %arg12[%dma_start3A_221] : memref<5x!tpu.dma_semaphore, #tpu.memory_space<semaphore_mem>> -> memref<1x!tpu.dma_semaphore, #tpu.memory_space<semaphore_mem>>
      %dma_start3A_231 = tpu.memref_squeeze %dma_start3A_230 : memref<1x!tpu.dma_semaphore, #tpu.memory_space<semaphore_mem>> -> memref<!tpu.dma_semaphore, #tpu.memory_space<semaphore_mem>>
      tpu.enqueue_indirect_dma source(%dma_start3A_225 : memref<80x32xf32, #tpu.memory_space<vmem>>) target(%dma_start3A_229 : memref<10112x32xf32, #tpu.memory_space<vmem_shared>>) offsets(%dma_start3A_226 : memref<80xi32, #tpu.memory_space<vmem>>) semaphore(%dma_start3A_231 : memref<!tpu.dma_semaphore, #tpu.memory_space<semaphore_mem>>) {add = true}
      %mul3A_232 = arith.constant 5 : i32
      %mul3A_233 = arith.muli %scan3A_87, %mul3A_232 : i32
      %add3A_234 = arith.constant 1 : i32
      %add3A_235 = arith.addi %mul3A_233, %add3A_234 : i32
      %mul3A_236 = arith.constant 80 : i32
      %mul3A_237 = arith.muli %add3A_235, %mul3A_236 : i32
      %dma_wait3A_238 = arith.constant 1 : i32
      %dma_wait3A_239 = arith.constant 1 : i32
      %dma_wait3A_240 = arith.constant 0 : i32
      %dma_wait3A_241 = arith.constant 0 : i32
      %dma_wait3A_242 = tpu.memref_slice %arg8[%dma_wait3A_238, %dma_wait3A_240, %dma_wait3A_241] : memref<5x80x32xf32, #tpu.memory_space<vmem>> -> memref<1x80x32xf32, #tpu.memory_space<vmem>>
      %dma_wait3A_243 = tpu.memref_squeeze %dma_wait3A_242 : memref<1x80x32xf32, #tpu.memory_space<vmem>> -> memref<80x32xf32, #tpu.memory_space<vmem>>
      %dma_wait3A_244 = tpu.memref_slice %arg9[%mul3A_237] : memref<10000xi32, #tpu.memory_space<vmem>> -> memref<80xi32, #tpu.memory_space<vmem>>
      %dma_wait3A_245 = arith.constant 0 : i32
      %dma_wait3A_246 = arith.constant 0 : i32
      %dma_wait3A_247 = tpu.memref_slice %arg7[%dma_wait3A_245, %dma_wait3A_246] : memref<10000x32xf32, #tpu.memory_space<vmem_shared>> -> memref<10000x32xf32, #tpu.memory_space<vmem_shared>>
      %dma_wait3A_248 = tpu.memref_slice %arg11[%dma_wait3A_239] : memref<5x!tpu.dma_semaphore, #tpu.memory_space<semaphore_mem>> -> memref<1x!tpu.dma_semaphore, #tpu.memory_space<semaphore_mem>>
      %dma_wait3A_249 = tpu.memref_squeeze %dma_wait3A_248 : memref<1x!tpu.dma_semaphore, #tpu.memory_space<semaphore_mem>> -> memref<!tpu.dma_semaphore, #tpu.memory_space<semaphore_mem>>
      tpu.wait_indirect_dma semaphore(%dma_wait3A_249 : memref<!tpu.dma_semaphore, #tpu.memory_space<semaphore_mem>>) src(%dma_wait3A_247 : memref<10000x32xf32, #tpu.memory_space<vmem_shared>>) dst(%dma_wait3A_243 : memref<80x32xf32, #tpu.memory_space<vmem>>)
      %mul3A_250 = arith.constant 80 : i32
      %mul3A_251 = arith.muli %add3A_235, %mul3A_250 : i32
      %dma_start3A_252 = arith.constant 1 : i32
      %dma_start3A_253 = arith.constant 1 : i32
      %dma_start3A_254 = arith.constant 0 : i32
      %dma_start3A_255 = arith.constant 0 : i32
      %dma_start3A_256 = tpu.memref_slice %arg8[%dma_start3A_252, %dma_start3A_254, %dma_start3A_255] : memref<5x80x32xf32, #tpu.memory_space<vmem>> -> memref<1x80x32xf32, #tpu.memory_space<vmem>>
      %dma_start3A_257 = tpu.memref_squeeze %dma_start3A_256 : memref<1x80x32xf32, #tpu.memory_space<vmem>> -> memref<80x32xf32, #tpu.memory_space<vmem>>
      %dma_start3A_258 = tpu.memref_slice %arg10[%mul3A_251] : memref<10000xi32, #tpu.memory_space<vmem>> -> memref<80xi32, #tpu.memory_space<vmem>>
      %dma_start3A_259 = arith.constant 0 : i32
      %dma_start3A_260 = arith.constant 0 : i32
      %dma_start3A_261 = tpu.memref_slice %arg6[%dma_start3A_259, %dma_start3A_260] : memref<10112x32xf32, #tpu.memory_space<vmem_shared>> -> memref<10112x32xf32, #tpu.memory_space<vmem_shared>>
      %dma_start3A_262 = tpu.memref_slice %arg12[%dma_start3A_253] : memref<5x!tpu.dma_semaphore, #tpu.memory_space<semaphore_mem>> -> memref<1x!tpu.dma_semaphore, #tpu.memory_space<semaphore_mem>>
      %dma_start3A_263 = tpu.memref_squeeze %dma_start3A_262 : memref<1x!tpu.dma_semaphore, #tpu.memory_space<semaphore_mem>> -> memref<!tpu.dma_semaphore, #tpu.memory_space<semaphore_mem>>
      tpu.enqueue_indirect_dma source(%dma_start3A_257 : memref<80x32xf32, #tpu.memory_space<vmem>>) target(%dma_start3A_261 : memref<10112x32xf32, #tpu.memory_space<vmem_shared>>) offsets(%dma_start3A_258 : memref<80xi32, #tpu.memory_space<vmem>>) semaphore(%dma_start3A_263 : memref<!tpu.dma_semaphore, #tpu.memory_space<semaphore_mem>>) {add = true}
      %mul3A_264 = arith.constant 5 : i32
      %mul3A_265 = arith.muli %scan3A_87, %mul3A_264 : i32
      %add3A_266 = arith.constant 2 : i32
      %add3A_267 = arith.addi %mul3A_265, %add3A_266 : i32
      %mul3A_268 = arith.constant 80 : i32
      %mul3A_269 = arith.muli %add3A_267, %mul3A_268 : i32
      %dma_wait3A_270 = arith.constant 2 : i32
      %dma_wait3A_271 = arith.constant 2 : i32
      %dma_wait3A_272 = arith.constant 0 : i32
      %dma_wait3A_273 = arith.constant 0 : i32
      %dma_wait3A_274 = tpu.memref_slice %arg8[%dma_wait3A_270, %dma_wait3A_272, %dma_wait3A_273] : memref<5x80x32xf32, #tpu.memory_space<vmem>> -> memref<1x80x32xf32, #tpu.memory_space<vmem>>
      %dma_wait3A_275 = tpu.memref_squeeze %dma_wait3A_274 : memref<1x80x32xf32, #tpu.memory_space<vmem>> -> memref<80x32xf32, #tpu.memory_space<vmem>>
      %dma_wait3A_276 = tpu.memref_slice %arg9[%mul3A_269] : memref<10000xi32, #tpu.memory_space<vmem>> -> memref<80xi32, #tpu.memory_space<vmem>>
      %dma_wait3A_277 = arith.constant 0 : i32
      %dma_wait3A_278 = arith.constant 0 : i32
      %dma_wait3A_279 = tpu.memref_slice %arg7[%dma_wait3A_277, %dma_wait3A_278] : memref<10000x32xf32, #tpu.memory_space<vmem_shared>> -> memref<10000x32xf32, #tpu.memory_space<vmem_shared>>
      %dma_wait3A_280 = tpu.memref_slice %arg11[%dma_wait3A_271] : memref<5x!tpu.dma_semaphore, #tpu.memory_space<semaphore_mem>> -> memref<1x!tpu.dma_semaphore, #tpu.memory_space<semaphore_mem>>
      %dma_wait3A_281 = tpu.memref_squeeze %dma_wait3A_280 : memref<1x!tpu.dma_semaphore, #tpu.memory_space<semaphore_mem>> -> memref<!tpu.dma_semaphore, #tpu.memory_space<semaphore_mem>>
      tpu.wait_indirect_dma semaphore(%dma_wait3A_281 : memref<!tpu.dma_semaphore, #tpu.memory_space<semaphore_mem>>) src(%dma_wait3A_279 : memref<10000x32xf32, #tpu.memory_space<vmem_shared>>) dst(%dma_wait3A_275 : memref<80x32xf32, #tpu.memory_space<vmem>>)
      %mul3A_282 = arith.constant 80 : i32
      %mul3A_283 = arith.muli %add3A_267, %mul3A_282 : i32
      %dma_start3A_284 = arith.constant 2 : i32
      %dma_start3A_285 = arith.constant 2 : i32
      %dma_start3A_286 = arith.constant 0 : i32
      %dma_start3A_287 = arith.constant 0 : i32
      %dma_start3A_288 = tpu.memref_slice %arg8[%dma_start3A_284, %dma_start3A_286, %dma_start3A_287] : memref<5x80x32xf32, #tpu.memory_space<vmem>> -> memref<1x80x32xf32, #tpu.memory_space<vmem>>
      %dma_start3A_289 = tpu.memref_squeeze %dma_start3A_288 : memref<1x80x32xf32, #tpu.memory_space<vmem>> -> memref<80x32xf32, #tpu.memory_space<vmem>>
      %dma_start3A_290 = tpu.memref_slice %arg10[%mul3A_283] : memref<10000xi32, #tpu.memory_space<vmem>> -> memref<80xi32, #tpu.memory_space<vmem>>
      %dma_start3A_291 = arith.constant 0 : i32
      %dma_start3A_292 = arith.constant 0 : i32
      %dma_start3A_293 = tpu.memref_slice %arg6[%dma_start3A_291, %dma_start3A_292] : memref<10112x32xf32, #tpu.memory_space<vmem_shared>> -> memref<10112x32xf32, #tpu.memory_space<vmem_shared>>
      %dma_start3A_294 = tpu.memref_slice %arg12[%dma_start3A_285] : memref<5x!tpu.dma_semaphore, #tpu.memory_space<semaphore_mem>> -> memref<1x!tpu.dma_semaphore, #tpu.memory_space<semaphore_mem>>
      %dma_start3A_295 = tpu.memref_squeeze %dma_start3A_294 : memref<1x!tpu.dma_semaphore, #tpu.memory_space<semaphore_mem>> -> memref<!tpu.dma_semaphore, #tpu.memory_space<semaphore_mem>>
      tpu.enqueue_indirect_dma source(%dma_start3A_289 : memref<80x32xf32, #tpu.memory_space<vmem>>) target(%dma_start3A_293 : memref<10112x32xf32, #tpu.memory_space<vmem_shared>>) offsets(%dma_start3A_290 : memref<80xi32, #tpu.memory_space<vmem>>) semaphore(%dma_start3A_295 : memref<!tpu.dma_semaphore, #tpu.memory_space<semaphore_mem>>) {add = true}
      %mul3A_296 = arith.constant 5 : i32
      %mul3A_297 = arith.muli %scan3A_87, %mul3A_296 : i32
      %add3A_298 = arith.constant 3 : i32
      %add3A_299 = arith.addi %mul3A_297, %add3A_298 : i32
      %mul3A_300 = arith.constant 80 : i32
      %mul3A_301 = arith.muli %add3A_299, %mul3A_300 : i32
      %dma_wait3A_302 = arith.constant 3 : i32
      %dma_wait3A_303 = arith.constant 3 : i32
      %dma_wait3A_304 = arith.constant 0 : i32
      %dma_wait3A_305 = arith.constant 0 : i32
      %dma_wait3A_306 = tpu.memref_slice %arg8[%dma_wait3A_302, %dma_wait3A_304, %dma_wait3A_305] : memref<5x80x32xf32, #tpu.memory_space<vmem>> -> memref<1x80x32xf32, #tpu.memory_space<vmem>>
      %dma_wait3A_307 = tpu.memref_squeeze %dma_wait3A_306 : memref<1x80x32xf32, #tpu.memory_space<vmem>> -> memref<80x32xf32, #tpu.memory_space<vmem>>
      %dma_wait3A_308 = tpu.memref_slice %arg9[%mul3A_301] : memref<10000xi32, #tpu.memory_space<vmem>> -> memref<80xi32, #tpu.memory_space<vmem>>
      %dma_wait3A_309 = arith.constant 0 : i32
      %dma_wait3A_310 = arith.constant 0 : i32
      %dma_wait3A_311 = tpu.memref_slice %arg7[%dma_wait3A_309, %dma_wait3A_310] : memref<10000x32xf32, #tpu.memory_space<vmem_shared>> -> memref<10000x32xf32, #tpu.memory_space<vmem_shared>>
      %dma_wait3A_312 = tpu.memref_slice %arg11[%dma_wait3A_303] : memref<5x!tpu.dma_semaphore, #tpu.memory_space<semaphore_mem>> -> memref<1x!tpu.dma_semaphore, #tpu.memory_space<semaphore_mem>>
      %dma_wait3A_313 = tpu.memref_squeeze %dma_wait3A_312 : memref<1x!tpu.dma_semaphore, #tpu.memory_space<semaphore_mem>> -> memref<!tpu.dma_semaphore, #tpu.memory_space<semaphore_mem>>
      tpu.wait_indirect_dma semaphore(%dma_wait3A_313 : memref<!tpu.dma_semaphore, #tpu.memory_space<semaphore_mem>>) src(%dma_wait3A_311 : memref<10000x32xf32, #tpu.memory_space<vmem_shared>>) dst(%dma_wait3A_307 : memref<80x32xf32, #tpu.memory_space<vmem>>)
      %mul3A_314 = arith.constant 80 : i32
      %mul3A_315 = arith.muli %add3A_299, %mul3A_314 : i32
      %dma_start3A_316 = arith.constant 3 : i32
      %dma_start3A_317 = arith.constant 3 : i32
      %dma_start3A_318 = arith.constant 0 : i32
      %dma_start3A_319 = arith.constant 0 : i32
      %dma_start3A_320 = tpu.memref_slice %arg8[%dma_start3A_316, %dma_start3A_318, %dma_start3A_319] : memref<5x80x32xf32, #tpu.memory_space<vmem>> -> memref<1x80x32xf32, #tpu.memory_space<vmem>>
      %dma_start3A_321 = tpu.memref_squeeze %dma_start3A_320 : memref<1x80x32xf32, #tpu.memory_space<vmem>> -> memref<80x32xf32, #tpu.memory_space<vmem>>
      %dma_start3A_322 = tpu.memref_slice %arg10[%mul3A_315] : memref<10000xi32, #tpu.memory_space<vmem>> -> memref<80xi32, #tpu.memory_space<vmem>>
      %dma_start3A_323 = arith.constant 0 : i32
      %dma_start3A_324 = arith.constant 0 : i32
      %dma_start3A_325 = tpu.memref_slice %arg6[%dma_start3A_323, %dma_start3A_324] : memref<10112x32xf32, #tpu.memory_space<vmem_shared>> -> memref<10112x32xf32, #tpu.memory_space<vmem_shared>>
      %dma_start3A_326 = tpu.memref_slice %arg12[%dma_start3A_317] : memref<5x!tpu.dma_semaphore, #tpu.memory_space<semaphore_mem>> -> memref<1x!tpu.dma_semaphore, #tpu.memory_space<semaphore_mem>>
      %dma_start3A_327 = tpu.memref_squeeze %dma_start3A_326 : memref<1x!tpu.dma_semaphore, #tpu.memory_space<semaphore_mem>> -> memref<!tpu.dma_semaphore, #tpu.memory_space<semaphore_mem>>
      tpu.enqueue_indirect_dma source(%dma_start3A_321 : memref<80x32xf32, #tpu.memory_space<vmem>>) target(%dma_start3A_325 : memref<10112x32xf32, #tpu.memory_space<vmem_shared>>) offsets(%dma_start3A_322 : memref<80xi32, #tpu.memory_space<vmem>>) semaphore(%dma_start3A_327 : memref<!tpu.dma_semaphore, #tpu.memory_space<semaphore_mem>>) {add = true}
      %mul3A_328 = arith.constant 5 : i32
      %mul3A_329 = arith.muli %scan3A_87, %mul3A_328 : i32
      %add3A_330 = arith.constant 4 : i32
      %add3A_331 = arith.addi %mul3A_329, %add3A_330 : i32
      %mul3A_332 = arith.constant 80 : i32
      %mul3A_333 = arith.muli %add3A_331, %mul3A_332 : i32
      %dma_wait3A_334 = arith.constant 4 : i32
      %dma_wait3A_335 = arith.constant 4 : i32
      %dma_wait3A_336 = arith.constant 0 : i32
      %dma_wait3A_337 = arith.constant 0 : i32
      %dma_wait3A_338 = tpu.memref_slice %arg8[%dma_wait3A_334, %dma_wait3A_336, %dma_wait3A_337] : memref<5x80x32xf32, #tpu.memory_space<vmem>> -> memref<1x80x32xf32, #tpu.memory_space<vmem>>
      %dma_wait3A_339 = tpu.memref_squeeze %dma_wait3A_338 : memref<1x80x32xf32, #tpu.memory_space<vmem>> -> memref<80x32xf32, #tpu.memory_space<vmem>>
      %dma_wait3A_340 = tpu.memref_slice %arg9[%mul3A_333] : memref<10000xi32, #tpu.memory_space<vmem>> -> memref<80xi32, #tpu.memory_space<vmem>>
      %dma_wait3A_341 = arith.constant 0 : i32
      %dma_wait3A_342 = arith.constant 0 : i32
      %dma_wait3A_343 = tpu.memref_slice %arg7[%dma_wait3A_341, %dma_wait3A_342] : memref<10000x32xf32, #tpu.memory_space<vmem_shared>> -> memref<10000x32xf32, #tpu.memory_space<vmem_shared>>
      %dma_wait3A_344 = tpu.memref_slice %arg11[%dma_wait3A_335] : memref<5x!tpu.dma_semaphore, #tpu.memory_space<semaphore_mem>> -> memref<1x!tpu.dma_semaphore, #tpu.memory_space<semaphore_mem>>
      %dma_wait3A_345 = tpu.memref_squeeze %dma_wait3A_344 : memref<1x!tpu.dma_semaphore, #tpu.memory_space<semaphore_mem>> -> memref<!tpu.dma_semaphore, #tpu.memory_space<semaphore_mem>>
      tpu.wait_indirect_dma semaphore(%dma_wait3A_345 : memref<!tpu.dma_semaphore, #tpu.memory_space<semaphore_mem>>) src(%dma_wait3A_343 : memref<10000x32xf32, #tpu.memory_space<vmem_shared>>) dst(%dma_wait3A_339 : memref<80x32xf32, #tpu.memory_space<vmem>>)
      %mul3A_346 = arith.constant 80 : i32
      %mul3A_347 = arith.muli %add3A_331, %mul3A_346 : i32
      %dma_start3A_348 = arith.constant 4 : i32
      %dma_start3A_349 = arith.constant 4 : i32
      %dma_start3A_350 = arith.constant 0 : i32
      %dma_start3A_351 = arith.constant 0 : i32
      %dma_start3A_352 = tpu.memref_slice %arg8[%dma_start3A_348, %dma_start3A_350, %dma_start3A_351] : memref<5x80x32xf32, #tpu.memory_space<vmem>> -> memref<1x80x32xf32, #tpu.memory_space<vmem>>
      %dma_start3A_353 = tpu.memref_squeeze %dma_start3A_352 : memref<1x80x32xf32, #tpu.memory_space<vmem>> -> memref<80x32xf32, #tpu.memory_space<vmem>>
      %dma_start3A_354 = tpu.memref_slice %arg10[%mul3A_347] : memref<10000xi32, #tpu.memory_space<vmem>> -> memref<80xi32, #tpu.memory_space<vmem>>
      %dma_start3A_355 = arith.constant 0 : i32
      %dma_start3A_356 = arith.constant 0 : i32
      %dma_start3A_357 = tpu.memref_slice %arg6[%dma_start3A_355, %dma_start3A_356] : memref<10112x32xf32, #tpu.memory_space<vmem_shared>> -> memref<10112x32xf32, #tpu.memory_space<vmem_shared>>
      %dma_start3A_358 = tpu.memref_slice %arg12[%dma_start3A_349] : memref<5x!tpu.dma_semaphore, #tpu.memory_space<semaphore_mem>> -> memref<1x!tpu.dma_semaphore, #tpu.memory_space<semaphore_mem>>
      %dma_start3A_359 = tpu.memref_squeeze %dma_start3A_358 : memref<1x!tpu.dma_semaphore, #tpu.memory_space<semaphore_mem>> -> memref<!tpu.dma_semaphore, #tpu.memory_space<semaphore_mem>>
      tpu.enqueue_indirect_dma source(%dma_start3A_353 : memref<80x32xf32, #tpu.memory_space<vmem>>) target(%dma_start3A_357 : memref<10112x32xf32, #tpu.memory_space<vmem_shared>>) offsets(%dma_start3A_354 : memref<80xi32, #tpu.memory_space<vmem>>) semaphore(%dma_start3A_359 : memref<!tpu.dma_semaphore, #tpu.memory_space<semaphore_mem>>) {add = true}
      %scan3A_360 = arith.constant 0 : i32
      scf.yield %scan3A_360 : i32
    }
    %scan3A_17 = arith.constant 25 : i32
    %dma_wait3A = arith.constant 0 : i32
    %dma_wait3A_18 = arith.constant 0 : i32
    %dma_wait3A_19 = arith.constant 0 : i32
    %dma_wait3A_20 = arith.constant 0 : i32
    %dma_wait3A_21 = tpu.memref_slice %arg8[%dma_wait3A, %dma_wait3A_19, %dma_wait3A_20] : memref<5x80x32xf32, #tpu.memory_space<vmem>> -> memref<1x80x32xf32, #tpu.memory_space<vmem>>
    %dma_wait3A_22 = tpu.memref_squeeze %dma_wait3A_21 : memref<1x80x32xf32, #tpu.memory_space<vmem>> -> memref<80x32xf32, #tpu.memory_space<vmem>>
    %dma_wait3A_23 = arith.constant 0 : i32
    %dma_wait3A_24 = tpu.memref_slice %arg10[%dma_wait3A_23] : memref<10000xi32, #tpu.memory_space<vmem>> -> memref<80xi32, #tpu.memory_space<vmem>>
    %dma_wait3A_25 = arith.constant 0 : i32
    %dma_wait3A_26 = arith.constant 0 : i32
    %dma_wait3A_27 = tpu.memref_slice %arg6[%dma_wait3A_25, %dma_wait3A_26] : memref<10112x32xf32, #tpu.memory_space<vmem_shared>> -> memref<10112x32xf32, #tpu.memory_space<vmem_shared>>
    %dma_wait3A_28 = tpu.memref_slice %arg12[%dma_wait3A_18] : memref<5x!tpu.dma_semaphore, #tpu.memory_space<semaphore_mem>> -> memref<1x!tpu.dma_semaphore, #tpu.memory_space<semaphore_mem>>
    %dma_wait3A_29 = tpu.memref_squeeze %dma_wait3A_28 : memref<1x!tpu.dma_semaphore, #tpu.memory_space<semaphore_mem>> -> memref<!tpu.dma_semaphore, #tpu.memory_space<semaphore_mem>>
    tpu.wait_indirect_dma semaphore(%dma_wait3A_29 : memref<!tpu.dma_semaphore, #tpu.memory_space<semaphore_mem>>) src(%dma_wait3A_22 : memref<80x32xf32, #tpu.memory_space<vmem>>) dst(%dma_wait3A_27 : memref<10112x32xf32, #tpu.memory_space<vmem_shared>>)
    %dma_wait3A_30 = arith.constant 1 : i32
    %dma_wait3A_31 = arith.constant 1 : i32
    %dma_wait3A_32 = arith.constant 0 : i32
    %dma_wait3A_33 = arith.constant 0 : i32
    %dma_wait3A_34 = tpu.memref_slice %arg8[%dma_wait3A_30, %dma_wait3A_32, %dma_wait3A_33] : memref<5x80x32xf32, #tpu.memory_space<vmem>> -> memref<1x80x32xf32, #tpu.memory_space<vmem>>
    %dma_wait3A_35 = tpu.memref_squeeze %dma_wait3A_34 : memref<1x80x32xf32, #tpu.memory_space<vmem>> -> memref<80x32xf32, #tpu.memory_space<vmem>>
    %dma_wait3A_36 = arith.constant 0 : i32
    %dma_wait3A_37 = tpu.memref_slice %arg10[%dma_wait3A_36] : memref<10000xi32, #tpu.memory_space<vmem>> -> memref<80xi32, #tpu.memory_space<vmem>>
    %dma_wait3A_38 = arith.constant 0 : i32
    %dma_wait3A_39 = arith.constant 0 : i32
    %dma_wait3A_40 = tpu.memref_slice %arg6[%dma_wait3A_38, %dma_wait3A_39] : memref<10112x32xf32, #tpu.memory_space<vmem_shared>> -> memref<10112x32xf32, #tpu.memory_space<vmem_shared>>
    %dma_wait3A_41 = tpu.memref_slice %arg12[%dma_wait3A_31] : memref<5x!tpu.dma_semaphore, #tpu.memory_space<semaphore_mem>> -> memref<1x!tpu.dma_semaphore, #tpu.memory_space<semaphore_mem>>
    %dma_wait3A_42 = tpu.memref_squeeze %dma_wait3A_41 : memref<1x!tpu.dma_semaphore, #tpu.memory_space<semaphore_mem>> -> memref<!tpu.dma_semaphore, #tpu.memory_space<semaphore_mem>>
    tpu.wait_indirect_dma semaphore(%dma_wait3A_42 : memref<!tpu.dma_semaphore, #tpu.memory_space<semaphore_mem>>) src(%dma_wait3A_35 : memref<80x32xf32, #tpu.memory_space<vmem>>) dst(%dma_wait3A_40 : memref<10112x32xf32, #tpu.memory_space<vmem_shared>>)
    %dma_wait3A_43 = arith.constant 2 : i32
    %dma_wait3A_44 = arith.constant 2 : i32
    %dma_wait3A_45 = arith.constant 0 : i32
    %dma_wait3A_46 = arith.constant 0 : i32
    %dma_wait3A_47 = tpu.memref_slice %arg8[%dma_wait3A_43, %dma_wait3A_45, %dma_wait3A_46] : memref<5x80x32xf32, #tpu.memory_space<vmem>> -> memref<1x80x32xf32, #tpu.memory_space<vmem>>
    %dma_wait3A_48 = tpu.memref_squeeze %dma_wait3A_47 : memref<1x80x32xf32, #tpu.memory_space<vmem>> -> memref<80x32xf32, #tpu.memory_space<vmem>>
    %dma_wait3A_49 = arith.constant 0 : i32
    %dma_wait3A_50 = tpu.memref_slice %arg10[%dma_wait3A_49] : memref<10000xi32, #tpu.memory_space<vmem>> -> memref<80xi32, #tpu.memory_space<vmem>>
    %dma_wait3A_51 = arith.constant 0 : i32
    %dma_wait3A_52 = arith.constant 0 : i32
    %dma_wait3A_53 = tpu.memref_slice %arg6[%dma_wait3A_51, %dma_wait3A_52] : memref<10112x32xf32, #tpu.memory_space<vmem_shared>> -> memref<10112x32xf32, #tpu.memory_space<vmem_shared>>
    %dma_wait3A_54 = tpu.memref_slice %arg12[%dma_wait3A_44] : memref<5x!tpu.dma_semaphore, #tpu.memory_space<semaphore_mem>> -> memref<1x!tpu.dma_semaphore, #tpu.memory_space<semaphore_mem>>
    %dma_wait3A_55 = tpu.memref_squeeze %dma_wait3A_54 : memref<1x!tpu.dma_semaphore, #tpu.memory_space<semaphore_mem>> -> memref<!tpu.dma_semaphore, #tpu.memory_space<semaphore_mem>>
    tpu.wait_indirect_dma semaphore(%dma_wait3A_55 : memref<!tpu.dma_semaphore, #tpu.memory_space<semaphore_mem>>) src(%dma_wait3A_48 : memref<80x32xf32, #tpu.memory_space<vmem>>) dst(%dma_wait3A_53 : memref<10112x32xf32, #tpu.memory_space<vmem_shared>>)
    %dma_wait3A_56 = arith.constant 3 : i32
    %dma_wait3A_57 = arith.constant 3 : i32
    %dma_wait3A_58 = arith.constant 0 : i32
    %dma_wait3A_59 = arith.constant 0 : i32
    %dma_wait3A_60 = tpu.memref_slice %arg8[%dma_wait3A_56, %dma_wait3A_58, %dma_wait3A_59] : memref<5x80x32xf32, #tpu.memory_space<vmem>> -> memref<1x80x32xf32, #tpu.memory_space<vmem>>
    %dma_wait3A_61 = tpu.memref_squeeze %dma_wait3A_60 : memref<1x80x32xf32, #tpu.memory_space<vmem>> -> memref<80x32xf32, #tpu.memory_space<vmem>>
    %dma_wait3A_62 = arith.constant 0 : i32
    %dma_wait3A_63 = tpu.memref_slice %arg10[%dma_wait3A_62] : memref<10000xi32, #tpu.memory_space<vmem>> -> memref<80xi32, #tpu.memory_space<vmem>>
    %dma_wait3A_64 = arith.constant 0 : i32
    %dma_wait3A_65 = arith.constant 0 : i32
    %dma_wait3A_66 = tpu.memref_slice %arg6[%dma_wait3A_64, %dma_wait3A_65] : memref<10112x32xf32, #tpu.memory_space<vmem_shared>> -> memref<10112x32xf32, #tpu.memory_space<vmem_shared>>
    %dma_wait3A_67 = tpu.memref_slice %arg12[%dma_wait3A_57] : memref<5x!tpu.dma_semaphore, #tpu.memory_space<semaphore_mem>> -> memref<1x!tpu.dma_semaphore, #tpu.memory_space<semaphore_mem>>
    %dma_wait3A_68 = tpu.memref_squeeze %dma_wait3A_67 : memref<1x!tpu.dma_semaphore, #tpu.memory_space<semaphore_mem>> -> memref<!tpu.dma_semaphore, #tpu.memory_space<semaphore_mem>>
    tpu.wait_indirect_dma semaphore(%dma_wait3A_68 : memref<!tpu.dma_semaphore, #tpu.memory_space<semaphore_mem>>) src(%dma_wait3A_61 : memref<80x32xf32, #tpu.memory_space<vmem>>) dst(%dma_wait3A_66 : memref<10112x32xf32, #tpu.memory_space<vmem_shared>>)
    %dma_wait3A_69 = arith.constant 4 : i32
    %dma_wait3A_70 = arith.constant 4 : i32
    %dma_wait3A_71 = arith.constant 0 : i32
    %dma_wait3A_72 = arith.constant 0 : i32
    %dma_wait3A_73 = tpu.memref_slice %arg8[%dma_wait3A_69, %dma_wait3A_71, %dma_wait3A_72] : memref<5x80x32xf32, #tpu.memory_space<vmem>> -> memref<1x80x32xf32, #tpu.memory_space<vmem>>
    %dma_wait3A_74 = tpu.memref_squeeze %dma_wait3A_73 : memref<1x80x32xf32, #tpu.memory_space<vmem>> -> memref<80x32xf32, #tpu.memory_space<vmem>>
    %dma_wait3A_75 = arith.constant 0 : i32
    %dma_wait3A_76 = tpu.memref_slice %arg10[%dma_wait3A_75] : memref<10000xi32, #tpu.memory_space<vmem>> -> memref<80xi32, #tpu.memory_space<vmem>>
    %dma_wait3A_77 = arith.constant 0 : i32
    %dma_wait3A_78 = arith.constant 0 : i32
    %dma_wait3A_79 = tpu.memref_slice %arg6[%dma_wait3A_77, %dma_wait3A_78] : memref<10112x32xf32, #tpu.memory_space<vmem_shared>> -> memref<10112x32xf32, #tpu.memory_space<vmem_shared>>
    %dma_wait3A_80 = tpu.memref_slice %arg12[%dma_wait3A_70] : memref<5x!tpu.dma_semaphore, #tpu.memory_space<semaphore_mem>> -> memref<1x!tpu.dma_semaphore, #tpu.memory_space<semaphore_mem>>
    %dma_wait3A_81 = tpu.memref_squeeze %dma_wait3A_80 : memref<1x!tpu.dma_semaphore, #tpu.memory_space<semaphore_mem>> -> memref<!tpu.dma_semaphore, #tpu.memory_space<semaphore_mem>>
    tpu.wait_indirect_dma semaphore(%dma_wait3A_81 : memref<!tpu.dma_semaphore, #tpu.memory_space<semaphore_mem>>) src(%dma_wait3A_74 : memref<80x32xf32, #tpu.memory_space<vmem>>) dst(%dma_wait3A_79 : memref<10112x32xf32, #tpu.memory_space<vmem_shared>>)
    %barrier3A_82 = arith.constant 0 : index
    tpu.barrier barrier_id(%barrier3A_82)
    %mul3A_83 = arith.constant 632 : i32
    %mul3A_84 = arith.muli %arg1, %mul3A_83 : i32
    %mul3A_85 = arith.constant 632 : i32
    %mul3A_86 = arith.muli %arg1, %mul3A_85 : i32
    "tpu.region"() ({
      %run_scoped3A_87 = tpu.sem_alloc : memref<!tpu.dma_semaphore, #tpu.memory_space<semaphore_mem>>
      %dma_start3A = arith.constant 0 : i32
      %dma_start3A_88 = tpu.memref_slice %arg5[%arg0, %mul3A_86, %dma_start3A] : memref<2x10112x128xf32, #tpu.memory_space<hbm>> -> memref<1x632x32xf32, #tpu.memory_space<hbm>>
      %dma_start3A_89 = tpu.memref_squeeze %dma_start3A_88 : memref<1x632x32xf32, #tpu.memory_space<hbm>> -> memref<632x32xf32, #tpu.memory_space<hbm>>
      %dma_start3A_90 = arith.constant 0 : i32
      %dma_start3A_91 = tpu.memref_slice %arg6[%mul3A_84, %dma_start3A_90] : memref<10112x32xf32, #tpu.memory_space<vmem_shared>> -> memref<632x32xf32, #tpu.memory_space<vmem_shared>>
      tpu.enqueue_dma source(%dma_start3A_91 : memref<632x32xf32, #tpu.memory_space<vmem_shared>>) target(%dma_start3A_89 : memref<632x32xf32, #tpu.memory_space<hbm>>) target_semaphore(%run_scoped3A_87 : memref<!tpu.dma_semaphore, #tpu.memory_space<semaphore_mem>>)
      %dma_wait3A_92 = arith.constant 0 : i32
      %dma_wait3A_93 = tpu.memref_slice %arg5[%arg0, %mul3A_86, %dma_wait3A_92] : memref<2x10112x128xf32, #tpu.memory_space<hbm>> -> memref<1x632x32xf32, #tpu.memory_space<hbm>>
      %dma_wait3A_94 = tpu.memref_squeeze %dma_wait3A_93 : memref<1x632x32xf32, #tpu.memory_space<hbm>> -> memref<632x32xf32, #tpu.memory_space<hbm>>
      %dma_wait3A_95 = arith.constant 0 : i32
      %dma_wait3A_96 = tpu.memref_slice %arg6[%mul3A_84, %dma_wait3A_95] : memref<10112x32xf32, #tpu.memory_space<vmem_shared>> -> memref<632x32xf32, #tpu.memory_space<vmem_shared>>
      tpu.wait_dma2 semaphore(%run_scoped3A_87 : memref<!tpu.dma_semaphore, #tpu.memory_space<semaphore_mem>>) src(%dma_wait3A_96 : memref<632x32xf32, #tpu.memory_space<vmem_shared>>) dst(%dma_wait3A_94 : memref<632x32xf32, #tpu.memory_space<hbm>>)
      tpu.yield
    }) : () -> ()
    return
  }
}

#map = affine_map<(d0, d1) -> (0, 0)>
#map1 = affine_map<(d0, d1) -> (0, 0, 0)>
module attributes {stable_mosaic.version = 14 : i64} {
  func.func @_agg_kernel(%arg0: i32, %arg1: i32, %arg2: memref<10000x128xf32, #tpu.memory_space<hbm>>, %arg3: memref<2x320000xi32, #tpu.memory_space<hbm>>, %arg4: memref<16x632x32xf32, #tpu.memory_space<hbm>>, %arg5: memref<2x10112x128xf32, #tpu.memory_space<hbm>>, %arg6: memref<10112x32xf32, #tpu.memory_space<vmem_shared>>, %arg7: memref<10000x32xf32, #tpu.memory_space<vmem_shared>>, %arg8: memref<5x80x32xf32, #tpu.memory_space<vmem>>, %arg9: memref<10000xi32, #tpu.memory_space<vmem>>, %arg10: memref<10000xi32, #tpu.memory_space<vmem>>, %arg11: memref<5x!tpu.dma_semaphore, #tpu.memory_space<semaphore_mem>>, %arg12: memref<5x!tpu.dma_semaphore, #tpu.memory_space<semaphore_mem>>) attributes {dimension_semantics = [#tpu.dimension_semantics<core_parallel>, #tpu.dimension_semantics<subcore_parallel>], iteration_bounds = array<i64: 2, 16>, scalar_prefetch = 0 : i64, scratch_operands = 7 : i64, tpu.core_type = #tpu.core_type<sc_vector_subcore>, window_params = [{transform_indices = #map}, {transform_indices = #map}, {transform_indices = #map1}, {transform_indices = #map1}]} {
    %mul3A = arith.constant 16 : i32
    %mul3A_0 = arith.muli %arg0, %mul3A : i32
    %add3A = arith.addi %mul3A_0, %arg1 : i32
    %mul3A_1 = arith.constant 632 : i32
    %mul3A_2 = arith.muli %arg1, %mul3A_1 : i32
    "tpu.region"() ({
      %run_scoped3A_87 = tpu.sem_alloc : memref<!tpu.dma_semaphore, #tpu.memory_space<semaphore_mem>>
      %dma_start3A = arith.constant 0 : i32
      %dma_start3A_88 = tpu.memref_slice %arg6[%mul3A_2, %dma_start3A] : memref<10112x32xf32, #tpu.memory_space<vmem_shared>> -> memref<632x32xf32, #tpu.memory_space<vmem_shared>>
      %dma_start3A_89 = arith.constant 0 : i32
      %dma_start3A_90 = arith.constant 0 : i32
      %dma_start3A_91 = tpu.memref_slice %arg4[%arg1, %dma_start3A_89, %dma_start3A_90] : memref<16x632x32xf32, #tpu.memory_space<hbm>> -> memref<1x632x32xf32, #tpu.memory_space<hbm>>
      %dma_start3A_92 = tpu.memref_squeeze %dma_start3A_91 : memref<1x632x32xf32, #tpu.memory_space<hbm>> -> memref<632x32xf32, #tpu.memory_space<hbm>>
      tpu.enqueue_dma source(%dma_start3A_92 : memref<632x32xf32, #tpu.memory_space<hbm>>) target(%dma_start3A_88 : memref<632x32xf32, #tpu.memory_space<vmem_shared>>) target_semaphore(%run_scoped3A_87 : memref<!tpu.dma_semaphore, #tpu.memory_space<semaphore_mem>>)
      %dma_wait3A_93 = arith.constant 0 : i32
      %dma_wait3A_94 = tpu.memref_slice %arg6[%mul3A_2, %dma_wait3A_93] : memref<10112x32xf32, #tpu.memory_space<vmem_shared>> -> memref<632x32xf32, #tpu.memory_space<vmem_shared>>
      %dma_wait3A_95 = arith.constant 0 : i32
      %dma_wait3A_96 = arith.constant 0 : i32
      %dma_wait3A_97 = tpu.memref_slice %arg4[%arg1, %dma_wait3A_95, %dma_wait3A_96] : memref<16x632x32xf32, #tpu.memory_space<hbm>> -> memref<1x632x32xf32, #tpu.memory_space<hbm>>
      %dma_wait3A_98 = tpu.memref_squeeze %dma_wait3A_97 : memref<1x632x32xf32, #tpu.memory_space<hbm>> -> memref<632x32xf32, #tpu.memory_space<hbm>>
      tpu.wait_dma2 semaphore(%run_scoped3A_87 : memref<!tpu.dma_semaphore, #tpu.memory_space<semaphore_mem>>) src(%dma_wait3A_98 : memref<632x32xf32, #tpu.memory_space<hbm>>) dst(%dma_wait3A_94 : memref<632x32xf32, #tpu.memory_space<vmem_shared>>)
      tpu.yield
    }) : () -> ()
    %mul3A_3 = arith.constant 625 : i32
    %mul3A_4 = arith.muli %arg1, %mul3A_3 : i32
    %mul3A_5 = arith.constant 625 : i32
    %mul3A_6 = arith.muli %arg1, %mul3A_5 : i32
    "tpu.region"() ({
      %run_scoped3A_87 = tpu.sem_alloc : memref<!tpu.dma_semaphore, #tpu.memory_space<semaphore_mem>>
      %dma_start3A = arith.constant 0 : i32
      %dma_start3A_88 = tpu.memref_slice %arg7[%mul3A_6, %dma_start3A] : memref<10000x32xf32, #tpu.memory_space<vmem_shared>> -> memref<625x32xf32, #tpu.memory_space<vmem_shared>>
      %dma_start3A_89 = arith.constant 0 : i32
      %dma_start3A_90 = tpu.memref_slice %arg2[%mul3A_4, %dma_start3A_89] : memref<10000x128xf32, #tpu.memory_space<hbm>> -> memref<625x32xf32, #tpu.memory_space<hbm>>
      tpu.enqueue_dma source(%dma_start3A_90 : memref<625x32xf32, #tpu.memory_space<hbm>>) target(%dma_start3A_88 : memref<625x32xf32, #tpu.memory_space<vmem_shared>>) target_semaphore(%run_scoped3A_87 : memref<!tpu.dma_semaphore, #tpu.memory_space<semaphore_mem>>)
      %dma_wait3A_91 = arith.constant 0 : i32
      %dma_wait3A_92 = tpu.memref_slice %arg7[%mul3A_6, %dma_wait3A_91] : memref<10000x32xf32, #tpu.memory_space<vmem_shared>> -> memref<625x32xf32, #tpu.memory_space<vmem_shared>>
      %dma_wait3A_93 = arith.constant 0 : i32
      %dma_wait3A_94 = tpu.memref_slice %arg2[%mul3A_4, %dma_wait3A_93] : memref<10000x128xf32, #tpu.memory_space<hbm>> -> memref<625x32xf32, #tpu.memory_space<hbm>>
      tpu.wait_dma2 semaphore(%run_scoped3A_87 : memref<!tpu.dma_semaphore, #tpu.memory_space<semaphore_mem>>) src(%dma_wait3A_94 : memref<625x32xf32, #tpu.memory_space<hbm>>) dst(%dma_wait3A_92 : memref<625x32xf32, #tpu.memory_space<vmem_shared>>)
      tpu.yield
    }) : () -> ()
    %mul3A_7 = arith.constant 10000 : i32
    %mul3A_8 = arith.muli %add3A, %mul3A_7 : i32
    %run_scoped3A = arith.constant 0 : i32
    "tpu.region"() ({
      %run_scoped3A_87 = tpu.sem_alloc : memref<!tpu.dma_semaphore, #tpu.memory_space<semaphore_mem>>
      %dma_start3A = tpu.memref_slice %arg3[%run_scoped3A, %mul3A_8] : memref<2x320000xi32, #tpu.memory_space<hbm>> -> memref<1x10000xi32, #tpu.memory_space<hbm>>
      %dma_start3A_88 = tpu.memref_squeeze %dma_start3A : memref<1x10000xi32, #tpu.memory_space<hbm>> -> memref<10000xi32, #tpu.memory_space<hbm>>
      %dma_start3A_89 = tpu.memref_slice %arg3[%run_scoped3A, %mul3A_8] : memref<2x320000xi32, #tpu.memory_space<hbm>> -> memref<1x10000xi32, #tpu.memory_space<hbm>>
      %dma_start3A_90 = tpu.memref_squeeze %dma_start3A_89 : memref<1x10000xi32, #tpu.memory_space<hbm>> -> memref<10000xi32, #tpu.memory_space<hbm>>
      tpu.enqueue_dma source(%dma_start3A_90 : memref<10000xi32, #tpu.memory_space<hbm>>) target(%arg9 : memref<10000xi32, #tpu.memory_space<vmem>>) target_semaphore(%run_scoped3A_87 : memref<!tpu.dma_semaphore, #tpu.memory_space<semaphore_mem>>)
      %dma_wait3A_91 = tpu.memref_slice %arg3[%run_scoped3A, %mul3A_8] : memref<2x320000xi32, #tpu.memory_space<hbm>> -> memref<1x10000xi32, #tpu.memory_space<hbm>>
      %dma_wait3A_92 = tpu.memref_squeeze %dma_wait3A_91 : memref<1x10000xi32, #tpu.memory_space<hbm>> -> memref<10000xi32, #tpu.memory_space<hbm>>
      %dma_wait3A_93 = tpu.memref_slice %arg3[%run_scoped3A, %mul3A_8] : memref<2x320000xi32, #tpu.memory_space<hbm>> -> memref<1x10000xi32, #tpu.memory_space<hbm>>
      %dma_wait3A_94 = tpu.memref_squeeze %dma_wait3A_93 : memref<1x10000xi32, #tpu.memory_space<hbm>> -> memref<10000xi32, #tpu.memory_space<hbm>>
      tpu.wait_dma2 semaphore(%run_scoped3A_87 : memref<!tpu.dma_semaphore, #tpu.memory_space<semaphore_mem>>) src(%dma_wait3A_94 : memref<10000xi32, #tpu.memory_space<hbm>>) dst(%arg9 : memref<10000xi32, #tpu.memory_space<vmem>>)
      tpu.yield
    }) : () -> ()
    %mul3A_9 = arith.constant 10000 : i32
    %mul3A_10 = arith.muli %add3A, %mul3A_9 : i32
    %run_scoped3A_11 = arith.constant 1 : i32
    "tpu.region"() ({
      %run_scoped3A_87 = tpu.sem_alloc : memref<!tpu.dma_semaphore, #tpu.memory_space<semaphore_mem>>
      %dma_start3A = tpu.memref_slice %arg3[%run_scoped3A_11, %mul3A_10] : memref<2x320000xi32, #tpu.memory_space<hbm>> -> memref<1x10000xi32, #tpu.memory_space<hbm>>
      %dma_start3A_88 = tpu.memref_squeeze %dma_start3A : memref<1x10000xi32, #tpu.memory_space<hbm>> -> memref<10000xi32, #tpu.memory_space<hbm>>
      %dma_start3A_89 = tpu.memref_slice %arg3[%run_scoped3A_11, %mul3A_10] : memref<2x320000xi32, #tpu.memory_space<hbm>> -> memref<1x10000xi32, #tpu.memory_space<hbm>>
      %dma_start3A_90 = tpu.memref_squeeze %dma_start3A_89 : memref<1x10000xi32, #tpu.memory_space<hbm>> -> memref<10000xi32, #tpu.memory_space<hbm>>
      tpu.enqueue_dma source(%dma_start3A_90 : memref<10000xi32, #tpu.memory_space<hbm>>) target(%arg10 : memref<10000xi32, #tpu.memory_space<vmem>>) target_semaphore(%run_scoped3A_87 : memref<!tpu.dma_semaphore, #tpu.memory_space<semaphore_mem>>)
      %dma_wait3A_91 = tpu.memref_slice %arg3[%run_scoped3A_11, %mul3A_10] : memref<2x320000xi32, #tpu.memory_space<hbm>> -> memref<1x10000xi32, #tpu.memory_space<hbm>>
      %dma_wait3A_92 = tpu.memref_squeeze %dma_wait3A_91 : memref<1x10000xi32, #tpu.memory_space<hbm>> -> memref<10000xi32, #tpu.memory_space<hbm>>
      %dma_wait3A_93 = tpu.memref_slice %arg3[%run_scoped3A_11, %mul3A_10] : memref<2x320000xi32, #tpu.memory_space<hbm>> -> memref<1x10000xi32, #tpu.memory_space<hbm>>
      %dma_wait3A_94 = tpu.memref_squeeze %dma_wait3A_93 : memref<1x10000xi32, #tpu.memory_space<hbm>> -> memref<10000xi32, #tpu.memory_space<hbm>>
      tpu.wait_dma2 semaphore(%run_scoped3A_87 : memref<!tpu.dma_semaphore, #tpu.memory_space<semaphore_mem>>) src(%dma_wait3A_94 : memref<10000xi32, #tpu.memory_space<hbm>>) dst(%arg10 : memref<10000xi32, #tpu.memory_space<vmem>>)
      tpu.yield
    }) : () -> ()
    %barrier3A = arith.constant 0 : index
    tpu.barrier barrier_id(%barrier3A)
    %scan3A = arith.constant 0 : i32
    %scan3A_12 = arith.constant 0 : i32
    %scan3A_13 = arith.constant 25 : i32
    %scan3A_14 = arith.addi %scan3A_12, %scan3A_13 : i32
    %scan3A_15 = arith.constant 1 : i32
    %scan3A_16 = scf.for %scan3A_87 = %scan3A_12 to %scan3A_14 step %scan3A_15 iter_args(%scan3A_88 = %scan3A) -> (i32)  : i32 {
      %mul3A_89 = arith.constant 5 : i32
      %mul3A_90 = arith.muli %scan3A_87, %mul3A_89 : i32
      %add3A_91 = arith.constant 0 : i32
      %add3A_92 = arith.addi %mul3A_90, %add3A_91 : i32
      %gt3A = arith.constant 0 : i32
      %gt3A_93 = arith.cmpi sgt, %scan3A_87, %gt3A : i32
      %convert_element_type3A = arith.extui %gt3A_93 : i1 to i32
      %cond3A = arith.constant 0 : i32
      %cond3A_94 = arith.cmpi ne, %convert_element_type3A, %cond3A : i32
      scf.if %cond3A_94 {
        %dma_wait3A_361 = arith.constant 0 : i32
        %dma_wait3A_362 = arith.constant 0 : i32
        %dma_wait3A_363 = arith.constant 0 : i32
        %dma_wait3A_364 = arith.constant 0 : i32
        %dma_wait3A_365 = tpu.memref_slice %arg8[%dma_wait3A_361, %dma_wait3A_363, %dma_wait3A_364] : memref<5x80x32xf32, #tpu.memory_space<vmem>> -> memref<1x80x32xf32, #tpu.memory_space<vmem>>
        %dma_wait3A_366 = tpu.memref_squeeze %dma_wait3A_365 : memref<1x80x32xf32, #tpu.memory_space<vmem>> -> memref<80x32xf32, #tpu.memory_space<vmem>>
        %dma_wait3A_367 = arith.constant 0 : i32
        %dma_wait3A_368 = tpu.memref_slice %arg10[%dma_wait3A_367] : memref<10000xi32, #tpu.memory_space<vmem>> -> memref<80xi32, #tpu.memory_space<vmem>>
        %dma_wait3A_369 = arith.constant 0 : i32
        %dma_wait3A_370 = arith.constant 0 : i32
        %dma_wait3A_371 = tpu.memref_slice %arg6[%dma_wait3A_369, %dma_wait3A_370] : memref<10112x32xf32, #tpu.memory_space<vmem_shared>> -> memref<10112x32xf32, #tpu.memory_space<vmem_shared>>
        %dma_wait3A_372 = tpu.memref_slice %arg12[%dma_wait3A_362] : memref<5x!tpu.dma_semaphore, #tpu.memory_space<semaphore_mem>> -> memref<1x!tpu.dma_semaphore, #tpu.memory_space<semaphore_mem>>
        %dma_wait3A_373 = tpu.memref_squeeze %dma_wait3A_372 : memref<1x!tpu.dma_semaphore, #tpu.memory_space<semaphore_mem>> -> memref<!tpu.dma_semaphore, #tpu.memory_space<semaphore_mem>>
        tpu.wait_indirect_dma semaphore(%dma_wait3A_373 : memref<!tpu.dma_semaphore, #tpu.memory_space<semaphore_mem>>) src(%dma_wait3A_366 : memref<80x32xf32, #tpu.memory_space<vmem>>) dst(%dma_wait3A_371 : memref<10112x32xf32, #tpu.memory_space<vmem_shared>>)
      } else {
      }
      %mul3A_95 = arith.constant 80 : i32
      %mul3A_96 = arith.muli %add3A_92, %mul3A_95 : i32
      %dma_start3A = arith.constant 0 : i32
      %dma_start3A_97 = arith.constant 0 : i32
      %dma_start3A_98 = arith.constant 0 : i32
      %dma_start3A_99 = arith.constant 0 : i32
      %dma_start3A_100 = tpu.memref_slice %arg8[%dma_start3A, %dma_start3A_98, %dma_start3A_99] : memref<5x80x32xf32, #tpu.memory_space<vmem>> -> memref<1x80x32xf32, #tpu.memory_space<vmem>>
      %dma_start3A_101 = tpu.memref_squeeze %dma_start3A_100 : memref<1x80x32xf32, #tpu.memory_space<vmem>> -> memref<80x32xf32, #tpu.memory_space<vmem>>
      %dma_start3A_102 = tpu.memref_slice %arg9[%mul3A_96] : memref<10000xi32, #tpu.memory_space<vmem>> -> memref<80xi32, #tpu.memory_space<vmem>>
      %dma_start3A_103 = arith.constant 0 : i32
      %dma_start3A_104 = arith.constant 0 : i32
      %dma_start3A_105 = tpu.memref_slice %arg7[%dma_start3A_103, %dma_start3A_104] : memref<10000x32xf32, #tpu.memory_space<vmem_shared>> -> memref<10000x32xf32, #tpu.memory_space<vmem_shared>>
      %dma_start3A_106 = tpu.memref_slice %arg11[%dma_start3A_97] : memref<5x!tpu.dma_semaphore, #tpu.memory_space<semaphore_mem>> -> memref<1x!tpu.dma_semaphore, #tpu.memory_space<semaphore_mem>>
      %dma_start3A_107 = tpu.memref_squeeze %dma_start3A_106 : memref<1x!tpu.dma_semaphore, #tpu.memory_space<semaphore_mem>> -> memref<!tpu.dma_semaphore, #tpu.memory_space<semaphore_mem>>
      tpu.enqueue_indirect_dma source(%dma_start3A_105 : memref<10000x32xf32, #tpu.memory_space<vmem_shared>>) target(%dma_start3A_101 : memref<80x32xf32, #tpu.memory_space<vmem>>) offsets(%dma_start3A_102 : memref<80xi32, #tpu.memory_space<vmem>>) semaphore(%dma_start3A_107 : memref<!tpu.dma_semaphore, #tpu.memory_space<semaphore_mem>>)
      %mul3A_108 = arith.constant 5 : i32
      %mul3A_109 = arith.muli %scan3A_87, %mul3A_108 : i32
      %add3A_110 = arith.constant 1 : i32
      %add3A_111 = arith.addi %mul3A_109, %add3A_110 : i32
      %gt3A_112 = arith.constant 0 : i32
      %gt3A_113 = arith.cmpi sgt, %scan3A_87, %gt3A_112 : i32
      %convert_element_type3A_114 = arith.extui %gt3A_113 : i1 to i32
      %cond3A_115 = arith.constant 0 : i32
      %cond3A_116 = arith.cmpi ne, %convert_element_type3A_114, %cond3A_115 : i32
      scf.if %cond3A_116 {
        %dma_wait3A_361 = arith.constant 1 : i32
        %dma_wait3A_362 = arith.constant 1 : i32
        %dma_wait3A_363 = arith.constant 0 : i32
        %dma_wait3A_364 = arith.constant 0 : i32
        %dma_wait3A_365 = tpu.memref_slice %arg8[%dma_wait3A_361, %dma_wait3A_363, %dma_wait3A_364] : memref<5x80x32xf32, #tpu.memory_space<vmem>> -> memref<1x80x32xf32, #tpu.memory_space<vmem>>
        %dma_wait3A_366 = tpu.memref_squeeze %dma_wait3A_365 : memref<1x80x32xf32, #tpu.memory_space<vmem>> -> memref<80x32xf32, #tpu.memory_space<vmem>>
        %dma_wait3A_367 = arith.constant 0 : i32
        %dma_wait3A_368 = tpu.memref_slice %arg10[%dma_wait3A_367] : memref<10000xi32, #tpu.memory_space<vmem>> -> memref<80xi32, #tpu.memory_space<vmem>>
        %dma_wait3A_369 = arith.constant 0 : i32
        %dma_wait3A_370 = arith.constant 0 : i32
        %dma_wait3A_371 = tpu.memref_slice %arg6[%dma_wait3A_369, %dma_wait3A_370] : memref<10112x32xf32, #tpu.memory_space<vmem_shared>> -> memref<10112x32xf32, #tpu.memory_space<vmem_shared>>
        %dma_wait3A_372 = tpu.memref_slice %arg12[%dma_wait3A_362] : memref<5x!tpu.dma_semaphore, #tpu.memory_space<semaphore_mem>> -> memref<1x!tpu.dma_semaphore, #tpu.memory_space<semaphore_mem>>
        %dma_wait3A_373 = tpu.memref_squeeze %dma_wait3A_372 : memref<1x!tpu.dma_semaphore, #tpu.memory_space<semaphore_mem>> -> memref<!tpu.dma_semaphore, #tpu.memory_space<semaphore_mem>>
        tpu.wait_indirect_dma semaphore(%dma_wait3A_373 : memref<!tpu.dma_semaphore, #tpu.memory_space<semaphore_mem>>) src(%dma_wait3A_366 : memref<80x32xf32, #tpu.memory_space<vmem>>) dst(%dma_wait3A_371 : memref<10112x32xf32, #tpu.memory_space<vmem_shared>>)
      } else {
      }
      %mul3A_117 = arith.constant 80 : i32
      %mul3A_118 = arith.muli %add3A_111, %mul3A_117 : i32
      %dma_start3A_119 = arith.constant 1 : i32
      %dma_start3A_120 = arith.constant 1 : i32
      %dma_start3A_121 = arith.constant 0 : i32
      %dma_start3A_122 = arith.constant 0 : i32
      %dma_start3A_123 = tpu.memref_slice %arg8[%dma_start3A_119, %dma_start3A_121, %dma_start3A_122] : memref<5x80x32xf32, #tpu.memory_space<vmem>> -> memref<1x80x32xf32, #tpu.memory_space<vmem>>
      %dma_start3A_124 = tpu.memref_squeeze %dma_start3A_123 : memref<1x80x32xf32, #tpu.memory_space<vmem>> -> memref<80x32xf32, #tpu.memory_space<vmem>>
      %dma_start3A_125 = tpu.memref_slice %arg9[%mul3A_118] : memref<10000xi32, #tpu.memory_space<vmem>> -> memref<80xi32, #tpu.memory_space<vmem>>
      %dma_start3A_126 = arith.constant 0 : i32
      %dma_start3A_127 = arith.constant 0 : i32
      %dma_start3A_128 = tpu.memref_slice %arg7[%dma_start3A_126, %dma_start3A_127] : memref<10000x32xf32, #tpu.memory_space<vmem_shared>> -> memref<10000x32xf32, #tpu.memory_space<vmem_shared>>
      %dma_start3A_129 = tpu.memref_slice %arg11[%dma_start3A_120] : memref<5x!tpu.dma_semaphore, #tpu.memory_space<semaphore_mem>> -> memref<1x!tpu.dma_semaphore, #tpu.memory_space<semaphore_mem>>
      %dma_start3A_130 = tpu.memref_squeeze %dma_start3A_129 : memref<1x!tpu.dma_semaphore, #tpu.memory_space<semaphore_mem>> -> memref<!tpu.dma_semaphore, #tpu.memory_space<semaphore_mem>>
      tpu.enqueue_indirect_dma source(%dma_start3A_128 : memref<10000x32xf32, #tpu.memory_space<vmem_shared>>) target(%dma_start3A_124 : memref<80x32xf32, #tpu.memory_space<vmem>>) offsets(%dma_start3A_125 : memref<80xi32, #tpu.memory_space<vmem>>) semaphore(%dma_start3A_130 : memref<!tpu.dma_semaphore, #tpu.memory_space<semaphore_mem>>)
      %mul3A_131 = arith.constant 5 : i32
      %mul3A_132 = arith.muli %scan3A_87, %mul3A_131 : i32
      %add3A_133 = arith.constant 2 : i32
      %add3A_134 = arith.addi %mul3A_132, %add3A_133 : i32
      %gt3A_135 = arith.constant 0 : i32
      %gt3A_136 = arith.cmpi sgt, %scan3A_87, %gt3A_135 : i32
      %convert_element_type3A_137 = arith.extui %gt3A_136 : i1 to i32
      %cond3A_138 = arith.constant 0 : i32
      %cond3A_139 = arith.cmpi ne, %convert_element_type3A_137, %cond3A_138 : i32
      scf.if %cond3A_139 {
        %dma_wait3A_361 = arith.constant 2 : i32
        %dma_wait3A_362 = arith.constant 2 : i32
        %dma_wait3A_363 = arith.constant 0 : i32
        %dma_wait3A_364 = arith.constant 0 : i32
        %dma_wait3A_365 = tpu.memref_slice %arg8[%dma_wait3A_361, %dma_wait3A_363, %dma_wait3A_364] : memref<5x80x32xf32, #tpu.memory_space<vmem>> -> memref<1x80x32xf32, #tpu.memory_space<vmem>>
        %dma_wait3A_366 = tpu.memref_squeeze %dma_wait3A_365 : memref<1x80x32xf32, #tpu.memory_space<vmem>> -> memref<80x32xf32, #tpu.memory_space<vmem>>
        %dma_wait3A_367 = arith.constant 0 : i32
        %dma_wait3A_368 = tpu.memref_slice %arg10[%dma_wait3A_367] : memref<10000xi32, #tpu.memory_space<vmem>> -> memref<80xi32, #tpu.memory_space<vmem>>
        %dma_wait3A_369 = arith.constant 0 : i32
        %dma_wait3A_370 = arith.constant 0 : i32
        %dma_wait3A_371 = tpu.memref_slice %arg6[%dma_wait3A_369, %dma_wait3A_370] : memref<10112x32xf32, #tpu.memory_space<vmem_shared>> -> memref<10112x32xf32, #tpu.memory_space<vmem_shared>>
        %dma_wait3A_372 = tpu.memref_slice %arg12[%dma_wait3A_362] : memref<5x!tpu.dma_semaphore, #tpu.memory_space<semaphore_mem>> -> memref<1x!tpu.dma_semaphore, #tpu.memory_space<semaphore_mem>>
        %dma_wait3A_373 = tpu.memref_squeeze %dma_wait3A_372 : memref<1x!tpu.dma_semaphore, #tpu.memory_space<semaphore_mem>> -> memref<!tpu.dma_semaphore, #tpu.memory_space<semaphore_mem>>
        tpu.wait_indirect_dma semaphore(%dma_wait3A_373 : memref<!tpu.dma_semaphore, #tpu.memory_space<semaphore_mem>>) src(%dma_wait3A_366 : memref<80x32xf32, #tpu.memory_space<vmem>>) dst(%dma_wait3A_371 : memref<10112x32xf32, #tpu.memory_space<vmem_shared>>)
      } else {
      }
      %mul3A_140 = arith.constant 80 : i32
      %mul3A_141 = arith.muli %add3A_134, %mul3A_140 : i32
      %dma_start3A_142 = arith.constant 2 : i32
      %dma_start3A_143 = arith.constant 2 : i32
      %dma_start3A_144 = arith.constant 0 : i32
      %dma_start3A_145 = arith.constant 0 : i32
      %dma_start3A_146 = tpu.memref_slice %arg8[%dma_start3A_142, %dma_start3A_144, %dma_start3A_145] : memref<5x80x32xf32, #tpu.memory_space<vmem>> -> memref<1x80x32xf32, #tpu.memory_space<vmem>>
      %dma_start3A_147 = tpu.memref_squeeze %dma_start3A_146 : memref<1x80x32xf32, #tpu.memory_space<vmem>> -> memref<80x32xf32, #tpu.memory_space<vmem>>
      %dma_start3A_148 = tpu.memref_slice %arg9[%mul3A_141] : memref<10000xi32, #tpu.memory_space<vmem>> -> memref<80xi32, #tpu.memory_space<vmem>>
      %dma_start3A_149 = arith.constant 0 : i32
      %dma_start3A_150 = arith.constant 0 : i32
      %dma_start3A_151 = tpu.memref_slice %arg7[%dma_start3A_149, %dma_start3A_150] : memref<10000x32xf32, #tpu.memory_space<vmem_shared>> -> memref<10000x32xf32, #tpu.memory_space<vmem_shared>>
      %dma_start3A_152 = tpu.memref_slice %arg11[%dma_start3A_143] : memref<5x!tpu.dma_semaphore, #tpu.memory_space<semaphore_mem>> -> memref<1x!tpu.dma_semaphore, #tpu.memory_space<semaphore_mem>>
      %dma_start3A_153 = tpu.memref_squeeze %dma_start3A_152 : memref<1x!tpu.dma_semaphore, #tpu.memory_space<semaphore_mem>> -> memref<!tpu.dma_semaphore, #tpu.memory_space<semaphore_mem>>
      tpu.enqueue_indirect_dma source(%dma_start3A_151 : memref<10000x32xf32, #tpu.memory_space<vmem_shared>>) target(%dma_start3A_147 : memref<80x32xf32, #tpu.memory_space<vmem>>) offsets(%dma_start3A_148 : memref<80xi32, #tpu.memory_space<vmem>>) semaphore(%dma_start3A_153 : memref<!tpu.dma_semaphore, #tpu.memory_space<semaphore_mem>>)
      %mul3A_154 = arith.constant 5 : i32
      %mul3A_155 = arith.muli %scan3A_87, %mul3A_154 : i32
      %add3A_156 = arith.constant 3 : i32
      %add3A_157 = arith.addi %mul3A_155, %add3A_156 : i32
      %gt3A_158 = arith.constant 0 : i32
      %gt3A_159 = arith.cmpi sgt, %scan3A_87, %gt3A_158 : i32
      %convert_element_type3A_160 = arith.extui %gt3A_159 : i1 to i32
      %cond3A_161 = arith.constant 0 : i32
      %cond3A_162 = arith.cmpi ne, %convert_element_type3A_160, %cond3A_161 : i32
      scf.if %cond3A_162 {
        %dma_wait3A_361 = arith.constant 3 : i32
        %dma_wait3A_362 = arith.constant 3 : i32
        %dma_wait3A_363 = arith.constant 0 : i32
        %dma_wait3A_364 = arith.constant 0 : i32
        %dma_wait3A_365 = tpu.memref_slice %arg8[%dma_wait3A_361, %dma_wait3A_363, %dma_wait3A_364] : memref<5x80x32xf32, #tpu.memory_space<vmem>> -> memref<1x80x32xf32, #tpu.memory_space<vmem>>
        %dma_wait3A_366 = tpu.memref_squeeze %dma_wait3A_365 : memref<1x80x32xf32, #tpu.memory_space<vmem>> -> memref<80x32xf32, #tpu.memory_space<vmem>>
        %dma_wait3A_367 = arith.constant 0 : i32
        %dma_wait3A_368 = tpu.memref_slice %arg10[%dma_wait3A_367] : memref<10000xi32, #tpu.memory_space<vmem>> -> memref<80xi32, #tpu.memory_space<vmem>>
        %dma_wait3A_369 = arith.constant 0 : i32
        %dma_wait3A_370 = arith.constant 0 : i32
        %dma_wait3A_371 = tpu.memref_slice %arg6[%dma_wait3A_369, %dma_wait3A_370] : memref<10112x32xf32, #tpu.memory_space<vmem_shared>> -> memref<10112x32xf32, #tpu.memory_space<vmem_shared>>
        %dma_wait3A_372 = tpu.memref_slice %arg12[%dma_wait3A_362] : memref<5x!tpu.dma_semaphore, #tpu.memory_space<semaphore_mem>> -> memref<1x!tpu.dma_semaphore, #tpu.memory_space<semaphore_mem>>
        %dma_wait3A_373 = tpu.memref_squeeze %dma_wait3A_372 : memref<1x!tpu.dma_semaphore, #tpu.memory_space<semaphore_mem>> -> memref<!tpu.dma_semaphore, #tpu.memory_space<semaphore_mem>>
        tpu.wait_indirect_dma semaphore(%dma_wait3A_373 : memref<!tpu.dma_semaphore, #tpu.memory_space<semaphore_mem>>) src(%dma_wait3A_366 : memref<80x32xf32, #tpu.memory_space<vmem>>) dst(%dma_wait3A_371 : memref<10112x32xf32, #tpu.memory_space<vmem_shared>>)
      } else {
      }
      %mul3A_163 = arith.constant 80 : i32
      %mul3A_164 = arith.muli %add3A_157, %mul3A_163 : i32
      %dma_start3A_165 = arith.constant 3 : i32
      %dma_start3A_166 = arith.constant 3 : i32
      %dma_start3A_167 = arith.constant 0 : i32
      %dma_start3A_168 = arith.constant 0 : i32
      %dma_start3A_169 = tpu.memref_slice %arg8[%dma_start3A_165, %dma_start3A_167, %dma_start3A_168] : memref<5x80x32xf32, #tpu.memory_space<vmem>> -> memref<1x80x32xf32, #tpu.memory_space<vmem>>
      %dma_start3A_170 = tpu.memref_squeeze %dma_start3A_169 : memref<1x80x32xf32, #tpu.memory_space<vmem>> -> memref<80x32xf32, #tpu.memory_space<vmem>>
      %dma_start3A_171 = tpu.memref_slice %arg9[%mul3A_164] : memref<10000xi32, #tpu.memory_space<vmem>> -> memref<80xi32, #tpu.memory_space<vmem>>
      %dma_start3A_172 = arith.constant 0 : i32
      %dma_start3A_173 = arith.constant 0 : i32
      %dma_start3A_174 = tpu.memref_slice %arg7[%dma_start3A_172, %dma_start3A_173] : memref<10000x32xf32, #tpu.memory_space<vmem_shared>> -> memref<10000x32xf32, #tpu.memory_space<vmem_shared>>
      %dma_start3A_175 = tpu.memref_slice %arg11[%dma_start3A_166] : memref<5x!tpu.dma_semaphore, #tpu.memory_space<semaphore_mem>> -> memref<1x!tpu.dma_semaphore, #tpu.memory_space<semaphore_mem>>
      %dma_start3A_176 = tpu.memref_squeeze %dma_start3A_175 : memref<1x!tpu.dma_semaphore, #tpu.memory_space<semaphore_mem>> -> memref<!tpu.dma_semaphore, #tpu.memory_space<semaphore_mem>>
      tpu.enqueue_indirect_dma source(%dma_start3A_174 : memref<10000x32xf32, #tpu.memory_space<vmem_shared>>) target(%dma_start3A_170 : memref<80x32xf32, #tpu.memory_space<vmem>>) offsets(%dma_start3A_171 : memref<80xi32, #tpu.memory_space<vmem>>) semaphore(%dma_start3A_176 : memref<!tpu.dma_semaphore, #tpu.memory_space<semaphore_mem>>)
      %mul3A_177 = arith.constant 5 : i32
      %mul3A_178 = arith.muli %scan3A_87, %mul3A_177 : i32
      %add3A_179 = arith.constant 4 : i32
      %add3A_180 = arith.addi %mul3A_178, %add3A_179 : i32
      %gt3A_181 = arith.constant 0 : i32
      %gt3A_182 = arith.cmpi sgt, %scan3A_87, %gt3A_181 : i32
      %convert_element_type3A_183 = arith.extui %gt3A_182 : i1 to i32
      %cond3A_184 = arith.constant 0 : i32
      %cond3A_185 = arith.cmpi ne, %convert_element_type3A_183, %cond3A_184 : i32
      scf.if %cond3A_185 {
        %dma_wait3A_361 = arith.constant 4 : i32
        %dma_wait3A_362 = arith.constant 4 : i32
        %dma_wait3A_363 = arith.constant 0 : i32
        %dma_wait3A_364 = arith.constant 0 : i32
        %dma_wait3A_365 = tpu.memref_slice %arg8[%dma_wait3A_361, %dma_wait3A_363, %dma_wait3A_364] : memref<5x80x32xf32, #tpu.memory_space<vmem>> -> memref<1x80x32xf32, #tpu.memory_space<vmem>>
        %dma_wait3A_366 = tpu.memref_squeeze %dma_wait3A_365 : memref<1x80x32xf32, #tpu.memory_space<vmem>> -> memref<80x32xf32, #tpu.memory_space<vmem>>
        %dma_wait3A_367 = arith.constant 0 : i32
        %dma_wait3A_368 = tpu.memref_slice %arg10[%dma_wait3A_367] : memref<10000xi32, #tpu.memory_space<vmem>> -> memref<80xi32, #tpu.memory_space<vmem>>
        %dma_wait3A_369 = arith.constant 0 : i32
        %dma_wait3A_370 = arith.constant 0 : i32
        %dma_wait3A_371 = tpu.memref_slice %arg6[%dma_wait3A_369, %dma_wait3A_370] : memref<10112x32xf32, #tpu.memory_space<vmem_shared>> -> memref<10112x32xf32, #tpu.memory_space<vmem_shared>>
        %dma_wait3A_372 = tpu.memref_slice %arg12[%dma_wait3A_362] : memref<5x!tpu.dma_semaphore, #tpu.memory_space<semaphore_mem>> -> memref<1x!tpu.dma_semaphore, #tpu.memory_space<semaphore_mem>>
        %dma_wait3A_373 = tpu.memref_squeeze %dma_wait3A_372 : memref<1x!tpu.dma_semaphore, #tpu.memory_space<semaphore_mem>> -> memref<!tpu.dma_semaphore, #tpu.memory_space<semaphore_mem>>
        tpu.wait_indirect_dma semaphore(%dma_wait3A_373 : memref<!tpu.dma_semaphore, #tpu.memory_space<semaphore_mem>>) src(%dma_wait3A_366 : memref<80x32xf32, #tpu.memory_space<vmem>>) dst(%dma_wait3A_371 : memref<10112x32xf32, #tpu.memory_space<vmem_shared>>)
      } else {
      }
      %mul3A_186 = arith.constant 80 : i32
      %mul3A_187 = arith.muli %add3A_180, %mul3A_186 : i32
      %dma_start3A_188 = arith.constant 4 : i32
      %dma_start3A_189 = arith.constant 4 : i32
      %dma_start3A_190 = arith.constant 0 : i32
      %dma_start3A_191 = arith.constant 0 : i32
      %dma_start3A_192 = tpu.memref_slice %arg8[%dma_start3A_188, %dma_start3A_190, %dma_start3A_191] : memref<5x80x32xf32, #tpu.memory_space<vmem>> -> memref<1x80x32xf32, #tpu.memory_space<vmem>>
      %dma_start3A_193 = tpu.memref_squeeze %dma_start3A_192 : memref<1x80x32xf32, #tpu.memory_space<vmem>> -> memref<80x32xf32, #tpu.memory_space<vmem>>
      %dma_start3A_194 = tpu.memref_slice %arg9[%mul3A_187] : memref<10000xi32, #tpu.memory_space<vmem>> -> memref<80xi32, #tpu.memory_space<vmem>>
      %dma_start3A_195 = arith.constant 0 : i32
      %dma_start3A_196 = arith.constant 0 : i32
      %dma_start3A_197 = tpu.memref_slice %arg7[%dma_start3A_195, %dma_start3A_196] : memref<10000x32xf32, #tpu.memory_space<vmem_shared>> -> memref<10000x32xf32, #tpu.memory_space<vmem_shared>>
      %dma_start3A_198 = tpu.memref_slice %arg11[%dma_start3A_189] : memref<5x!tpu.dma_semaphore, #tpu.memory_space<semaphore_mem>> -> memref<1x!tpu.dma_semaphore, #tpu.memory_space<semaphore_mem>>
      %dma_start3A_199 = tpu.memref_squeeze %dma_start3A_198 : memref<1x!tpu.dma_semaphore, #tpu.memory_space<semaphore_mem>> -> memref<!tpu.dma_semaphore, #tpu.memory_space<semaphore_mem>>
      tpu.enqueue_indirect_dma source(%dma_start3A_197 : memref<10000x32xf32, #tpu.memory_space<vmem_shared>>) target(%dma_start3A_193 : memref<80x32xf32, #tpu.memory_space<vmem>>) offsets(%dma_start3A_194 : memref<80xi32, #tpu.memory_space<vmem>>) semaphore(%dma_start3A_199 : memref<!tpu.dma_semaphore, #tpu.memory_space<semaphore_mem>>)
      %mul3A_200 = arith.constant 5 : i32
      %mul3A_201 = arith.muli %scan3A_87, %mul3A_200 : i32
      %add3A_202 = arith.constant 0 : i32
      %add3A_203 = arith.addi %mul3A_201, %add3A_202 : i32
      %mul3A_204 = arith.constant 80 : i32
      %mul3A_205 = arith.muli %add3A_203, %mul3A_204 : i32
      %dma_wait3A_206 = arith.constant 0 : i32
      %dma_wait3A_207 = arith.constant 0 : i32
      %dma_wait3A_208 = arith.constant 0 : i32
      %dma_wait3A_209 = arith.constant 0 : i32
      %dma_wait3A_210 = tpu.memref_slice %arg8[%dma_wait3A_206, %dma_wait3A_208, %dma_wait3A_209] : memref<5x80x32xf32, #tpu.memory_space<vmem>> -> memref<1x80x32xf32, #tpu.memory_space<vmem>>
      %dma_wait3A_211 = tpu.memref_squeeze %dma_wait3A_210 : memref<1x80x32xf32, #tpu.memory_space<vmem>> -> memref<80x32xf32, #tpu.memory_space<vmem>>
      %dma_wait3A_212 = tpu.memref_slice %arg9[%mul3A_205] : memref<10000xi32, #tpu.memory_space<vmem>> -> memref<80xi32, #tpu.memory_space<vmem>>
      %dma_wait3A_213 = arith.constant 0 : i32
      %dma_wait3A_214 = arith.constant 0 : i32
      %dma_wait3A_215 = tpu.memref_slice %arg7[%dma_wait3A_213, %dma_wait3A_214] : memref<10000x32xf32, #tpu.memory_space<vmem_shared>> -> memref<10000x32xf32, #tpu.memory_space<vmem_shared>>
      %dma_wait3A_216 = tpu.memref_slice %arg11[%dma_wait3A_207] : memref<5x!tpu.dma_semaphore, #tpu.memory_space<semaphore_mem>> -> memref<1x!tpu.dma_semaphore, #tpu.memory_space<semaphore_mem>>
      %dma_wait3A_217 = tpu.memref_squeeze %dma_wait3A_216 : memref<1x!tpu.dma_semaphore, #tpu.memory_space<semaphore_mem>> -> memref<!tpu.dma_semaphore, #tpu.memory_space<semaphore_mem>>
      tpu.wait_indirect_dma semaphore(%dma_wait3A_217 : memref<!tpu.dma_semaphore, #tpu.memory_space<semaphore_mem>>) src(%dma_wait3A_215 : memref<10000x32xf32, #tpu.memory_space<vmem_shared>>) dst(%dma_wait3A_211 : memref<80x32xf32, #tpu.memory_space<vmem>>)
      %mul3A_218 = arith.constant 80 : i32
      %mul3A_219 = arith.muli %add3A_203, %mul3A_218 : i32
      %dma_start3A_220 = arith.constant 0 : i32
      %dma_start3A_221 = arith.constant 0 : i32
      %dma_start3A_222 = arith.constant 0 : i32
      %dma_start3A_223 = arith.constant 0 : i32
      %dma_start3A_224 = tpu.memref_slice %arg8[%dma_start3A_220, %dma_start3A_222, %dma_start3A_223] : memref<5x80x32xf32, #tpu.memory_space<vmem>> -> memref<1x80x32xf32, #tpu.memory_space<vmem>>
      %dma_start3A_225 = tpu.memref_squeeze %dma_start3A_224 : memref<1x80x32xf32, #tpu.memory_space<vmem>> -> memref<80x32xf32, #tpu.memory_space<vmem>>
      %dma_start3A_226 = tpu.memref_slice %arg10[%mul3A_219] : memref<10000xi32, #tpu.memory_space<vmem>> -> memref<80xi32, #tpu.memory_space<vmem>>
      %dma_start3A_227 = arith.constant 0 : i32
      %dma_start3A_228 = arith.constant 0 : i32
      %dma_start3A_229 = tpu.memref_slice %arg6[%dma_start3A_227, %dma_start3A_228] : memref<10112x32xf32, #tpu.memory_space<vmem_shared>> -> memref<10112x32xf32, #tpu.memory_space<vmem_shared>>
      %dma_start3A_230 = tpu.memref_slice %arg12[%dma_start3A_221] : memref<5x!tpu.dma_semaphore, #tpu.memory_space<semaphore_mem>> -> memref<1x!tpu.dma_semaphore, #tpu.memory_space<semaphore_mem>>
      %dma_start3A_231 = tpu.memref_squeeze %dma_start3A_230 : memref<1x!tpu.dma_semaphore, #tpu.memory_space<semaphore_mem>> -> memref<!tpu.dma_semaphore, #tpu.memory_space<semaphore_mem>>
      tpu.enqueue_indirect_dma source(%dma_start3A_225 : memref<80x32xf32, #tpu.memory_space<vmem>>) target(%dma_start3A_229 : memref<10112x32xf32, #tpu.memory_space<vmem_shared>>) offsets(%dma_start3A_226 : memref<80xi32, #tpu.memory_space<vmem>>) semaphore(%dma_start3A_231 : memref<!tpu.dma_semaphore, #tpu.memory_space<semaphore_mem>>) {add = true}
      %mul3A_232 = arith.constant 5 : i32
      %mul3A_233 = arith.muli %scan3A_87, %mul3A_232 : i32
      %add3A_234 = arith.constant 1 : i32
      %add3A_235 = arith.addi %mul3A_233, %add3A_234 : i32
      %mul3A_236 = arith.constant 80 : i32
      %mul3A_237 = arith.muli %add3A_235, %mul3A_236 : i32
      %dma_wait3A_238 = arith.constant 1 : i32
      %dma_wait3A_239 = arith.constant 1 : i32
      %dma_wait3A_240 = arith.constant 0 : i32
      %dma_wait3A_241 = arith.constant 0 : i32
      %dma_wait3A_242 = tpu.memref_slice %arg8[%dma_wait3A_238, %dma_wait3A_240, %dma_wait3A_241] : memref<5x80x32xf32, #tpu.memory_space<vmem>> -> memref<1x80x32xf32, #tpu.memory_space<vmem>>
      %dma_wait3A_243 = tpu.memref_squeeze %dma_wait3A_242 : memref<1x80x32xf32, #tpu.memory_space<vmem>> -> memref<80x32xf32, #tpu.memory_space<vmem>>
      %dma_wait3A_244 = tpu.memref_slice %arg9[%mul3A_237] : memref<10000xi32, #tpu.memory_space<vmem>> -> memref<80xi32, #tpu.memory_space<vmem>>
      %dma_wait3A_245 = arith.constant 0 : i32
      %dma_wait3A_246 = arith.constant 0 : i32
      %dma_wait3A_247 = tpu.memref_slice %arg7[%dma_wait3A_245, %dma_wait3A_246] : memref<10000x32xf32, #tpu.memory_space<vmem_shared>> -> memref<10000x32xf32, #tpu.memory_space<vmem_shared>>
      %dma_wait3A_248 = tpu.memref_slice %arg11[%dma_wait3A_239] : memref<5x!tpu.dma_semaphore, #tpu.memory_space<semaphore_mem>> -> memref<1x!tpu.dma_semaphore, #tpu.memory_space<semaphore_mem>>
      %dma_wait3A_249 = tpu.memref_squeeze %dma_wait3A_248 : memref<1x!tpu.dma_semaphore, #tpu.memory_space<semaphore_mem>> -> memref<!tpu.dma_semaphore, #tpu.memory_space<semaphore_mem>>
      tpu.wait_indirect_dma semaphore(%dma_wait3A_249 : memref<!tpu.dma_semaphore, #tpu.memory_space<semaphore_mem>>) src(%dma_wait3A_247 : memref<10000x32xf32, #tpu.memory_space<vmem_shared>>) dst(%dma_wait3A_243 : memref<80x32xf32, #tpu.memory_space<vmem>>)
      %mul3A_250 = arith.constant 80 : i32
      %mul3A_251 = arith.muli %add3A_235, %mul3A_250 : i32
      %dma_start3A_252 = arith.constant 1 : i32
      %dma_start3A_253 = arith.constant 1 : i32
      %dma_start3A_254 = arith.constant 0 : i32
      %dma_start3A_255 = arith.constant 0 : i32
      %dma_start3A_256 = tpu.memref_slice %arg8[%dma_start3A_252, %dma_start3A_254, %dma_start3A_255] : memref<5x80x32xf32, #tpu.memory_space<vmem>> -> memref<1x80x32xf32, #tpu.memory_space<vmem>>
      %dma_start3A_257 = tpu.memref_squeeze %dma_start3A_256 : memref<1x80x32xf32, #tpu.memory_space<vmem>> -> memref<80x32xf32, #tpu.memory_space<vmem>>
      %dma_start3A_258 = tpu.memref_slice %arg10[%mul3A_251] : memref<10000xi32, #tpu.memory_space<vmem>> -> memref<80xi32, #tpu.memory_space<vmem>>
      %dma_start3A_259 = arith.constant 0 : i32
      %dma_start3A_260 = arith.constant 0 : i32
      %dma_start3A_261 = tpu.memref_slice %arg6[%dma_start3A_259, %dma_start3A_260] : memref<10112x32xf32, #tpu.memory_space<vmem_shared>> -> memref<10112x32xf32, #tpu.memory_space<vmem_shared>>
      %dma_start3A_262 = tpu.memref_slice %arg12[%dma_start3A_253] : memref<5x!tpu.dma_semaphore, #tpu.memory_space<semaphore_mem>> -> memref<1x!tpu.dma_semaphore, #tpu.memory_space<semaphore_mem>>
      %dma_start3A_263 = tpu.memref_squeeze %dma_start3A_262 : memref<1x!tpu.dma_semaphore, #tpu.memory_space<semaphore_mem>> -> memref<!tpu.dma_semaphore, #tpu.memory_space<semaphore_mem>>
      tpu.enqueue_indirect_dma source(%dma_start3A_257 : memref<80x32xf32, #tpu.memory_space<vmem>>) target(%dma_start3A_261 : memref<10112x32xf32, #tpu.memory_space<vmem_shared>>) offsets(%dma_start3A_258 : memref<80xi32, #tpu.memory_space<vmem>>) semaphore(%dma_start3A_263 : memref<!tpu.dma_semaphore, #tpu.memory_space<semaphore_mem>>) {add = true}
      %mul3A_264 = arith.constant 5 : i32
      %mul3A_265 = arith.muli %scan3A_87, %mul3A_264 : i32
      %add3A_266 = arith.constant 2 : i32
      %add3A_267 = arith.addi %mul3A_265, %add3A_266 : i32
      %mul3A_268 = arith.constant 80 : i32
      %mul3A_269 = arith.muli %add3A_267, %mul3A_268 : i32
      %dma_wait3A_270 = arith.constant 2 : i32
      %dma_wait3A_271 = arith.constant 2 : i32
      %dma_wait3A_272 = arith.constant 0 : i32
      %dma_wait3A_273 = arith.constant 0 : i32
      %dma_wait3A_274 = tpu.memref_slice %arg8[%dma_wait3A_270, %dma_wait3A_272, %dma_wait3A_273] : memref<5x80x32xf32, #tpu.memory_space<vmem>> -> memref<1x80x32xf32, #tpu.memory_space<vmem>>
      %dma_wait3A_275 = tpu.memref_squeeze %dma_wait3A_274 : memref<1x80x32xf32, #tpu.memory_space<vmem>> -> memref<80x32xf32, #tpu.memory_space<vmem>>
      %dma_wait3A_276 = tpu.memref_slice %arg9[%mul3A_269] : memref<10000xi32, #tpu.memory_space<vmem>> -> memref<80xi32, #tpu.memory_space<vmem>>
      %dma_wait3A_277 = arith.constant 0 : i32
      %dma_wait3A_278 = arith.constant 0 : i32
      %dma_wait3A_279 = tpu.memref_slice %arg7[%dma_wait3A_277, %dma_wait3A_278] : memref<10000x32xf32, #tpu.memory_space<vmem_shared>> -> memref<10000x32xf32, #tpu.memory_space<vmem_shared>>
      %dma_wait3A_280 = tpu.memref_slice %arg11[%dma_wait3A_271] : memref<5x!tpu.dma_semaphore, #tpu.memory_space<semaphore_mem>> -> memref<1x!tpu.dma_semaphore, #tpu.memory_space<semaphore_mem>>
      %dma_wait3A_281 = tpu.memref_squeeze %dma_wait3A_280 : memref<1x!tpu.dma_semaphore, #tpu.memory_space<semaphore_mem>> -> memref<!tpu.dma_semaphore, #tpu.memory_space<semaphore_mem>>
      tpu.wait_indirect_dma semaphore(%dma_wait3A_281 : memref<!tpu.dma_semaphore, #tpu.memory_space<semaphore_mem>>) src(%dma_wait3A_279 : memref<10000x32xf32, #tpu.memory_space<vmem_shared>>) dst(%dma_wait3A_275 : memref<80x32xf32, #tpu.memory_space<vmem>>)
      %mul3A_282 = arith.constant 80 : i32
      %mul3A_283 = arith.muli %add3A_267, %mul3A_282 : i32
      %dma_start3A_284 = arith.constant 2 : i32
      %dma_start3A_285 = arith.constant 2 : i32
      %dma_start3A_286 = arith.constant 0 : i32
      %dma_start3A_287 = arith.constant 0 : i32
      %dma_start3A_288 = tpu.memref_slice %arg8[%dma_start3A_284, %dma_start3A_286, %dma_start3A_287] : memref<5x80x32xf32, #tpu.memory_space<vmem>> -> memref<1x80x32xf32, #tpu.memory_space<vmem>>
      %dma_start3A_289 = tpu.memref_squeeze %dma_start3A_288 : memref<1x80x32xf32, #tpu.memory_space<vmem>> -> memref<80x32xf32, #tpu.memory_space<vmem>>
      %dma_start3A_290 = tpu.memref_slice %arg10[%mul3A_283] : memref<10000xi32, #tpu.memory_space<vmem>> -> memref<80xi32, #tpu.memory_space<vmem>>
      %dma_start3A_291 = arith.constant 0 : i32
      %dma_start3A_292 = arith.constant 0 : i32
      %dma_start3A_293 = tpu.memref_slice %arg6[%dma_start3A_291, %dma_start3A_292] : memref<10112x32xf32, #tpu.memory_space<vmem_shared>> -> memref<10112x32xf32, #tpu.memory_space<vmem_shared>>
      %dma_start3A_294 = tpu.memref_slice %arg12[%dma_start3A_285] : memref<5x!tpu.dma_semaphore, #tpu.memory_space<semaphore_mem>> -> memref<1x!tpu.dma_semaphore, #tpu.memory_space<semaphore_mem>>
      %dma_start3A_295 = tpu.memref_squeeze %dma_start3A_294 : memref<1x!tpu.dma_semaphore, #tpu.memory_space<semaphore_mem>> -> memref<!tpu.dma_semaphore, #tpu.memory_space<semaphore_mem>>
      tpu.enqueue_indirect_dma source(%dma_start3A_289 : memref<80x32xf32, #tpu.memory_space<vmem>>) target(%dma_start3A_293 : memref<10112x32xf32, #tpu.memory_space<vmem_shared>>) offsets(%dma_start3A_290 : memref<80xi32, #tpu.memory_space<vmem>>) semaphore(%dma_start3A_295 : memref<!tpu.dma_semaphore, #tpu.memory_space<semaphore_mem>>) {add = true}
      %mul3A_296 = arith.constant 5 : i32
      %mul3A_297 = arith.muli %scan3A_87, %mul3A_296 : i32
      %add3A_298 = arith.constant 3 : i32
      %add3A_299 = arith.addi %mul3A_297, %add3A_298 : i32
      %mul3A_300 = arith.constant 80 : i32
      %mul3A_301 = arith.muli %add3A_299, %mul3A_300 : i32
      %dma_wait3A_302 = arith.constant 3 : i32
      %dma_wait3A_303 = arith.constant 3 : i32
      %dma_wait3A_304 = arith.constant 0 : i32
      %dma_wait3A_305 = arith.constant 0 : i32
      %dma_wait3A_306 = tpu.memref_slice %arg8[%dma_wait3A_302, %dma_wait3A_304, %dma_wait3A_305] : memref<5x80x32xf32, #tpu.memory_space<vmem>> -> memref<1x80x32xf32, #tpu.memory_space<vmem>>
      %dma_wait3A_307 = tpu.memref_squeeze %dma_wait3A_306 : memref<1x80x32xf32, #tpu.memory_space<vmem>> -> memref<80x32xf32, #tpu.memory_space<vmem>>
      %dma_wait3A_308 = tpu.memref_slice %arg9[%mul3A_301] : memref<10000xi32, #tpu.memory_space<vmem>> -> memref<80xi32, #tpu.memory_space<vmem>>
      %dma_wait3A_309 = arith.constant 0 : i32
      %dma_wait3A_310 = arith.constant 0 : i32
      %dma_wait3A_311 = tpu.memref_slice %arg7[%dma_wait3A_309, %dma_wait3A_310] : memref<10000x32xf32, #tpu.memory_space<vmem_shared>> -> memref<10000x32xf32, #tpu.memory_space<vmem_shared>>
      %dma_wait3A_312 = tpu.memref_slice %arg11[%dma_wait3A_303] : memref<5x!tpu.dma_semaphore, #tpu.memory_space<semaphore_mem>> -> memref<1x!tpu.dma_semaphore, #tpu.memory_space<semaphore_mem>>
      %dma_wait3A_313 = tpu.memref_squeeze %dma_wait3A_312 : memref<1x!tpu.dma_semaphore, #tpu.memory_space<semaphore_mem>> -> memref<!tpu.dma_semaphore, #tpu.memory_space<semaphore_mem>>
      tpu.wait_indirect_dma semaphore(%dma_wait3A_313 : memref<!tpu.dma_semaphore, #tpu.memory_space<semaphore_mem>>) src(%dma_wait3A_311 : memref<10000x32xf32, #tpu.memory_space<vmem_shared>>) dst(%dma_wait3A_307 : memref<80x32xf32, #tpu.memory_space<vmem>>)
      %mul3A_314 = arith.constant 80 : i32
      %mul3A_315 = arith.muli %add3A_299, %mul3A_314 : i32
      %dma_start3A_316 = arith.constant 3 : i32
      %dma_start3A_317 = arith.constant 3 : i32
      %dma_start3A_318 = arith.constant 0 : i32
      %dma_start3A_319 = arith.constant 0 : i32
      %dma_start3A_320 = tpu.memref_slice %arg8[%dma_start3A_316, %dma_start3A_318, %dma_start3A_319] : memref<5x80x32xf32, #tpu.memory_space<vmem>> -> memref<1x80x32xf32, #tpu.memory_space<vmem>>
      %dma_start3A_321 = tpu.memref_squeeze %dma_start3A_320 : memref<1x80x32xf32, #tpu.memory_space<vmem>> -> memref<80x32xf32, #tpu.memory_space<vmem>>
      %dma_start3A_322 = tpu.memref_slice %arg10[%mul3A_315] : memref<10000xi32, #tpu.memory_space<vmem>> -> memref<80xi32, #tpu.memory_space<vmem>>
      %dma_start3A_323 = arith.constant 0 : i32
      %dma_start3A_324 = arith.constant 0 : i32
      %dma_start3A_325 = tpu.memref_slice %arg6[%dma_start3A_323, %dma_start3A_324] : memref<10112x32xf32, #tpu.memory_space<vmem_shared>> -> memref<10112x32xf32, #tpu.memory_space<vmem_shared>>
      %dma_start3A_326 = tpu.memref_slice %arg12[%dma_start3A_317] : memref<5x!tpu.dma_semaphore, #tpu.memory_space<semaphore_mem>> -> memref<1x!tpu.dma_semaphore, #tpu.memory_space<semaphore_mem>>
      %dma_start3A_327 = tpu.memref_squeeze %dma_start3A_326 : memref<1x!tpu.dma_semaphore, #tpu.memory_space<semaphore_mem>> -> memref<!tpu.dma_semaphore, #tpu.memory_space<semaphore_mem>>
      tpu.enqueue_indirect_dma source(%dma_start3A_321 : memref<80x32xf32, #tpu.memory_space<vmem>>) target(%dma_start3A_325 : memref<10112x32xf32, #tpu.memory_space<vmem_shared>>) offsets(%dma_start3A_322 : memref<80xi32, #tpu.memory_space<vmem>>) semaphore(%dma_start3A_327 : memref<!tpu.dma_semaphore, #tpu.memory_space<semaphore_mem>>) {add = true}
      %mul3A_328 = arith.constant 5 : i32
      %mul3A_329 = arith.muli %scan3A_87, %mul3A_328 : i32
      %add3A_330 = arith.constant 4 : i32
      %add3A_331 = arith.addi %mul3A_329, %add3A_330 : i32
      %mul3A_332 = arith.constant 80 : i32
      %mul3A_333 = arith.muli %add3A_331, %mul3A_332 : i32
      %dma_wait3A_334 = arith.constant 4 : i32
      %dma_wait3A_335 = arith.constant 4 : i32
      %dma_wait3A_336 = arith.constant 0 : i32
      %dma_wait3A_337 = arith.constant 0 : i32
      %dma_wait3A_338 = tpu.memref_slice %arg8[%dma_wait3A_334, %dma_wait3A_336, %dma_wait3A_337] : memref<5x80x32xf32, #tpu.memory_space<vmem>> -> memref<1x80x32xf32, #tpu.memory_space<vmem>>
      %dma_wait3A_339 = tpu.memref_squeeze %dma_wait3A_338 : memref<1x80x32xf32, #tpu.memory_space<vmem>> -> memref<80x32xf32, #tpu.memory_space<vmem>>
      %dma_wait3A_340 = tpu.memref_slice %arg9[%mul3A_333] : memref<10000xi32, #tpu.memory_space<vmem>> -> memref<80xi32, #tpu.memory_space<vmem>>
      %dma_wait3A_341 = arith.constant 0 : i32
      %dma_wait3A_342 = arith.constant 0 : i32
      %dma_wait3A_343 = tpu.memref_slice %arg7[%dma_wait3A_341, %dma_wait3A_342] : memref<10000x32xf32, #tpu.memory_space<vmem_shared>> -> memref<10000x32xf32, #tpu.memory_space<vmem_shared>>
      %dma_wait3A_344 = tpu.memref_slice %arg11[%dma_wait3A_335] : memref<5x!tpu.dma_semaphore, #tpu.memory_space<semaphore_mem>> -> memref<1x!tpu.dma_semaphore, #tpu.memory_space<semaphore_mem>>
      %dma_wait3A_345 = tpu.memref_squeeze %dma_wait3A_344 : memref<1x!tpu.dma_semaphore, #tpu.memory_space<semaphore_mem>> -> memref<!tpu.dma_semaphore, #tpu.memory_space<semaphore_mem>>
      tpu.wait_indirect_dma semaphore(%dma_wait3A_345 : memref<!tpu.dma_semaphore, #tpu.memory_space<semaphore_mem>>) src(%dma_wait3A_343 : memref<10000x32xf32, #tpu.memory_space<vmem_shared>>) dst(%dma_wait3A_339 : memref<80x32xf32, #tpu.memory_space<vmem>>)
      %mul3A_346 = arith.constant 80 : i32
      %mul3A_347 = arith.muli %add3A_331, %mul3A_346 : i32
      %dma_start3A_348 = arith.constant 4 : i32
      %dma_start3A_349 = arith.constant 4 : i32
      %dma_start3A_350 = arith.constant 0 : i32
      %dma_start3A_351 = arith.constant 0 : i32
      %dma_start3A_352 = tpu.memref_slice %arg8[%dma_start3A_348, %dma_start3A_350, %dma_start3A_351] : memref<5x80x32xf32, #tpu.memory_space<vmem>> -> memref<1x80x32xf32, #tpu.memory_space<vmem>>
      %dma_start3A_353 = tpu.memref_squeeze %dma_start3A_352 : memref<1x80x32xf32, #tpu.memory_space<vmem>> -> memref<80x32xf32, #tpu.memory_space<vmem>>
      %dma_start3A_354 = tpu.memref_slice %arg10[%mul3A_347] : memref<10000xi32, #tpu.memory_space<vmem>> -> memref<80xi32, #tpu.memory_space<vmem>>
      %dma_start3A_355 = arith.constant 0 : i32
      %dma_start3A_356 = arith.constant 0 : i32
      %dma_start3A_357 = tpu.memref_slice %arg6[%dma_start3A_355, %dma_start3A_356] : memref<10112x32xf32, #tpu.memory_space<vmem_shared>> -> memref<10112x32xf32, #tpu.memory_space<vmem_shared>>
      %dma_start3A_358 = tpu.memref_slice %arg12[%dma_start3A_349] : memref<5x!tpu.dma_semaphore, #tpu.memory_space<semaphore_mem>> -> memref<1x!tpu.dma_semaphore, #tpu.memory_space<semaphore_mem>>
      %dma_start3A_359 = tpu.memref_squeeze %dma_start3A_358 : memref<1x!tpu.dma_semaphore, #tpu.memory_space<semaphore_mem>> -> memref<!tpu.dma_semaphore, #tpu.memory_space<semaphore_mem>>
      tpu.enqueue_indirect_dma source(%dma_start3A_353 : memref<80x32xf32, #tpu.memory_space<vmem>>) target(%dma_start3A_357 : memref<10112x32xf32, #tpu.memory_space<vmem_shared>>) offsets(%dma_start3A_354 : memref<80xi32, #tpu.memory_space<vmem>>) semaphore(%dma_start3A_359 : memref<!tpu.dma_semaphore, #tpu.memory_space<semaphore_mem>>) {add = true}
      %scan3A_360 = arith.constant 0 : i32
      scf.yield %scan3A_360 : i32
    }
    %scan3A_17 = arith.constant 25 : i32
    %dma_wait3A = arith.constant 0 : i32
    %dma_wait3A_18 = arith.constant 0 : i32
    %dma_wait3A_19 = arith.constant 0 : i32
    %dma_wait3A_20 = arith.constant 0 : i32
    %dma_wait3A_21 = tpu.memref_slice %arg8[%dma_wait3A, %dma_wait3A_19, %dma_wait3A_20] : memref<5x80x32xf32, #tpu.memory_space<vmem>> -> memref<1x80x32xf32, #tpu.memory_space<vmem>>
    %dma_wait3A_22 = tpu.memref_squeeze %dma_wait3A_21 : memref<1x80x32xf32, #tpu.memory_space<vmem>> -> memref<80x32xf32, #tpu.memory_space<vmem>>
    %dma_wait3A_23 = arith.constant 0 : i32
    %dma_wait3A_24 = tpu.memref_slice %arg10[%dma_wait3A_23] : memref<10000xi32, #tpu.memory_space<vmem>> -> memref<80xi32, #tpu.memory_space<vmem>>
    %dma_wait3A_25 = arith.constant 0 : i32
    %dma_wait3A_26 = arith.constant 0 : i32
    %dma_wait3A_27 = tpu.memref_slice %arg6[%dma_wait3A_25, %dma_wait3A_26] : memref<10112x32xf32, #tpu.memory_space<vmem_shared>> -> memref<10112x32xf32, #tpu.memory_space<vmem_shared>>
    %dma_wait3A_28 = tpu.memref_slice %arg12[%dma_wait3A_18] : memref<5x!tpu.dma_semaphore, #tpu.memory_space<semaphore_mem>> -> memref<1x!tpu.dma_semaphore, #tpu.memory_space<semaphore_mem>>
    %dma_wait3A_29 = tpu.memref_squeeze %dma_wait3A_28 : memref<1x!tpu.dma_semaphore, #tpu.memory_space<semaphore_mem>> -> memref<!tpu.dma_semaphore, #tpu.memory_space<semaphore_mem>>
    tpu.wait_indirect_dma semaphore(%dma_wait3A_29 : memref<!tpu.dma_semaphore, #tpu.memory_space<semaphore_mem>>) src(%dma_wait3A_22 : memref<80x32xf32, #tpu.memory_space<vmem>>) dst(%dma_wait3A_27 : memref<10112x32xf32, #tpu.memory_space<vmem_shared>>)
    %dma_wait3A_30 = arith.constant 1 : i32
    %dma_wait3A_31 = arith.constant 1 : i32
    %dma_wait3A_32 = arith.constant 0 : i32
    %dma_wait3A_33 = arith.constant 0 : i32
    %dma_wait3A_34 = tpu.memref_slice %arg8[%dma_wait3A_30, %dma_wait3A_32, %dma_wait3A_33] : memref<5x80x32xf32, #tpu.memory_space<vmem>> -> memref<1x80x32xf32, #tpu.memory_space<vmem>>
    %dma_wait3A_35 = tpu.memref_squeeze %dma_wait3A_34 : memref<1x80x32xf32, #tpu.memory_space<vmem>> -> memref<80x32xf32, #tpu.memory_space<vmem>>
    %dma_wait3A_36 = arith.constant 0 : i32
    %dma_wait3A_37 = tpu.memref_slice %arg10[%dma_wait3A_36] : memref<10000xi32, #tpu.memory_space<vmem>> -> memref<80xi32, #tpu.memory_space<vmem>>
    %dma_wait3A_38 = arith.constant 0 : i32
    %dma_wait3A_39 = arith.constant 0 : i32
    %dma_wait3A_40 = tpu.memref_slice %arg6[%dma_wait3A_38, %dma_wait3A_39] : memref<10112x32xf32, #tpu.memory_space<vmem_shared>> -> memref<10112x32xf32, #tpu.memory_space<vmem_shared>>
    %dma_wait3A_41 = tpu.memref_slice %arg12[%dma_wait3A_31] : memref<5x!tpu.dma_semaphore, #tpu.memory_space<semaphore_mem>> -> memref<1x!tpu.dma_semaphore, #tpu.memory_space<semaphore_mem>>
    %dma_wait3A_42 = tpu.memref_squeeze %dma_wait3A_41 : memref<1x!tpu.dma_semaphore, #tpu.memory_space<semaphore_mem>> -> memref<!tpu.dma_semaphore, #tpu.memory_space<semaphore_mem>>
    tpu.wait_indirect_dma semaphore(%dma_wait3A_42 : memref<!tpu.dma_semaphore, #tpu.memory_space<semaphore_mem>>) src(%dma_wait3A_35 : memref<80x32xf32, #tpu.memory_space<vmem>>) dst(%dma_wait3A_40 : memref<10112x32xf32, #tpu.memory_space<vmem_shared>>)
    %dma_wait3A_43 = arith.constant 2 : i32
    %dma_wait3A_44 = arith.constant 2 : i32
    %dma_wait3A_45 = arith.constant 0 : i32
    %dma_wait3A_46 = arith.constant 0 : i32
    %dma_wait3A_47 = tpu.memref_slice %arg8[%dma_wait3A_43, %dma_wait3A_45, %dma_wait3A_46] : memref<5x80x32xf32, #tpu.memory_space<vmem>> -> memref<1x80x32xf32, #tpu.memory_space<vmem>>
    %dma_wait3A_48 = tpu.memref_squeeze %dma_wait3A_47 : memref<1x80x32xf32, #tpu.memory_space<vmem>> -> memref<80x32xf32, #tpu.memory_space<vmem>>
    %dma_wait3A_49 = arith.constant 0 : i32
    %dma_wait3A_50 = tpu.memref_slice %arg10[%dma_wait3A_49] : memref<10000xi32, #tpu.memory_space<vmem>> -> memref<80xi32, #tpu.memory_space<vmem>>
    %dma_wait3A_51 = arith.constant 0 : i32
    %dma_wait3A_52 = arith.constant 0 : i32
    %dma_wait3A_53 = tpu.memref_slice %arg6[%dma_wait3A_51, %dma_wait3A_52] : memref<10112x32xf32, #tpu.memory_space<vmem_shared>> -> memref<10112x32xf32, #tpu.memory_space<vmem_shared>>
    %dma_wait3A_54 = tpu.memref_slice %arg12[%dma_wait3A_44] : memref<5x!tpu.dma_semaphore, #tpu.memory_space<semaphore_mem>> -> memref<1x!tpu.dma_semaphore, #tpu.memory_space<semaphore_mem>>
    %dma_wait3A_55 = tpu.memref_squeeze %dma_wait3A_54 : memref<1x!tpu.dma_semaphore, #tpu.memory_space<semaphore_mem>> -> memref<!tpu.dma_semaphore, #tpu.memory_space<semaphore_mem>>
    tpu.wait_indirect_dma semaphore(%dma_wait3A_55 : memref<!tpu.dma_semaphore, #tpu.memory_space<semaphore_mem>>) src(%dma_wait3A_48 : memref<80x32xf32, #tpu.memory_space<vmem>>) dst(%dma_wait3A_53 : memref<10112x32xf32, #tpu.memory_space<vmem_shared>>)
    %dma_wait3A_56 = arith.constant 3 : i32
    %dma_wait3A_57 = arith.constant 3 : i32
    %dma_wait3A_58 = arith.constant 0 : i32
    %dma_wait3A_59 = arith.constant 0 : i32
    %dma_wait3A_60 = tpu.memref_slice %arg8[%dma_wait3A_56, %dma_wait3A_58, %dma_wait3A_59] : memref<5x80x32xf32, #tpu.memory_space<vmem>> -> memref<1x80x32xf32, #tpu.memory_space<vmem>>
    %dma_wait3A_61 = tpu.memref_squeeze %dma_wait3A_60 : memref<1x80x32xf32, #tpu.memory_space<vmem>> -> memref<80x32xf32, #tpu.memory_space<vmem>>
    %dma_wait3A_62 = arith.constant 0 : i32
    %dma_wait3A_63 = tpu.memref_slice %arg10[%dma_wait3A_62] : memref<10000xi32, #tpu.memory_space<vmem>> -> memref<80xi32, #tpu.memory_space<vmem>>
    %dma_wait3A_64 = arith.constant 0 : i32
    %dma_wait3A_65 = arith.constant 0 : i32
    %dma_wait3A_66 = tpu.memref_slice %arg6[%dma_wait3A_64, %dma_wait3A_65] : memref<10112x32xf32, #tpu.memory_space<vmem_shared>> -> memref<10112x32xf32, #tpu.memory_space<vmem_shared>>
    %dma_wait3A_67 = tpu.memref_slice %arg12[%dma_wait3A_57] : memref<5x!tpu.dma_semaphore, #tpu.memory_space<semaphore_mem>> -> memref<1x!tpu.dma_semaphore, #tpu.memory_space<semaphore_mem>>
    %dma_wait3A_68 = tpu.memref_squeeze %dma_wait3A_67 : memref<1x!tpu.dma_semaphore, #tpu.memory_space<semaphore_mem>> -> memref<!tpu.dma_semaphore, #tpu.memory_space<semaphore_mem>>
    tpu.wait_indirect_dma semaphore(%dma_wait3A_68 : memref<!tpu.dma_semaphore, #tpu.memory_space<semaphore_mem>>) src(%dma_wait3A_61 : memref<80x32xf32, #tpu.memory_space<vmem>>) dst(%dma_wait3A_66 : memref<10112x32xf32, #tpu.memory_space<vmem_shared>>)
    %dma_wait3A_69 = arith.constant 4 : i32
    %dma_wait3A_70 = arith.constant 4 : i32
    %dma_wait3A_71 = arith.constant 0 : i32
    %dma_wait3A_72 = arith.constant 0 : i32
    %dma_wait3A_73 = tpu.memref_slice %arg8[%dma_wait3A_69, %dma_wait3A_71, %dma_wait3A_72] : memref<5x80x32xf32, #tpu.memory_space<vmem>> -> memref<1x80x32xf32, #tpu.memory_space<vmem>>
    %dma_wait3A_74 = tpu.memref_squeeze %dma_wait3A_73 : memref<1x80x32xf32, #tpu.memory_space<vmem>> -> memref<80x32xf32, #tpu.memory_space<vmem>>
    %dma_wait3A_75 = arith.constant 0 : i32
    %dma_wait3A_76 = tpu.memref_slice %arg10[%dma_wait3A_75] : memref<10000xi32, #tpu.memory_space<vmem>> -> memref<80xi32, #tpu.memory_space<vmem>>
    %dma_wait3A_77 = arith.constant 0 : i32
    %dma_wait3A_78 = arith.constant 0 : i32
    %dma_wait3A_79 = tpu.memref_slice %arg6[%dma_wait3A_77, %dma_wait3A_78] : memref<10112x32xf32, #tpu.memory_space<vmem_shared>> -> memref<10112x32xf32, #tpu.memory_space<vmem_shared>>
    %dma_wait3A_80 = tpu.memref_slice %arg12[%dma_wait3A_70] : memref<5x!tpu.dma_semaphore, #tpu.memory_space<semaphore_mem>> -> memref<1x!tpu.dma_semaphore, #tpu.memory_space<semaphore_mem>>
    %dma_wait3A_81 = tpu.memref_squeeze %dma_wait3A_80 : memref<1x!tpu.dma_semaphore, #tpu.memory_space<semaphore_mem>> -> memref<!tpu.dma_semaphore, #tpu.memory_space<semaphore_mem>>
    tpu.wait_indirect_dma semaphore(%dma_wait3A_81 : memref<!tpu.dma_semaphore, #tpu.memory_space<semaphore_mem>>) src(%dma_wait3A_74 : memref<80x32xf32, #tpu.memory_space<vmem>>) dst(%dma_wait3A_79 : memref<10112x32xf32, #tpu.memory_space<vmem_shared>>)
    %barrier3A_82 = arith.constant 0 : index
    tpu.barrier barrier_id(%barrier3A_82)
    %mul3A_83 = arith.constant 632 : i32
    %mul3A_84 = arith.muli %arg1, %mul3A_83 : i32
    %mul3A_85 = arith.constant 632 : i32
    %mul3A_86 = arith.muli %arg1, %mul3A_85 : i32
    "tpu.region"() ({
      %run_scoped3A_87 = tpu.sem_alloc : memref<!tpu.dma_semaphore, #tpu.memory_space<semaphore_mem>>
      %dma_start3A = arith.constant 0 : i32
      %dma_start3A_88 = tpu.memref_slice %arg5[%arg0, %mul3A_86, %dma_start3A] : memref<2x10112x128xf32, #tpu.memory_space<hbm>> -> memref<1x632x32xf32, #tpu.memory_space<hbm>>
      %dma_start3A_89 = tpu.memref_squeeze %dma_start3A_88 : memref<1x632x32xf32, #tpu.memory_space<hbm>> -> memref<632x32xf32, #tpu.memory_space<hbm>>
      %dma_start3A_90 = arith.constant 0 : i32
      %dma_start3A_91 = tpu.memref_slice %arg6[%mul3A_84, %dma_start3A_90] : memref<10112x32xf32, #tpu.memory_space<vmem_shared>> -> memref<632x32xf32, #tpu.memory_space<vmem_shared>>
      tpu.enqueue_dma source(%dma_start3A_91 : memref<632x32xf32, #tpu.memory_space<vmem_shared>>) target(%dma_start3A_89 : memref<632x32xf32, #tpu.memory_space<hbm>>) target_semaphore(%run_scoped3A_87 : memref<!tpu.dma_semaphore, #tpu.memory_space<semaphore_mem>>)
      %dma_wait3A_92 = arith.constant 0 : i32
      %dma_wait3A_93 = tpu.memref_slice %arg5[%arg0, %mul3A_86, %dma_wait3A_92] : memref<2x10112x128xf32, #tpu.memory_space<hbm>> -> memref<1x632x32xf32, #tpu.memory_space<hbm>>
      %dma_wait3A_94 = tpu.memref_squeeze %dma_wait3A_93 : memref<1x632x32xf32, #tpu.memory_space<hbm>> -> memref<632x32xf32, #tpu.memory_space<hbm>>
      %dma_wait3A_95 = arith.constant 0 : i32
      %dma_wait3A_96 = tpu.memref_slice %arg6[%mul3A_84, %dma_wait3A_95] : memref<10112x32xf32, #tpu.memory_space<vmem_shared>> -> memref<632x32xf32, #tpu.memory_space<vmem_shared>>
      tpu.wait_dma2 semaphore(%run_scoped3A_87 : memref<!tpu.dma_semaphore, #tpu.memory_space<semaphore_mem>>) src(%dma_wait3A_96 : memref<632x32xf32, #tpu.memory_space<vmem_shared>>) dst(%dma_wait3A_94 : memref<632x32xf32, #tpu.memory_space<hbm>>)
      tpu.yield
    }) : () -> ()
    return
  }
}

module attributes {stable_mosaic.version = 14 : i64} {
  func.func @_mm_body(%arg0: i32, %arg1: memref<2000x128xf32, #tpu.memory_space<vmem>>, %arg2: memref<128x32xf32, #tpu.memory_space<vmem>>, %arg3: memref<2000x32xf32, #tpu.memory_space<vmem>>) attributes {dimension_semantics = [#tpu.dimension_semantics<arbitrary>], iteration_bounds = array<i64: 5>, scalar_prefetch = 0 : i64, scratch_operands = 0 : i64, tpu.core_type = #tpu.core_type<tc>, window_params = [{transform_indices = @transform_0, window_bounds = array<i64: 2000, 128>}, {pipeline_mode = #tpu.pipeline_mode<synchronous>, transform_indices = @transform_1, window_bounds = array<i64: 128, 32>}, {transform_indices = @transform_2, window_bounds = array<i64: 2000, 32>}]} {
    %get3A = arith.constant 0 : index
    %get3A_0 = arith.constant 0 : index
    %get3A_1 = vector.load %arg1[%get3A, %get3A_0] : memref<2000x128xf32, #tpu.memory_space<vmem>>, vector<2000x128xf32>
    %get3A_2 = arith.constant 0 : index
    %get3A_3 = arith.constant 0 : index
    %get3A_4 = vector.load %arg2[%get3A_2, %get3A_3] : memref<128x32xf32, #tpu.memory_space<vmem>>, vector<128x32xf32>
    %dot_general3A = arith.constant dense<0.000000e+00> : vector<2000x32xf32>
    %dot_general3A_5 = tpu.matmul %get3A_1, %get3A_4, %dot_general3A {dimension_numbers = #tpu.dot_dimension_numbers<[1], [0], [0], [1], [0, 0, 1, 1], [], []>, transpose_lhs_hint = false} : vector<2000x128xf32>, vector<128x32xf32>, vector<2000x32xf32> -> vector<2000x32xf32>
    %swap3A = arith.constant 0 : index
    %swap3A_6 = arith.constant 0 : index
    %swap3A_7 = vector.load %arg3[%swap3A, %swap3A_6] : memref<2000x32xf32, #tpu.memory_space<vmem>>, vector<2000x32xf32>
    tpu.vector_store %arg3[%swap3A, %swap3A_6], %dot_general3A_5 {strides = array<i32>} : memref<2000x32xf32, #tpu.memory_space<vmem>>, vector<2000x32xf32>,
    return
  }
  func.func @transform_0(%arg0: i32) -> (i32, i32) {
    %c0_i32 = arith.constant 0 : i32
    %c0_i32_0 = arith.constant 0 : i32
    return %arg0, %c0_i32 : i32, i32
  }
  func.func @transform_1(%arg0: i32) -> (i32, i32) {
    %c0_i32 = arith.constant 0 : i32
    %c0_i32_0 = arith.constant 0 : i32
    %c0_i32_1 = arith.constant 0 : i32
    return %c0_i32, %c0_i32_0 : i32, i32
  }
  func.func @transform_2(%arg0: i32) -> (i32, i32) {
    %c0_i32 = arith.constant 0 : i32
    %c0_i32_0 = arith.constant 0 : i32
    return %arg0, %c0_i32 : i32, i32
  }
}

module attributes {stable_mosaic.version = 14 : i64} {
  func.func @_scale_body(%arg0: i32, %arg1: memref<1x2000x128xf32, #tpu.memory_space<vmem>>, %arg2: memref<1x2000x128xf32, #tpu.memory_space<vmem>>, %arg3: memref<2000x32xf32, #tpu.memory_space<vmem>>, %arg4: memref<2000x1xf32, #tpu.memory_space<vmem>>, %arg5: memref<2000x128xf32, #tpu.memory_space<vmem>>) attributes {dimension_semantics = [#tpu.dimension_semantics<arbitrary>], iteration_bounds = array<i64: 5>, scalar_prefetch = 0 : i64, scratch_operands = 0 : i64, tpu.core_type = #tpu.core_type<tc>, window_params = [{transform_indices = @transform_0, window_bounds = array<i64: 1, 2000, 128>}, {transform_indices = @transform_1, window_bounds = array<i64: 1, 2000, 128>}, {transform_indices = @transform_2, window_bounds = array<i64: 2000, 32>}, {transform_indices = @transform_3, window_bounds = array<i64: 2000, 1>}, {transform_indices = @transform_4, window_bounds = array<i64: 2000, 128>}]} {
    %get3A = arith.constant 0 : index
    %get3A_0 = arith.constant 0 : index
    %get3A_1 = arith.constant 0 : index
    %get3A_2 = vector.load %arg1[%get3A, %get3A_0, %get3A_1] : memref<1x2000x128xf32, #tpu.memory_space<vmem>>, vector<1x2000x128xf32>
    %get3A_3 = vector.shape_cast %get3A_2 : vector<1x2000x128xf32> to vector<2000x128xf32>
    %slice3A = vector.extract_strided_slice %get3A_3 {offsets = [0, 0], sizes = [2000, 1], strides = [1, 1]} : vector<2000x128xf32> to vector<2000x1xf32>
    %get3A_4 = arith.constant 0 : index
    %get3A_5 = arith.constant 0 : index
    %get3A_6 = arith.constant 0 : index
    %get3A_7 = vector.load %arg2[%get3A_4, %get3A_5, %get3A_6] : memref<1x2000x128xf32, #tpu.memory_space<vmem>>, vector<1x2000x128xf32>
    %get3A_8 = vector.shape_cast %get3A_7 : vector<1x2000x128xf32> to vector<2000x128xf32>
    %slice3A_9 = vector.extract_strided_slice %get3A_8 {offsets = [0, 0], sizes = [2000, 1], strides = [1, 1]} : vector<2000x128xf32> to vector<2000x1xf32>
    %add3A = arith.addf %slice3A, %slice3A_9 : vector<2000x1xf32>
    %add3A_10 = arith.constant 1.000000e+00 : f32
    %add3A_11 = vector.broadcast %add3A_10 : f32 to vector<2000x1xf32>
    %add3A_12 = arith.addf %add3A, %add3A_11 : vector<2000x1xf32>
    %rsqrt3A = math.rsqrt %add3A_12 : vector<2000x1xf32>
    %swap3A = arith.constant 0 : index
    %swap3A_13 = arith.constant 0 : index
    %swap3A_14 = vector.load %arg4[%swap3A, %swap3A_13] : memref<2000x1xf32, #tpu.memory_space<vmem>>, vector<2000x1xf32>
    tpu.vector_store %arg4[%swap3A, %swap3A_13], %rsqrt3A {strides = array<i32>} : memref<2000x1xf32, #tpu.memory_space<vmem>>, vector<2000x1xf32>,
    %get3A_15 = arith.constant 0 : index
    %get3A_16 = arith.constant 0 : index
    %get3A_17 = vector.load %arg3[%get3A_15, %get3A_16] : memref<2000x32xf32, #tpu.memory_space<vmem>>, vector<2000x32xf32>
    %mul3A = vector.broadcast %rsqrt3A : vector<2000x1xf32> to vector<2000x32xf32>
    %mul3A_18 = arith.mulf %get3A_17, %mul3A : vector<2000x32xf32>
    %swap3A_19 = arith.constant 0 : index
    %swap3A_20 = arith.constant 0 : index
    %swap3A_21 = vector.load %arg5[%swap3A_19, %swap3A_20] : memref<2000x128xf32, #tpu.memory_space<vmem>>, vector<2000x32xf32>
    tpu.vector_store %arg5[%swap3A_19, %swap3A_20], %mul3A_18 {strides = array<i32>} : memref<2000x128xf32, #tpu.memory_space<vmem>>, vector<2000x32xf32>,
    return
  }
  func.func @transform_0(%arg0: i32) -> (i32, i32, i32) {
    %c0_i32 = arith.constant 0 : i32
    %c0_i32_0 = arith.constant 0 : i32
    %c0_i32_1 = arith.constant 0 : i32
    return %c0_i32, %arg0, %c0_i32_0 : i32, i32, i32
  }
  func.func @transform_1(%arg0: i32) -> (i32, i32, i32) {
    %c1_i32 = arith.constant 1 : i32
    %c0_i32 = arith.constant 0 : i32
    %c0_i32_0 = arith.constant 0 : i32
    return %c1_i32, %arg0, %c0_i32 : i32, i32, i32
  }
  func.func @transform_2(%arg0: i32) -> (i32, i32) {
    %c0_i32 = arith.constant 0 : i32
    %c0_i32_0 = arith.constant 0 : i32
    return %arg0, %c0_i32 : i32, i32
  }
  func.func @transform_3(%arg0: i32) -> (i32, i32) {
    %c0_i32 = arith.constant 0 : i32
    %c0_i32_0 = arith.constant 0 : i32
    return %arg0, %c0_i32 : i32, i32
  }
  func.func @transform_4(%arg0: i32) -> (i32, i32) {
    %c0_i32 = arith.constant 0 : i32
    %c0_i32_0 = arith.constant 0 : i32
    return %arg0, %c0_i32 : i32, i32
  }
}

module attributes {stable_mosaic.version = 14 : i64} {
  func.func @_layer_body(%arg0: i32, %arg1: memref<1x2000x128xf32, #tpu.memory_space<vmem>>, %arg2: memref<1x2000x128xf32, #tpu.memory_space<vmem>>, %arg3: memref<2000x128xf32, #tpu.memory_space<vmem>>, %arg4: memref<2000x1xf32, #tpu.memory_space<vmem>>, %arg5: memref<1x33xf32, #tpu.memory_space<vmem>>, %arg6: memref<32x32xf32, #tpu.memory_space<vmem>>, %arg7: memref<2000x128xf32, #tpu.memory_space<vmem>>) attributes {dimension_semantics = [#tpu.dimension_semantics<arbitrary>], iteration_bounds = array<i64: 5>, scalar_prefetch = 0 : i64, scratch_operands = 0 : i64, tpu.core_type = #tpu.core_type<tc>, window_params = [{transform_indices = @transform_0, window_bounds = array<i64: 1, 2000, 128>}, {transform_indices = @transform_1, window_bounds = array<i64: 1, 2000, 128>}, {transform_indices = @transform_2, window_bounds = array<i64: 2000, 128>}, {transform_indices = @transform_3, window_bounds = array<i64: 2000, 1>}, {pipeline_mode = #tpu.pipeline_mode<synchronous>, transform_indices = @transform_4, window_bounds = array<i64: 1, 33>}, {pipeline_mode = #tpu.pipeline_mode<synchronous>, transform_indices = @transform_5, window_bounds = array<i64: 32, 32>}, {transform_indices = @transform_6, window_bounds = array<i64: 2000, 128>}]} {
    %get3A = arith.constant 0 : index
    %get3A_0 = arith.constant 0 : index
    %get3A_1 = vector.load %arg4[%get3A, %get3A_0] : memref<2000x1xf32, #tpu.memory_space<vmem>>, vector<2000x1xf32>
    %get3A_2 = arith.constant 0 : index
    %get3A_3 = arith.constant 0 : index
    %get3A_4 = arith.constant 0 : index
    %get3A_5 = vector.load %arg1[%get3A_2, %get3A_3, %get3A_4] : memref<1x2000x128xf32, #tpu.memory_space<vmem>>, vector<1x2000x128xf32>
    %get3A_6 = vector.shape_cast %get3A_5 : vector<1x2000x128xf32> to vector<2000x128xf32>
    %slice3A = vector.extract_strided_slice %get3A_6 {offsets = [0, 0], sizes = [2000, 32], strides = [1, 1]} : vector<2000x128xf32> to vector<2000x32xf32>
    %get3A_7 = arith.constant 0 : index
    %get3A_8 = arith.constant 0 : index
    %get3A_9 = arith.constant 0 : index
    %get3A_10 = vector.load %arg2[%get3A_7, %get3A_8, %get3A_9] : memref<1x2000x128xf32, #tpu.memory_space<vmem>>, vector<1x2000x128xf32>
    %get3A_11 = vector.shape_cast %get3A_10 : vector<1x2000x128xf32> to vector<2000x128xf32>
    %slice3A_12 = vector.extract_strided_slice %get3A_11 {offsets = [0, 0], sizes = [2000, 32], strides = [1, 1]} : vector<2000x128xf32> to vector<2000x32xf32>
    %add3A = arith.addf %slice3A, %slice3A_12 : vector<2000x32xf32>
    %get3A_13 = arith.constant 0 : index
    %get3A_14 = arith.constant 0 : index
    %get3A_15 = vector.load %arg3[%get3A_13, %get3A_14] : memref<2000x128xf32, #tpu.memory_space<vmem>>, vector<2000x32xf32>
    %add3A_16 = arith.addf %add3A, %get3A_15 : vector<2000x32xf32>
    %mul3A = vector.broadcast %get3A_1 : vector<2000x1xf32> to vector<2000x32xf32>
    %mul3A_17 = arith.mulf %add3A_16, %mul3A : vector<2000x32xf32>
    %get3A_18 = arith.constant 0 : index
    %get3A_19 = arith.constant 0 : index
    %get3A_20 = vector.load %arg5[%get3A_18, %get3A_19] : memref<1x33xf32, #tpu.memory_space<vmem>>, vector<1x32xf32>
    %add3A_21 = vector.broadcast %get3A_20 : vector<1x32xf32> to vector<2000x32xf32>
    %add3A_22 = arith.addf %mul3A_17, %add3A_21 : vector<2000x32xf32>
    %max3A = arith.constant 0.000000e+00 : f32
    %max3A_23 = vector.broadcast %max3A : f32 to vector<2000x32xf32>
    %max3A_24 = arith.maximumf %add3A_22, %max3A_23 : vector<2000x32xf32>
    %get3A_25 = arith.constant 0 : index
    %get3A_26 = arith.constant 0 : index
    %get3A_27 = vector.load %arg6[%get3A_25, %get3A_26] : memref<32x32xf32, #tpu.memory_space<vmem>>, vector<32x32xf32>
    %dot_general3A = arith.constant dense<0.000000e+00> : vector<2000x32xf32>
    %dot_general3A_28 = tpu.matmul %max3A_24, %get3A_27, %dot_general3A {dimension_numbers = #tpu.dot_dimension_numbers<[1], [0], [0], [1], [0, 0, 1, 1], [], []>, transpose_lhs_hint = false} : vector<2000x32xf32>, vector<32x32xf32>, vector<2000x32xf32> -> vector<2000x32xf32>
    %mul3A_29 = vector.broadcast %get3A_1 : vector<2000x1xf32> to vector<2000x32xf32>
    %mul3A_30 = arith.mulf %dot_general3A_28, %mul3A_29 : vector<2000x32xf32>
    %swap3A = arith.constant 0 : index
    %swap3A_31 = arith.constant 0 : index
    %swap3A_32 = vector.load %arg7[%swap3A, %swap3A_31] : memref<2000x128xf32, #tpu.memory_space<vmem>>, vector<2000x32xf32>
    tpu.vector_store %arg7[%swap3A, %swap3A_31], %mul3A_30 {strides = array<i32>} : memref<2000x128xf32, #tpu.memory_space<vmem>>, vector<2000x32xf32>,
    return
  }
  func.func @transform_0(%arg0: i32) -> (i32, i32, i32) {
    %c0_i32 = arith.constant 0 : i32
    %c0_i32_0 = arith.constant 0 : i32
    %c0_i32_1 = arith.constant 0 : i32
    return %c0_i32, %arg0, %c0_i32_0 : i32, i32, i32
  }
  func.func @transform_1(%arg0: i32) -> (i32, i32, i32) {
    %c1_i32 = arith.constant 1 : i32
    %c0_i32 = arith.constant 0 : i32
    %c0_i32_0 = arith.constant 0 : i32
    return %c1_i32, %arg0, %c0_i32 : i32, i32, i32
  }
  func.func @transform_2(%arg0: i32) -> (i32, i32) {
    %c0_i32 = arith.constant 0 : i32
    %c0_i32_0 = arith.constant 0 : i32
    return %arg0, %c0_i32 : i32, i32
  }
  func.func @transform_3(%arg0: i32) -> (i32, i32) {
    %c0_i32 = arith.constant 0 : i32
    %c0_i32_0 = arith.constant 0 : i32
    return %arg0, %c0_i32 : i32, i32
  }
  func.func @transform_4(%arg0: i32) -> (i32, i32) {
    %c0_i32 = arith.constant 0 : i32
    %c0_i32_0 = arith.constant 0 : i32
    %c0_i32_1 = arith.constant 0 : i32
    return %c0_i32, %c0_i32_0 : i32, i32
  }
  func.func @transform_5(%arg0: i32) -> (i32, i32) {
    %c0_i32 = arith.constant 0 : i32
    %c0_i32_0 = arith.constant 0 : i32
    %c0_i32_1 = arith.constant 0 : i32
    return %c0_i32, %c0_i32_0 : i32, i32
  }
  func.func @transform_6(%arg0: i32) -> (i32, i32) {
    %c0_i32 = arith.constant 0 : i32
    %c0_i32_0 = arith.constant 0 : i32
    return %arg0, %c0_i32 : i32, i32
  }
}

module attributes {stable_mosaic.version = 14 : i64} {
  func.func @_layer_body(%arg0: i32, %arg1: memref<1x2000x128xf32, #tpu.memory_space<vmem>>, %arg2: memref<1x2000x128xf32, #tpu.memory_space<vmem>>, %arg3: memref<2000x128xf32, #tpu.memory_space<vmem>>, %arg4: memref<2000x1xf32, #tpu.memory_space<vmem>>, %arg5: memref<1x33xf32, #tpu.memory_space<vmem>>, %arg6: memref<32x1xf32, #tpu.memory_space<vmem>>, %arg7: memref<2000x1xf32, #tpu.memory_space<vmem>>) attributes {dimension_semantics = [#tpu.dimension_semantics<arbitrary>], iteration_bounds = array<i64: 5>, scalar_prefetch = 0 : i64, scratch_operands = 0 : i64, tpu.core_type = #tpu.core_type<tc>, window_params = [{transform_indices = @transform_0, window_bounds = array<i64: 1, 2000, 128>}, {transform_indices = @transform_1, window_bounds = array<i64: 1, 2000, 128>}, {transform_indices = @transform_2, window_bounds = array<i64: 2000, 128>}, {transform_indices = @transform_3, window_bounds = array<i64: 2000, 1>}, {pipeline_mode = #tpu.pipeline_mode<synchronous>, transform_indices = @transform_4, window_bounds = array<i64: 1, 33>}, {pipeline_mode = #tpu.pipeline_mode<synchronous>, transform_indices = @transform_5, window_bounds = array<i64: 32, 1>}, {transform_indices = @transform_6, window_bounds = array<i64: 2000, 1>}]} {
    %get3A = arith.constant 0 : index
    %get3A_0 = arith.constant 0 : index
    %get3A_1 = vector.load %arg4[%get3A, %get3A_0] : memref<2000x1xf32, #tpu.memory_space<vmem>>, vector<2000x1xf32>
    %get3A_2 = arith.constant 0 : index
    %get3A_3 = arith.constant 0 : index
    %get3A_4 = arith.constant 0 : index
    %get3A_5 = vector.load %arg1[%get3A_2, %get3A_3, %get3A_4] : memref<1x2000x128xf32, #tpu.memory_space<vmem>>, vector<1x2000x128xf32>
    %get3A_6 = vector.shape_cast %get3A_5 : vector<1x2000x128xf32> to vector<2000x128xf32>
    %slice3A = vector.extract_strided_slice %get3A_6 {offsets = [0, 0], sizes = [2000, 32], strides = [1, 1]} : vector<2000x128xf32> to vector<2000x32xf32>
    %get3A_7 = arith.constant 0 : index
    %get3A_8 = arith.constant 0 : index
    %get3A_9 = arith.constant 0 : index
    %get3A_10 = vector.load %arg2[%get3A_7, %get3A_8, %get3A_9] : memref<1x2000x128xf32, #tpu.memory_space<vmem>>, vector<1x2000x128xf32>
    %get3A_11 = vector.shape_cast %get3A_10 : vector<1x2000x128xf32> to vector<2000x128xf32>
    %slice3A_12 = vector.extract_strided_slice %get3A_11 {offsets = [0, 0], sizes = [2000, 32], strides = [1, 1]} : vector<2000x128xf32> to vector<2000x32xf32>
    %add3A = arith.addf %slice3A, %slice3A_12 : vector<2000x32xf32>
    %get3A_13 = arith.constant 0 : index
    %get3A_14 = arith.constant 0 : index
    %get3A_15 = vector.load %arg3[%get3A_13, %get3A_14] : memref<2000x128xf32, #tpu.memory_space<vmem>>, vector<2000x32xf32>
    %add3A_16 = arith.addf %add3A, %get3A_15 : vector<2000x32xf32>
    %mul3A = vector.broadcast %get3A_1 : vector<2000x1xf32> to vector<2000x32xf32>
    %mul3A_17 = arith.mulf %add3A_16, %mul3A : vector<2000x32xf32>
    %get3A_18 = arith.constant 0 : index
    %get3A_19 = arith.constant 0 : index
    %get3A_20 = vector.load %arg5[%get3A_18, %get3A_19] : memref<1x33xf32, #tpu.memory_space<vmem>>, vector<1x32xf32>
    %add3A_21 = vector.broadcast %get3A_20 : vector<1x32xf32> to vector<2000x32xf32>
    %add3A_22 = arith.addf %mul3A_17, %add3A_21 : vector<2000x32xf32>
    %max3A = arith.constant 0.000000e+00 : f32
    %max3A_23 = vector.broadcast %max3A : f32 to vector<2000x32xf32>
    %max3A_24 = arith.maximumf %add3A_22, %max3A_23 : vector<2000x32xf32>
    %get3A_25 = arith.constant 0 : index
    %get3A_26 = arith.constant 0 : index
    %get3A_27 = vector.load %arg6[%get3A_25, %get3A_26] : memref<32x1xf32, #tpu.memory_space<vmem>>, vector<32x1xf32>
    %dot_general3A = arith.constant dense<0.000000e+00> : vector<2000x1xf32>
    %dot_general3A_28 = tpu.matmul %max3A_24, %get3A_27, %dot_general3A {dimension_numbers = #tpu.dot_dimension_numbers<[1], [0], [0], [1], [0, 0, 1, 1], [], []>, transpose_lhs_hint = false} : vector<2000x32xf32>, vector<32x1xf32>, vector<2000x1xf32> -> vector<2000x1xf32>
    %get3A_29 = arith.constant 0 : index
    %get3A_30 = arith.constant 32 : index
    %get3A_31 = vector.load %arg5[%get3A_29, %get3A_30] : memref<1x33xf32, #tpu.memory_space<vmem>>, vector<1x1xf32>
    %get3A_32 = vector.shape_cast %get3A_31 : vector<1x1xf32> to vector<1xf32>
    %broadcast_in_dim3A = vector.shape_cast %get3A_32 : vector<1xf32> to vector<1x1xf32>
    %add3A_33 = vector.broadcast %broadcast_in_dim3A : vector<1x1xf32> to vector<2000x1xf32>
    %add3A_34 = arith.addf %dot_general3A_28, %add3A_33 : vector<2000x1xf32>
    %swap3A = arith.constant 0 : index
    %swap3A_35 = arith.constant 0 : index
    %swap3A_36 = vector.load %arg7[%swap3A, %swap3A_35] : memref<2000x1xf32, #tpu.memory_space<vmem>>, vector<2000x1xf32>
    tpu.vector_store %arg7[%swap3A, %swap3A_35], %add3A_34 {strides = array<i32>} : memref<2000x1xf32, #tpu.memory_space<vmem>>, vector<2000x1xf32>,
    return
  }
  func.func @transform_0(%arg0: i32) -> (i32, i32, i32) {
    %c0_i32 = arith.constant 0 : i32
    %c0_i32_0 = arith.constant 0 : i32
    %c0_i32_1 = arith.constant 0 : i32
    return %c0_i32, %arg0, %c0_i32_0 : i32, i32, i32
  }
  func.func @transform_1(%arg0: i32) -> (i32, i32, i32) {
    %c1_i32 = arith.constant 1 : i32
    %c0_i32 = arith.constant 0 : i32
    %c0_i32_0 = arith.constant 0 : i32
    return %c1_i32, %arg0, %c0_i32 : i32, i32, i32
  }
  func.func @transform_2(%arg0: i32) -> (i32, i32) {
    %c0_i32 = arith.constant 0 : i32
    %c0_i32_0 = arith.constant 0 : i32
    return %arg0, %c0_i32 : i32, i32
  }
  func.func @transform_3(%arg0: i32) -> (i32, i32) {
    %c0_i32 = arith.constant 0 : i32
    %c0_i32_0 = arith.constant 0 : i32
    return %arg0, %c0_i32 : i32, i32
  }
  func.func @transform_4(%arg0: i32) -> (i32, i32) {
    %c0_i32 = arith.constant 0 : i32
    %c0_i32_0 = arith.constant 0 : i32
    %c0_i32_1 = arith.constant 0 : i32
    return %c0_i32, %c0_i32_0 : i32, i32
  }
  func.func @transform_5(%arg0: i32) -> (i32, i32) {
    %c0_i32 = arith.constant 0 : i32
    %c0_i32_0 = arith.constant 0 : i32
    %c0_i32_1 = arith.constant 0 : i32
    return %c0_i32, %c0_i32_0 : i32, i32
  }
  func.func @transform_6(%arg0: i32) -> (i32, i32) {
    %c0_i32 = arith.constant 0 : i32
    %c0_i32_0 = arith.constant 0 : i32
    return %arg0, %c0_i32 : i32, i32
  }
}

</mosaic_0001>

<sc_bundles>
// kernel: kernel.12.cloned.1.call-start
scs
__scs_entry_jumppad:
0x0: {  	(pc) =	sbr.rel $0x88, $3  }
0x1: {  	(tag) =	ssettag $0x0;
	lr =	simm.s32 $0x1  }
0x2: {  	[smem:$0x3F99] =	sst lr;
	_ =	strace $0xD0000000  }
0x3: {  	_ = 	snop  }
0x4: {  	_ = 	snop  }
0x5: {  	_ = 	snop  }
0x6: {  	_ = 	snop  }
0x7: {  	_ = 	snop  }
__scs_overlays_trampoline_lowered:
0x8: {  	[smem:$0x3FA8] =	sst s0  }
0x9: {  	[smem:$0x3FA9] =	sst s1  }
0xa: {  	[smem:$0x3FAA] =	sst s2  }
0xb: {  	[smem:$0x3FAB] =	sst s3  }
0xc: {  	[smem:$0x3FAC] =	sst s4  }
0xd: {  	[smem:$0x3FAD] =	sst s5  }
0xe: {  	[smem:$0x3FAE] =	sst s6  }
0xf: {  	[smem:$0x3FAF] =	sst s7  }
0x10: {  	[smem:$0x3FB0] =	sst s8  }
0x11: {  	[smem:$0x3FB1] =	sst s9;
	s0 =	simm.s32 @!p0 $0x0  }
0x12: {  	s1 =	sld [smem:$0x3F97];
	s0 =	simm.s32 @p0 $0x1  }
0x13: {  	[smem:$0x3FB2] =	sst s0;
	s0 =	simm.s32 @!p1 $0x0  }
0x14: {  	s2 =	sld [smem:$0x3F96];
	s0 =	simm.s32 @p1 $0x1  }
0x15: {  	[smem:$0x3FB3] =	sst s0;
	s0 =	simm.s32 @!p2 $0x0  }
0x16: {  	s3 =	sld [smem:$0x3FDB];
	s0 =	simm.s32 @p2 $0x1  }
0x17: {  	s4 =	simm.s32 $0x1BF5;
	[smem:$0x3FB5] =	sst s0  }
0x18: {  	s0 =	sld [smem:$0x3F98];
	_ =	swait.ge [sflag:s4], $0x0  }
0x19: {  	s7 =	sld [smem:$0x3F99]  }
0x1a: {  	s8 =	sadd.s32 $0xFFFFE003, lr  }
0x1b: {  	s9 =	sadd.s32 $0xFFFFFEF7, lr;
	s5 =	simm.s32 $0xFFFFFFFF;
	p2 =	slt.u32 s8, $0xFFFFF086  }
0x1c: {  	p1 =	slt.u32 s9, $0xF7A;
	s5 =	simm.s32 @!p2 $0x0  }
0x1d: {  	s5 =	simm.s32 @p1 $0x1;
	p0 =	seq.s32 s7, s2  }
0x1e: {  	s7 =	smul.u32 @!p0 $0xF7A, s2;
	p2 =	seq.s32 @!p0 s5, $0x0  }
0x1f: {  	s9 =	smul.u32 $0xF7A, s1;
	s8 =	simm.s32 @!p0 $0x1BF5;
	p2 =	por !p2, p0  }
0x20: {  	[sflag:s8] =	ssyncset.s32 @!p0 $0xFFFFF086;
	s6 =	sadd.s32 @!p0 s3, s7;
	s7 =	simm.s32 @!p0 $0x108  }
0x21: {  	s3 =	sadd.s32 s3, s9;
	s6 =	sadd.s32 @!p0 $0x88, s6;
	s7 =	simm.s32 @p2 $0x1082  }
0x22: {  	[simem:s7], [sflag:s8] =	dma.local @!p0 [hbm:s6], $0xF7A  }
0x23: {  	s9 =	sor.u32 $0xD0000000, s2;
	s6 =	simm.s32 $0x108;
	_ =	swait.ge @!p0 [sflag:s8], $0x0  }
0x24: {  	s3 =	sadd.s32 $0x88, s3;
	s6 =	simm.s32 @!p1 $0x1082;
	[sflag:s4] =	ssyncset.s32 $0xFFFFF086  }
0x25: {  	[simem:s6], [sflag:s4] =	dma.local [hbm:s3], $0xF7A  }
0x26: {  	[smem:$0x3F99] =	sst s1;
	(tag) =	ssettag s2;
	_ =	strace s9  }
0x27: {  	s1 =	sld [smem:$0x3FA9]  }
0x28: {  	s2 =	sld [smem:$0x3FAA]  }
0x29: {  	s4 =	sld [smem:$0x3FAC]  }
0x2a: {  	p0 =	seq.s32 s5, $0x0;
	s5 =	sld [smem:$0x3FAD]  }
0x2b: {  	s6 =	sld [smem:$0x3FAE]  }
0x2c: {  	s7 =	sld [smem:$0x3FAF]  }
0x2d: {  	s3 =	simm.s32 $0x108;
	s8 =	sld [smem:$0x3FB0]  }
0x2e: {  	s3 =	simm.s32 @!p0 $0x1082;
	s9 =	sld [smem:$0x3FB1]  }
0x2f: {  	lr =	sadd.s32 s0, s3;
	s0 =	sld [smem:$0x3FA8]  }
0x30: {  	s3 =	sld [smem:$0x3FAB]  }
0x31: {  	[smem:$0x3FB4] =	sst s10  }
0x32: {  	s10 =	sld [smem:$0x3FB2];
	_ =	sdelay $0x3  }
0x33: {  	p0 =	seq.s32 s10, $0x1;
	s10 =	sld [smem:$0x3FB4];
	_ =	sdelay $0x3  }
0x34: {  	[smem:$0x3FB4] =	sst s10  }
0x35: {  	s10 =	sld [smem:$0x3FB3];
	_ =	sdelay $0x3  }
0x36: {  	p1 =	seq.s32 s10, $0x1;
	s10 =	sld [smem:$0x3FB4];
	_ =	sdelay $0x3  }
0x37: {  	[smem:$0x3FB4] =	sst s10  }
0x38: {  	s10 =	sld [smem:$0x3FB5]  }
0x39: {  	_ = 	snop;
	(pc) =	sbr.ind lr, $3  }
0x3a: {  	_ = 	snop  }
0x3b: {  	_ = 	snop  }
0x3c: {  	p2 =	seq.s32 s10, $0x1;
	s10 =	sld [smem:$0x3FB4]  }
0x3d: {  	_ =	shalt  }
0x3e: {  	_ =	shalt  }
0x3f: {  	_ =	shalt  }
0x40: {  	_ =	shalt  }
0x41: {  	_ =	shalt  }
0x42: {  	_ =	shalt  }
0x43: {  	_ =	shalt  }
0x44: {  	_ =	shalt  }
0x45: {  	_ =	shalt  }
0x46: {  	_ =	shalt  }
0x47: {  	_ =	shalt  }
0x48: {  	_ =	shalt  }
0x49: {  	_ =	shalt  }
0x4a: {  	_ =	shalt  }
0x4b: {  	_ =	shalt  }
0x4c: {  	_ =	shalt  }
0x4d: {  	_ =	shalt  }
0x4e: {  	_ =	shalt  }
0x4f: {  	_ =	shalt  }
0x50: {  	_ =	shalt  }
0x51: {  	_ =	shalt  }
0x52: {  	_ =	shalt  }
0x53: {  	_ =	shalt  }
0x54: {  	_ =	shalt  }
0x55: {  	_ =	shalt  }
0x56: {  	_ =	shalt  }
0x57: {  	_ =	shalt  }
0x58: {  	_ =	shalt  }
0x59: {  	_ =	shalt  }
0x5a: {  	_ =	shalt  }
0x5b: {  	_ =	shalt  }
0x5c: {  	_ =	shalt  }
0x5d: {  	_ =	shalt  }
0x5e: {  	_ =	shalt  }
0x5f: {  	_ =	shalt  }
0x60: {  	_ =	shalt  }
0x61: {  	_ =	shalt  }
0x62: {  	_ =	shalt  }
0x63: {  	_ =	shalt  }
0x64: {  	_ =	shalt  }
0x65: {  	_ =	shalt  }
0x66: {  	_ =	shalt  }
0x67: {  	_ =	shalt  }
0x68: {  	_ =	shalt  }
0x69: {  	_ =	shalt  }
0x6a: {  	_ =	shalt  }
0x6b: {  	_ =	shalt  }
0x6c: {  	_ =	shalt  }
0x6d: {  	_ =	shalt  }
0x6e: {  	_ =	shalt  }
0x6f: {  	_ =	shalt  }
0x70: {  	_ =	shalt  }
0x71: {  	_ =	shalt  }
0x72: {  	_ =	shalt  }
0x73: {  	_ =	shalt  }
0x74: {  	_ =	shalt  }
0x75: {  	_ =	shalt  }
0x76: {  	_ =	shalt  }
0x77: {  	_ =	shalt  }
0x78: {  	_ =	shalt  }
0x79: {  	_ =	shalt  }
0x7a: {  	_ =	shalt  }
0x7b: {  	_ =	shalt  }
0x7c: {  	_ =	shalt  }
0x7d: {  	_ =	shalt  }
0x7e: {  	_ =	shalt  }
0x7f: {  	_ =	shalt  }
0x80: {  	_ =	shalt  }
0x81: {  	_ =	shalt  }
0x82: {  	_ =	shalt  }
0x83: {  	_ =	shalt  }
0x84: {  	_ =	shalt  }
0x85: {  	_ =	shalt  }
0x86: {  	_ =	shalt  }
0x87: {  	_ =	shalt  }
.Lfunc_end0:
.L_simem_size_0:
called_computation.1_lowered:
.L_overlay_start_0:
0x88: {  	s2 =	sld [smem:$0x3FD9]  }
0x89: {  	s3 =	sld [smem:$0x3FFE];
	_ =	sdelay $0x1  }
0x8a: {  	s1 =	srdreg.scid  }
0x8b: {  	s0 =	sand.u32 $0x1, s1  }
0x8c: {  	s16 =	sshll.u32 s0, $0xA;
	s2 =	sadd.s32 s3, s2  }
0x8d: {  	s2 =	sadd.s32 s2, s16  }
0x8e: {  	[smem:$0x3FC0] =	sst s2  }
0x8f: {  	_ = 	snop  }
0x90: {  	(tm) =	ssettm $0x1  }
0x91: {  	s17 =	sld [smem:$0x3FFB];
	_ =	sdelay $0x3  }
0x92: {  	_ =	strace s17  }
0x93: {  	s2 =	sld [smem:$0x3FFC];
	_ =	sdelay $0x3  }
0x94: {  	_ =	strace s2  }
0x95: {  	s2 =	sld [smem:$0x3FFD];
	_ =	sdelay $0x3  }
0x96: {  	_ =	strace s2  }
0x97: {  	_ =	strace $0x8FFFFFFF  }
0x98: {  	s18 =	sld [smem:$0x3FDB];
	_ =	sdelay $0x1  }
0x99: {  	s19 =	simm.s32 $_scs_section_size  }
0x9a: {  	s4 =	simm.s32 $_size__tile_overlayer_lowered;
	s5 =	simm.s32 $_tile_overlayer_lowered  }
0x9b: {  	s22 =	simm.s32 $0x1BFF;
	s21 =	sshll.u32 s5, $0x1;
	s2 =	sadd.s32 s19, s18  }
0x9c: {  	s6 =	simm.s32 $0x0;
	s20 =	sshll.u32 s4, $0x1;
	s4 =	sadd.s32 s21, s2  }
0x9d: {  	[timem:s6], [sflag:s22] =	dma.local [hbm:s4], s20  }
0x9e: {  	_ =	swait.ge [sflag:s22], s20  }
0x9f: {  	s3 =	ssub.s32 $0x0, s20;
	[sflag:s22] =	ssyncset.done $0x0  }
0xa0: {  	[sflag:s22] =	ssyncadd.s32 s3;
	_ =	sdelay $0x1  }
0xa1: {  	s23 =	simm.s32 $0x1B8B  }
0xa2: {  	_ =	swait.ge [sflag:s23], $0x1  }
0xa3: {  	[sflag:s23] =	ssyncset.done $0x0  }
0xa4: {  	s25 =	simm.s32 $0x1B8E;
	s24 =	sld [smem:$0x3FFE];
	[sflag:s23] =	ssyncadd.s32 $0xFFFFFFFF  }
0xa5: {  	s26 =	simm.s32 $execute0_lowered;
	[smem:$0x3FD2] =	sst s25  }
0xa6: {  	s4 =	sshll.u32 s26, $0x1;
	_ =	strace $0x80000049;
	[dreg:$0x1] =	wrdreg $0xFFFFFFFF  }
0xa7: {  	s28 =	simm.s32 $_size_execute0_lowered;
	s2 =	sadd.s32 s2, s4;
	[dreg:$0x0] =	wrdreg $0x0  }
0xa8: {  	s4 =	sshll.u32 s28, $0x1;
	[dreg:$0x2] =	wrdreg s2  }
0xa9: {  	[dreg:$0x3] =	wrdreg s4  }
0xaa: {  	[dreg:$0x4] =	wrdreg $0xC0  }
0xab: {  	_ =	task [dreg:s6], $0x5FFFF  }
0xac: {  	[dreg:$0x1] =	wrdreg $0xFFFFFFFF  }
0xad: {  	[dreg:$0x0] =	wrdreg $0x60  }
0xae: {  	[dreg:$0x2] =	wrdreg s24  }
0xaf: {  	[dreg:$0x3] =	wrdreg $0x0  }
0xb0: {  	[dreg:$0x4] =	wrdreg $0x4F000  }
0xb1: {  	[dreg:$0x5] =	wrdreg $0x9  }
0xb2: {  	_ =	task.clear_ibuf [dreg:s6], $0x6FFFF;
	_ =	strace $0x90000049  }
0xb3: {  	s29 =	simm.s32 $0x9;
	_ =	strace $0x8000004B  }
0xb4: {  	_ =	swait.ge [sflag:s29], $0x1  }
0xb5: {  	[sflag:s29] =	ssyncadd.s32 $0xFFFFFFFF  }
0xb6: {  	_ =	strace $0x9000004B  }
0xb7: {  	_ =	sfence  }
0xb8: {  	s30 =	sld [smem:$0x0];
	_ =	sdelay $0x2  }
0xb9: {  	s31 =	sshll.u32 s1, $0xD;
	s1 =	sshrl.u32 s1, $0x2  }
0xba: {  	s3 =	sand.u32 $0x4000, s31;
	s1 =	sadd.s32 s1, s30  }
0xbb: {  	s0 =	sor.u32 s3, s0;
	s1 =	sshll.u32 s1, $0x11  }
0xbc: {  	s0 =	sor.u32 s1, s0  }
0xbd: {  	s0 =	sadd.s32 $0x8F2B, s0  }
0xbe: {  	[sflag:s0] =	ssyncadd.remote.s32 $0x1  }
0xbf: {  	_ =	sfence.sel $0xFFFF  }
0xc0: {  	[dreg:$0x0] =	wrdreg $0xFFFFFFFF;
	(pc) =	sbr.abs _section_cstart, $3  }
0xc1: {  	[dreg:$0x1] =	wrdreg $0xFFFFFFFF  }
0xc2: {  	_ =	task.clear_ibuf [dreg:s6], $0x2FFFF;
	_ =	strace $0x9FFFFFFF  }
0xc3: {  	(tm) =	ssettm $0x7FFFFFFF  }
tec
execute0_lowered:
.L_overlay_start_1:
0x0: {  	(tag) =	ssettag $0x1  }
0x1: {  	s4 =	rddreg [dreg:$0x0]  }
0x2: {  	s0 =	srdreg.scid;
	s2 =	rddreg [dreg:$0x1]  }
0x3: {  	s11 =	stileid.u32;
	s3 =	rddreg [dreg:$0x2];
	s8 =	simm.s32 $0x0  }
0x4: {  	s13 =	simm.s32 $0xB;
	s15 =	simm.s32 $0x1;
	s16 =	simm.s32 $0x4  }
0x5: {  	s17 =	simm.s32 $0x10;
	s18 =	simm.s32 $0xCF20;
	s19 =	simm.s32 $0xF630  }
0x6: {  	s20 =	simm.s32 $0x50;
	s21 =	simm.s32 $0x9D20;
	s5 =	smul.u32 $0x2710, s11  }
0x7: {  	s28 =	simm.s32 $0xBB20;
	s30 =	simm.s32 $0xC520;
	s6 =	smul.u32 $0x9E0, s11  }
0x8: {  	s31 =	simm.s32 $0x2;
	s29 =	simm.s32 $0x9;
	s7 =	smul.u32 $0x13C00, s11  }
0x9: {  	s0 =	sand.u32 $0x1, s0;
	[smem:$0x7FF] =	sst s8;
	s10 =	smul.u32 $0x13880, s11  }
0xa: {  	s23 =	sshll.u32 s11, $0x6;
	s1 =	sshll.u32 s0, $0x4;
	s22 =	smul.u32 $0x13C000, s0  }
0xb: {  	_ =	strace $0x8000004A;
	s0 =	ssub.s32 $0x2, s0;
	s1 =	sor.u32 s11, s1  }
0xc: {  	s5 =	sadd.s32 s5, s4;
	s6 =	sadd.s32 s6, s4;
	s9 =	sshrl.u32 s0, $0x1  }
0xd: {  	s24 =	sshrl.u32 s10, $0x2;
	s1 =	smul.u32 $0x2710, s1;
	s8 =	sadd.s32 s7, s22  }
0xe: {  	s0 =	ssub.s32 s0, s9;
	s7 =	sshrl.u32 s7, $0x2;
	s6 =	sadd.s32 $0x3DA00, s6  }
0xf: {  	s25 =	sadd.s32 s24, s3;
	s5 =	sadd.s32 $0x16800, s5;
	s22 =	simm.s32 $0x7  }
0x10: {  	s24 =	simm.s32 $0x8;
	s8 =	sshrl.u32 s8, $0x3;
	[dreg:$0x4] =	wrdreg s6  }
0x11: {  	s7 =	sadd.s32 s7, s2;
	s6 =	sor.u32 $0x1C0B, s23;
	[dreg:$0x5] =	wrdreg s5  }
0x12: {  	s11 =	smax.u32 s0, $0x1;
	s14 =	sshrl.u32 s25, $0x3;
	s23 =	simm.s32 $0xA720  }
0x13: {  	s25 =	simm.s32 $0xB120;
	s0 =	simm.s32 $0x3;
	s1 =	sshrl.u32 s1, $0x3  }
0x14: {  	s5 =	simm.s32 $0x0;
	s12 =	sshrl.u32 s7, $0x3;
	s1 =	sadd.s32 s1, s4  }
0x15: {  	s4 =	sadd.s32 s8, s4;
	s26 =	sadd.s32 $0x2E00, s1;
	s1 =	sadd.s32 $0xCA40, s1  }
0x16: {  	s10 =	sadd.s32 $0x47800, s4;
	s4 =	simm.s32 $0xA;
	[dreg:$0x6] =	wrdreg s26  }
0x17: {  	[dreg:$0x7] =	wrdreg s1;
	s26 =	simm.s32 $0x5;
	s1 =	simm.s32 $0x6  }
.LBB2_1:
0x18: {  	s7 =	rddreg [dreg:$0x4]  }
0x19: {  	[spmem:s12], [sflag:s6] =	dma.local [hbm:s7], $0x9E0  }
0x1a: {  	_ =	swait.ge [sflag:s13], $0x9E0  }
0x1b: {  	[sflag:s13] =	ssyncset.done $0x0  }
0x1c: {  	s8 =	rddreg [dreg:$0x5];
	[sflag:s13] =	ssyncadd.s32 $0xFFFFF620  }
0x1d: {  	[spmem:s14@s16], [sflag:s6] =	dma.strided [hbm:s8@s17], $0x9C4, s15, $0x4   }
0x1e: {  	_ =	swait.ge [sflag:s13], $0x9C4  }
0x1f: {  	[sflag:s13] =	ssyncset.done $0x0  }
0x20: {  	s7 =	simm.s32 $0x0;
	s8 =	rddreg [dreg:$0x6];
	[sflag:s13] =	ssyncadd.s32 $0xFFFFF63C  }
0x21: {  	[tilespmem:s18], [sflag:$0xB] =	stream.linear.gather [hbm4b:s8+s7], $0x2710, $0x38;
	[tilespmem:$0x11D40] =	vst v63  }
0x22: {  	_ =	swait.ge [sflag:s13], $0x2710  }
0x23: {  	[sflag:s13] =	ssyncset.done $0x0  }
0x24: {  	s9 =	rddreg [dreg:$0x7];
	[sflag:s13] =	ssyncadd.s32 $0xFFFFD8F0  }
0x25: {  	[tilespmem:s19], [sflag:$0xB] =	stream.linear.gather [hbm4b:s9+s7], $0x2710, $0x38;
	[tilespmem:$0x11D40] =	vst v63  }
0x26: {  	_ =	swait.ge [sflag:s13], $0x2710  }
0x27: {  	[sflag:s13] =	ssyncset.done $0x0  }
0x28: {  	[sflag:s13] =	ssyncadd.s32 $0xFFFFD8F0  }
0x29: {  	[bflag:$0x0] =	sbarrier.arrive $0xFFFF  }
0x2a: {  	[tilespmem:s21], [sflag:$0x1] =	stream.indirect.gather [spmem:s3], $0x20, s18, s20, $0xb8;
	[tilespmem:$0x11D40] =	vst v63  }
0x2b: {  	s9 =	simm.s32 $0xCF70  }
0x2c: {  	[tilespmem:s23], [sflag:$0x2] =	stream.indirect.gather [spmem:s3], $0x20, s9, s20, $0xb8;
	[tilespmem:$0x11D40] =	vst v63  }
0x2d: {  	s8 =	simm.s32 $0xCFC0  }
0x2e: {  	[tilespmem:s25], [sflag:$0x3] =	stream.indirect.gather [spmem:s3], $0x20, s8, s20, $0xb8;
	[tilespmem:$0x11D40] =	vst v63  }
0x2f: {  	s9 =	simm.s32 $0xD010  }
0x30: {  	[tilespmem:s28], [sflag:$0x4] =	stream.indirect.gather [spmem:s3], $0x20, s9, s20, $0xb8;
	[tilespmem:$0x11D40] =	vst v63  }
0x31: {  	s8 =	simm.s32 $0xD060  }
0x32: {  	[tilespmem:s30], [sflag:$0x5] =	stream.indirect.gather [spmem:s3], $0x20, s8, s20, $0xb8;
	[tilespmem:$0x11D40] =	vst v63  }
0x33: {  	_ =	swait.ge [sflag:s15], $0xA00  }
0x34: {  	[sflag:s15] =	ssyncset.done $0x0  }
0x35: {  	[sflag:s15] =	ssyncadd.s32 $0xFFFFF600  }
0x36: {  	[spmem:s2] =	stream.indirect.scatter.add.f32 [tilespmem:s21], [sflag:$0x6], $0x20, s19, s20, $0xb8;
	[tilespmem:$0x11D40] =	vst v63  }
0x37: {  	_ =	swait.ge [sflag:s31], $0xA00  }
0x38: {  	[sflag:s31] =	ssyncset.done $0x0  }
0x39: {  	s9 =	simm.s32 $0xF680;
	[sflag:s31] =	ssyncadd.s32 $0xFFFFF600  }
0x3a: {  	[spmem:s2] =	stream.indirect.scatter.add.f32 [tilespmem:s23], [sflag:$0x7], $0x20, s9, s20, $0xb8;
	[tilespmem:$0x11D40] =	vst v63  }
0x3b: {  	_ =	swait.ge [sflag:s0], $0xA00  }
0x3c: {  	[sflag:s0] =	ssyncset.done $0x0  }
0x3d: {  	s8 =	simm.s32 $0xF6D0;
	[sflag:s0] =	ssyncadd.s32 $0xFFFFF600  }
0x3e: {  	[spmem:s2] =	stream.indirect.scatter.add.f32 [tilespmem:s25], [sflag:$0x8], $0x20, s8, s20, $0xb8;
	[tilespmem:$0x11D40] =	vst v63  }
0x3f: {  	_ =	swait.ge [sflag:s16], $0xA00  }
0x40: {  	[sflag:s16] =	ssyncset.done $0x0  }
0x41: {  	s9 =	simm.s32 $0xF720;
	[sflag:s16] =	ssyncadd.s32 $0xFFFFF600  }
0x42: {  	[spmem:s2] =	stream.indirect.scatter.add.f32 [tilespmem:s28], [sflag:$0x9], $0x20, s9, s20, $0xb8;
	[tilespmem:$0x11D40] =	vst v63  }
0x43: {  	_ =	swait.ge [sflag:s26], $0xA00  }
0x44: {  	[sflag:s26] =	ssyncset.done $0x0  }
0x45: {  	s8 =	simm.s32 $0xF770;
	[sflag:s26] =	ssyncadd.s32 $0xFFFFF600  }
0x46: {  	[spmem:s2] =	stream.indirect.scatter.add.f32 [tilespmem:s30], [sflag:$0xA], $0x20, s8, s20, $0xb8;
	[tilespmem:$0x11D40] =	vst v63  }
0x47: {  	_ =	swait.ge [sflag:s1], $0xA00  }
0x48: {  	[sflag:s1] =	ssyncset.done $0x0  }
0x49: {  	s9 =	simm.s32 $0xD0B0;
	[sflag:s1] =	ssyncadd.s32 $0xFFFFF600  }
0x4a: {  	[tilespmem:s21], [sflag:$0x1] =	stream.indirect.gather [spmem:s3], $0x20, s9, s20, $0xb8;
	[tilespmem:$0x11D40] =	vst v63  }
0x4b: {  	_ =	swait.ge [sflag:s22], $0xA00  }
0x4c: {  	[sflag:s22] =	ssyncset.done $0x0  }
0x4d: {  	s8 =	simm.s32 $0xD100;
	[sflag:s22] =	ssyncadd.s32 $0xFFFFF600  }
0x4e: {  	[tilespmem:s23], [sflag:$0x2] =	stream.indirect.gather [spmem:s3], $0x20, s8, s20, $0xb8;
	[tilespmem:$0x11D40] =	vst v63  }
0x4f: {  	_ =	swait.ge [sflag:s24], $0xA00  }
0x50: {  	[sflag:s24] =	ssyncset.done $0x0  }
0x51: {  	s9 =	simm.s32 $0xD150;
	[sflag:s24] =	ssyncadd.s32 $0xFFFFF600  }
0x52: {  	[tilespmem:s25], [sflag:$0x3] =	stream.indirect.gather [spmem:s3], $0x20, s9, s20, $0xb8;
	[tilespmem:$0x11D40] =	vst v63  }
0x53: {  	_ =	swait.ge [sflag:s29], $0xA00  }
0x54: {  	[sflag:s29] =	ssyncset.done $0x0  }
0x55: {  	s8 =	simm.s32 $0xD1A0;
	[sflag:s29] =	ssyncadd.s32 $0xFFFFF600  }
0x56: {  	[tilespmem:s28], [sflag:$0x4] =	stream.indirect.gather [spmem:s3], $0x20, s8, s20, $0xb8;
	[tilespmem:$0x11D40] =	vst v63  }
0x57: {  	_ =	swait.ge [sflag:s4], $0xA00  }
0x58: {  	[sflag:s4] =	ssyncset.done $0x0  }
0x59: {  	s9 =	simm.s32 $0xD1F0;
	[sflag:s4] =	ssyncadd.s32 $0xFFFFF600  }
0x5a: {  	[tilespmem:s30], [sflag:$0x5] =	stream.indirect.gather [spmem:s3], $0x20, s9, s20, $0xb8;
	[tilespmem:$0x11D40] =	vst v63  }
0x5b: {  	_ =	swait.ge [sflag:s15], $0xA00  }
0x5c: {  	[sflag:s15] =	ssyncset.done $0x0  }
0x5d: {  	s8 =	simm.s32 $0xF7C0;
	[sflag:s15] =	ssyncadd.s32 $0xFFFFF600  }
0x5e: {  	[spmem:s2] =	stream.indirect.scatter.add.f32 [tilespmem:s21], [sflag:$0x6], $0x20, s8, s20, $0xb8;
	[tilespmem:$0x11D40] =	vst v63  }
0x5f: {  	_ =	swait.ge [sflag:s31], $0xA00  }
0x60: {  	[sflag:s31] =	ssyncset.done $0x0  }
0x61: {  	s9 =	simm.s32 $0xF810;
	[sflag:s31] =	ssyncadd.s32 $0xFFFFF600  }
0x62: {  	[spmem:s2] =	stream.indirect.scatter.add.f32 [tilespmem:s23], [sflag:$0x7], $0x20, s9, s20, $0xb8;
	[tilespmem:$0x11D40] =	vst v63  }
0x63: {  	_ =	swait.ge [sflag:s0], $0xA00  }
0x64: {  	[sflag:s0] =	ssyncset.done $0x0  }
0x65: {  	s8 =	simm.s32 $0xF860;
	[sflag:s0] =	ssyncadd.s32 $0xFFFFF600  }
0x66: {  	[spmem:s2] =	stream.indirect.scatter.add.f32 [tilespmem:s25], [sflag:$0x8], $0x20, s8, s20, $0xb8;
	[tilespmem:$0x11D40] =	vst v63  }
0x67: {  	_ =	swait.ge [sflag:s16], $0xA00  }
0x68: {  	[sflag:s16] =	ssyncset.done $0x0  }
0x69: {  	s9 =	simm.s32 $0xF8B0;
	[sflag:s16] =	ssyncadd.s32 $0xFFFFF600  }
0x6a: {  	[spmem:s2] =	stream.indirect.scatter.add.f32 [tilespmem:s28], [sflag:$0x9], $0x20, s9, s20, $0xb8;
	[tilespmem:$0x11D40] =	vst v63  }
0x6b: {  	_ =	swait.ge [sflag:s26], $0xA00  }
0x6c: {  	[sflag:s26] =	ssyncset.done $0x0  }
0x6d: {  	s7 =	simm.s32 $0x640;
	s8 =	simm.s32 $0xF900;
	[sflag:s26] =	ssyncadd.s32 $0xFFFFF600  }
.LBB2_2:
0x6e: {  	[spmem:s2] =	stream.indirect.scatter.add.f32 [tilespmem:s30], [sflag:$0xA], $0x20, s8, s20, $0xb8;
	[tilespmem:$0x11D40] =	vst v63  }
0x6f: {  	s8 =	smov.u32 s7  }
0x70: {  	p0 =	sne.s32 s7, $0x8FC0;
	s7 =	sadd.s32 $0x640, s7;
	_ =	swait.ge [sflag:s1], $0xA00  }
0x71: {  	s8 =	sshra.s32 s8, $0x2;
	[sflag:s1] =	ssyncset.done $0x0  }
0x72: {  	s9 =	sadd.s32 $0xD0B0, s8;
	[sflag:s1] =	ssyncadd.s32 $0xFFFFF600  }
0x73: {  	[tilespmem:s21], [sflag:$0x1] =	stream.indirect.gather [spmem:s3], $0x20, s9, s20, $0xb8;
	[tilespmem:$0x11D40] =	vst v63  }
0x74: {  	_ =	swait.ge [sflag:s22], $0xA00  }
0x75: {  	[sflag:s22] =	ssyncset.done $0x0  }
0x76: {  	s9 =	sadd.s32 $0xD100, s8;
	[sflag:s22] =	ssyncadd.s32 $0xFFFFF600  }
0x77: {  	[tilespmem:s23], [sflag:$0x2] =	stream.indirect.gather [spmem:s3], $0x20, s9, s20, $0xb8;
	[tilespmem:$0x11D40] =	vst v63  }
0x78: {  	_ =	swait.ge [sflag:s24], $0xA00  }
0x79: {  	[sflag:s24] =	ssyncset.done $0x0  }
0x7a: {  	s9 =	sadd.s32 $0xD150, s8;
	[sflag:s24] =	ssyncadd.s32 $0xFFFFF600  }
0x7b: {  	[tilespmem:s25], [sflag:$0x3] =	stream.indirect.gather [spmem:s3], $0x20, s9, s20, $0xb8;
	[tilespmem:$0x11D40] =	vst v63  }
0x7c: {  	_ =	swait.ge [sflag:s29], $0xA00  }
0x7d: {  	[sflag:s29] =	ssyncset.done $0x0  }
0x7e: {  	s9 =	sadd.s32 $0xD1A0, s8;
	[sflag:s29] =	ssyncadd.s32 $0xFFFFF600  }
0x7f: {  	[tilespmem:s28], [sflag:$0x4] =	stream.indirect.gather [spmem:s3], $0x20, s9, s20, $0xb8;
	[tilespmem:$0x11D40] =	vst v63  }
0x80: {  	_ =	swait.ge [sflag:s4], $0xA00  }
0x81: {  	[sflag:s4] =	ssyncset.done $0x0  }
0x82: {  	s9 =	sadd.s32 $0xD1F0, s8;
	[sflag:s4] =	ssyncadd.s32 $0xFFFFF600  }
0x83: {  	[tilespmem:s30], [sflag:$0x5] =	stream.indirect.gather [spmem:s3], $0x20, s9, s20, $0xb8;
	[tilespmem:$0x11D40] =	vst v63  }
0x84: {  	_ =	swait.ge [sflag:s15], $0xA00  }
0x85: {  	[sflag:s15] =	ssyncset.done $0x0  }
0x86: {  	s9 =	sadd.s32 $0xF7C0, s8;
	[sflag:s15] =	ssyncadd.s32 $0xFFFFF600  }
0x87: {  	[spmem:s2] =	stream.indirect.scatter.add.f32 [tilespmem:s21], [sflag:$0x6], $0x20, s9, s20, $0xb8;
	[tilespmem:$0x11D40] =	vst v63  }
0x88: {  	_ =	swait.ge [sflag:s31], $0xA00  }
0x89: {  	[sflag:s31] =	ssyncset.done $0x0  }
0x8a: {  	s9 =	sadd.s32 $0xF810, s8;
	[sflag:s31] =	ssyncadd.s32 $0xFFFFF600  }
0x8b: {  	[spmem:s2] =	stream.indirect.scatter.add.f32 [tilespmem:s23], [sflag:$0x7], $0x20, s9, s20, $0xb8;
	[tilespmem:$0x11D40] =	vst v63  }
0x8c: {  	_ =	swait.ge [sflag:s0], $0xA00  }
0x8d: {  	[sflag:s0] =	ssyncset.done $0x0  }
0x8e: {  	s9 =	sadd.s32 $0xF860, s8;
	[sflag:s0] =	ssyncadd.s32 $0xFFFFF600  }
0x8f: {  	[spmem:s2] =	stream.indirect.scatter.add.f32 [tilespmem:s25], [sflag:$0x8], $0x20, s9, s20, $0xb8;
	[tilespmem:$0x11D40] =	vst v63  }
0x90: {  	_ =	swait.ge [sflag:s16], $0xA00  }
0x91: {  	[sflag:s16] =	ssyncset.done $0x0  }
.Ltmp0:
0x92: {  	s9 =	sadd.s32 $0xF8B0, s8;
	[sflag:s16] =	ssyncadd.s32 $0xFFFFF600;
	(pc) =	sbr.rel @p0 .LBB2_2-.Ltmp0, $4  }
0x93: {  	[spmem:s2] =	stream.indirect.scatter.add.f32 [tilespmem:s28], [sflag:$0x9], $0x20, s9, s20, $0xb8;
	[tilespmem:$0x11D40] =	vst v63  }
0x94: {  	_ =	swait.ge [sflag:s26], $0xA00  }
0x95: {  	[sflag:s26] =	ssyncset.done $0x0  }
0x96: {  	s8 =	sadd.s32 $0xF900, s8;
	[sflag:s26] =	ssyncadd.s32 $0xFFFFF600  }
0x97: {  	[spmem:s2] =	stream.indirect.scatter.add.f32 [tilespmem:s30], [sflag:$0xA], $0x20, s8, s20, $0xb8;
	[tilespmem:$0x11D40] =	vst v63  }
0x98: {  	_ =	swait.ge [sflag:s1], $0xA00  }
0x99: {  	[sflag:s1] =	ssyncset.done $0x0  }
0x9a: {  	[sflag:s1] =	ssyncadd.s32 $0xFFFFF600  }
0x9b: {  	_ =	swait.ge [sflag:s22], $0xA00  }
0x9c: {  	[sflag:s22] =	ssyncset.done $0x0  }
0x9d: {  	[sflag:s22] =	ssyncadd.s32 $0xFFFFF600  }
0x9e: {  	_ =	swait.ge [sflag:s24], $0xA00  }
0x9f: {  	[sflag:s24] =	ssyncset.done $0x0  }
0xa0: {  	[sflag:s24] =	ssyncadd.s32 $0xFFFFF600  }
0xa1: {  	_ =	swait.ge [sflag:s29], $0xA00  }
0xa2: {  	[sflag:s29] =	ssyncset.done $0x0  }
0xa3: {  	[sflag:s29] =	ssyncadd.s32 $0xFFFFF600  }
0xa4: {  	_ =	swait.ge [sflag:s4], $0xA00  }
0xa5: {  	s5 =	sadd.s32 $0x1, s5;
	[sflag:s4] =	ssyncset.done $0x0  }
0xa6: {  	p0 =	sne.s32 s5, s11;
	[sflag:s4] =	ssyncadd.s32 $0xFFFFF600  }
.Ltmp1:
0xa7: {  	[bflag:$0x0] =	sbarrier.arrive $0xFFFF;
	(pc) =	sbr.rel @p0 .LBB2_1-.Ltmp1, $4  }
0xa8: {  	[hbm:s10@s17], [sflag:s6] =	dma.strided [spmem:s12@s16], $0x9E0, s15, $0x4   }
0xa9: {  	_ =	swait.ge [sflag:s13], $0x9E0  }
0xaa: {  	[sflag:s13] =	ssyncset.done $0x0  }
0xab: {  	[sflag:s13] =	ssyncadd.s32 $0xFFFFF620  }
0xac: {  	_ =	sfence.sel $0x180000  }
0xad: {  	[bflag:$0x0] =	sbarrier.arrive $0xFFFF  }
0xae: {  	_ =	strace $0x9000004A  }
0xaf: {  	s0 =	stileid.u32;
	[bflag:$0x2] =	sbarrier.arrive $0xFFFF  }
0xb0: {  	p0 =	sne.s32 s0, $0x0;
	s0 =	rddreg [dreg:$0x3]  }
0xb1: {  	s0 =	sadd.s32 @!p0 $0x100000, s0  }
0xb2: {  	[sflag:s0] =	ssyncadd.tile.s32 @!p0 $0x1;
	_ =	shalt  }
.Lfunc_end2:
_tile_overlayer_lowered:
.L_overlay_start_2:
0xb3: {  	(tag) =	ssettag $0x2  }
0xb4: {  	s0 =	rddreg [dreg:$0x0];
	s2 =	stileid.u32  }
0xb5: {  	s1 =	rddreg [dreg:$0x1];
	p0 =	sne.s32 s2, $0x0  }
0xb6: {  	s3 =	rddreg [dreg:$0x2];
	[bflag:$0x3] =	sbarrier.arrive $0xFFFF;
	s2 =	simm.s32 @!p0 $0x1C0B  }
0xb7: {  	[timem:s3], [sflag:s2] =	dma.local @!p0 [hbm:s0], s1  }
0xb8: {  	s0 =	simm.s32 @!p0 $0xB  }
0xb9: {  	_ =	swait.ge @!p0 [sflag:s0], s1  }
0xba: {  	s1 =	ssub.s32 @!p0 $0x0, s1;
	[sflag:s0] =	ssyncset.done @!p0 $0x0  }
0xbb: {  	[sflag:s0] =	ssyncadd.s32 @!p0 s1  }
0xbc: {  	[bflag:$0x3] =	sbarrier.arrive $0xFFFF  }
0xbd: {  	_ =	shalt  }

// kernel: kernel.15.cloned.1.call-start
scs
__scs_entry_jumppad:
0x0: {  	(pc) =	sbr.rel $0x88, $3  }
0x1: {  	(tag) =	ssettag $0x0;
	lr =	simm.s32 $0x1  }
0x2: {  	[smem:$0x3F99] =	sst lr;
	_ =	strace $0xD0000000  }
0x3: {  	_ = 	snop  }
0x4: {  	_ = 	snop  }
0x5: {  	_ = 	snop  }
0x6: {  	_ = 	snop  }
0x7: {  	_ = 	snop  }
__scs_overlays_trampoline_lowered:
0x8: {  	[smem:$0x3FA8] =	sst s0  }
0x9: {  	[smem:$0x3FA9] =	sst s1  }
0xa: {  	[smem:$0x3FAA] =	sst s2  }
0xb: {  	[smem:$0x3FAB] =	sst s3  }
0xc: {  	[smem:$0x3FAC] =	sst s4  }
0xd: {  	[smem:$0x3FAD] =	sst s5  }
0xe: {  	[smem:$0x3FAE] =	sst s6  }
0xf: {  	[smem:$0x3FAF] =	sst s7  }
0x10: {  	[smem:$0x3FB0] =	sst s8  }
0x11: {  	[smem:$0x3FB1] =	sst s9;
	s0 =	simm.s32 @!p0 $0x0  }
0x12: {  	s1 =	sld [smem:$0x3F97];
	s0 =	simm.s32 @p0 $0x1  }
0x13: {  	[smem:$0x3FB2] =	sst s0;
	s0 =	simm.s32 @!p1 $0x0  }
0x14: {  	s2 =	sld [smem:$0x3F96];
	s0 =	simm.s32 @p1 $0x1  }
0x15: {  	[smem:$0x3FB3] =	sst s0;
	s0 =	simm.s32 @!p2 $0x0  }
0x16: {  	s3 =	sld [smem:$0x3FDB];
	s0 =	simm.s32 @p2 $0x1  }
0x17: {  	s4 =	simm.s32 $0x1BF5;
	[smem:$0x3FB5] =	sst s0  }
0x18: {  	s0 =	sld [smem:$0x3F98];
	_ =	swait.ge [sflag:s4], $0x0  }
0x19: {  	s7 =	sld [smem:$0x3F99]  }
0x1a: {  	s8 =	sadd.s32 $0xFFFFE003, lr  }
0x1b: {  	s9 =	sadd.s32 $0xFFFFFEF7, lr;
	s5 =	simm.s32 $0xFFFFFFFF;
	p2 =	slt.u32 s8, $0xFFFFF086  }
0x1c: {  	p1 =	slt.u32 s9, $0xF7A;
	s5 =	simm.s32 @!p2 $0x0  }
0x1d: {  	s5 =	simm.s32 @p1 $0x1;
	p0 =	seq.s32 s7, s2  }
0x1e: {  	s7 =	smul.u32 @!p0 $0xF7A, s2;
	p2 =	seq.s32 @!p0 s5, $0x0  }
0x1f: {  	s9 =	smul.u32 $0xF7A, s1;
	s8 =	simm.s32 @!p0 $0x1BF5;
	p2 =	por !p2, p0  }
0x20: {  	[sflag:s8] =	ssyncset.s32 @!p0 $0xFFFFF086;
	s6 =	sadd.s32 @!p0 s3, s7;
	s7 =	simm.s32 @!p0 $0x108  }
0x21: {  	s3 =	sadd.s32 s3, s9;
	s6 =	sadd.s32 @!p0 $0x88, s6;
	s7 =	simm.s32 @p2 $0x1082  }
0x22: {  	[simem:s7], [sflag:s8] =	dma.local @!p0 [hbm:s6], $0xF7A  }
0x23: {  	s9 =	sor.u32 $0xD0000000, s2;
	s6 =	simm.s32 $0x108;
	_ =	swait.ge @!p0 [sflag:s8], $0x0  }
0x24: {  	s3 =	sadd.s32 $0x88, s3;
	s6 =	simm.s32 @!p1 $0x1082;
	[sflag:s4] =	ssyncset.s32 $0xFFFFF086  }
0x25: {  	[simem:s6], [sflag:s4] =	dma.local [hbm:s3], $0xF7A  }
0x26: {  	[smem:$0x3F99] =	sst s1;
	(tag) =	ssettag s2;
	_ =	strace s9  }
0x27: {  	s1 =	sld [smem:$0x3FA9]  }
0x28: {  	s2 =	sld [smem:$0x3FAA]  }
0x29: {  	s4 =	sld [smem:$0x3FAC]  }
0x2a: {  	p0 =	seq.s32 s5, $0x0;
	s5 =	sld [smem:$0x3FAD]  }
0x2b: {  	s6 =	sld [smem:$0x3FAE]  }
0x2c: {  	s7 =	sld [smem:$0x3FAF]  }
0x2d: {  	s3 =	simm.s32 $0x108;
	s8 =	sld [smem:$0x3FB0]  }
0x2e: {  	s3 =	simm.s32 @!p0 $0x1082;
	s9 =	sld [smem:$0x3FB1]  }
0x2f: {  	lr =	sadd.s32 s0, s3;
	s0 =	sld [smem:$0x3FA8]  }
0x30: {  	s3 =	sld [smem:$0x3FAB]  }
0x31: {  	[smem:$0x3FB4] =	sst s10  }
0x32: {  	s10 =	sld [smem:$0x3FB2];
	_ =	sdelay $0x3  }
0x33: {  	p0 =	seq.s32 s10, $0x1;
	s10 =	sld [smem:$0x3FB4];
	_ =	sdelay $0x3  }
0x34: {  	[smem:$0x3FB4] =	sst s10  }
0x35: {  	s10 =	sld [smem:$0x3FB3];
	_ =	sdelay $0x3  }
0x36: {  	p1 =	seq.s32 s10, $0x1;
	s10 =	sld [smem:$0x3FB4];
	_ =	sdelay $0x3  }
0x37: {  	[smem:$0x3FB4] =	sst s10  }
0x38: {  	s10 =	sld [smem:$0x3FB5]  }
0x39: {  	_ = 	snop;
	(pc) =	sbr.ind lr, $3  }
0x3a: {  	_ = 	snop  }
0x3b: {  	_ = 	snop  }
0x3c: {  	p2 =	seq.s32 s10, $0x1;
	s10 =	sld [smem:$0x3FB4]  }
0x3d: {  	_ =	shalt  }
0x3e: {  	_ =	shalt  }
0x3f: {  	_ =	shalt  }
0x40: {  	_ =	shalt  }
0x41: {  	_ =	shalt  }
0x42: {  	_ =	shalt  }
0x43: {  	_ =	shalt  }
0x44: {  	_ =	shalt  }
0x45: {  	_ =	shalt  }
0x46: {  	_ =	shalt  }
0x47: {  	_ =	shalt  }
0x48: {  	_ =	shalt  }
0x49: {  	_ =	shalt  }
0x4a: {  	_ =	shalt  }
0x4b: {  	_ =	shalt  }
0x4c: {  	_ =	shalt  }
0x4d: {  	_ =	shalt  }
0x4e: {  	_ =	shalt  }
0x4f: {  	_ =	shalt  }
0x50: {  	_ =	shalt  }
0x51: {  	_ =	shalt  }
0x52: {  	_ =	shalt  }
0x53: {  	_ =	shalt  }
0x54: {  	_ =	shalt  }
0x55: {  	_ =	shalt  }
0x56: {  	_ =	shalt  }
0x57: {  	_ =	shalt  }
0x58: {  	_ =	shalt  }
0x59: {  	_ =	shalt  }
0x5a: {  	_ =	shalt  }
0x5b: {  	_ =	shalt  }
0x5c: {  	_ =	shalt  }
0x5d: {  	_ =	shalt  }
0x5e: {  	_ =	shalt  }
0x5f: {  	_ =	shalt  }
0x60: {  	_ =	shalt  }
0x61: {  	_ =	shalt  }
0x62: {  	_ =	shalt  }
0x63: {  	_ =	shalt  }
0x64: {  	_ =	shalt  }
0x65: {  	_ =	shalt  }
0x66: {  	_ =	shalt  }
0x67: {  	_ =	shalt  }
0x68: {  	_ =	shalt  }
0x69: {  	_ =	shalt  }
0x6a: {  	_ =	shalt  }
0x6b: {  	_ =	shalt  }
0x6c: {  	_ =	shalt  }
0x6d: {  	_ =	shalt  }
0x6e: {  	_ =	shalt  }
0x6f: {  	_ =	shalt  }
0x70: {  	_ =	shalt  }
0x71: {  	_ =	shalt  }
0x72: {  	_ =	shalt  }
0x73: {  	_ =	shalt  }
0x74: {  	_ =	shalt  }
0x75: {  	_ =	shalt  }
0x76: {  	_ =	shalt  }
0x77: {  	_ =	shalt  }
0x78: {  	_ =	shalt  }
0x79: {  	_ =	shalt  }
0x7a: {  	_ =	shalt  }
0x7b: {  	_ =	shalt  }
0x7c: {  	_ =	shalt  }
0x7d: {  	_ =	shalt  }
0x7e: {  	_ =	shalt  }
0x7f: {  	_ =	shalt  }
0x80: {  	_ =	shalt  }
0x81: {  	_ =	shalt  }
0x82: {  	_ =	shalt  }
0x83: {  	_ =	shalt  }
0x84: {  	_ =	shalt  }
0x85: {  	_ =	shalt  }
0x86: {  	_ =	shalt  }
0x87: {  	_ =	shalt  }
.Lfunc_end0:
.L_simem_size_0:
called_computation.2_lowered:
.L_overlay_start_0:
0x88: {  	s2 =	sld [smem:$0x3FD9]  }
0x89: {  	s3 =	sld [smem:$0x3FFE];
	_ =	sdelay $0x1  }
0x8a: {  	s1 =	srdreg.scid  }
0x8b: {  	s0 =	sand.u32 $0x1, s1  }
0x8c: {  	s16 =	sshll.u32 s0, $0xA;
	s2 =	sadd.s32 s3, s2  }
0x8d: {  	s2 =	sadd.s32 s2, s16  }
0x8e: {  	[smem:$0x3FC0] =	sst s2  }
0x8f: {  	_ = 	snop  }
0x90: {  	(tm) =	ssettm $0x1  }
0x91: {  	s17 =	sld [smem:$0x3FFB];
	_ =	sdelay $0x3  }
0x92: {  	_ =	strace s17  }
0x93: {  	s2 =	sld [smem:$0x3FFC];
	_ =	sdelay $0x3  }
0x94: {  	_ =	strace s2  }
0x95: {  	s2 =	sld [smem:$0x3FFD];
	_ =	sdelay $0x3  }
0x96: {  	_ =	strace s2  }
0x97: {  	_ =	strace $0x8FFFFFFF  }
0x98: {  	s18 =	sld [smem:$0x3FDB];
	_ =	sdelay $0x1  }
0x99: {  	s19 =	simm.s32 $_scs_section_size  }
0x9a: {  	s4 =	simm.s32 $_size__tile_overlayer_lowered;
	s5 =	simm.s32 $_tile_overlayer_lowered  }
0x9b: {  	s22 =	simm.s32 $0x1BFF;
	s21 =	sshll.u32 s5, $0x1;
	s2 =	sadd.s32 s19, s18  }
0x9c: {  	s6 =	simm.s32 $0x0;
	s20 =	sshll.u32 s4, $0x1;
	s4 =	sadd.s32 s21, s2  }
0x9d: {  	[timem:s6], [sflag:s22] =	dma.local [hbm:s4], s20  }
0x9e: {  	_ =	swait.ge [sflag:s22], s20  }
0x9f: {  	s3 =	ssub.s32 $0x0, s20;
	[sflag:s22] =	ssyncset.done $0x0  }
0xa0: {  	[sflag:s22] =	ssyncadd.s32 s3;
	_ =	sdelay $0x1  }
0xa1: {  	s23 =	simm.s32 $0x1B8B  }
0xa2: {  	_ =	swait.ge [sflag:s23], $0x1  }
0xa3: {  	[sflag:s23] =	ssyncset.done $0x0  }
0xa4: {  	s25 =	simm.s32 $0x1B8E;
	s24 =	sld [smem:$0x3FFE];
	[sflag:s23] =	ssyncadd.s32 $0xFFFFFFFF  }
0xa5: {  	s26 =	simm.s32 $execute0_lowered;
	[smem:$0x3FD2] =	sst s25  }
0xa6: {  	s4 =	sshll.u32 s26, $0x1;
	_ =	strace $0x8000004C;
	[dreg:$0x1] =	wrdreg $0xFFFFFFFF  }
0xa7: {  	s28 =	simm.s32 $_size_execute0_lowered;
	s2 =	sadd.s32 s2, s4;
	[dreg:$0x0] =	wrdreg $0x0  }
0xa8: {  	s4 =	sshll.u32 s28, $0x1;
	[dreg:$0x2] =	wrdreg s2  }
0xa9: {  	[dreg:$0x3] =	wrdreg s4  }
0xaa: {  	[dreg:$0x4] =	wrdreg $0xC0  }
0xab: {  	_ =	task [dreg:s6], $0x5FFFF  }
0xac: {  	[dreg:$0x1] =	wrdreg $0xFFFFFFFF  }
0xad: {  	[dreg:$0x0] =	wrdreg $0x60  }
0xae: {  	[dreg:$0x2] =	wrdreg s24  }
0xaf: {  	[dreg:$0x3] =	wrdreg $0x0  }
0xb0: {  	[dreg:$0x4] =	wrdreg $0x4F000  }
0xb1: {  	[dreg:$0x5] =	wrdreg $0x9  }
0xb2: {  	_ =	task.clear_ibuf [dreg:s6], $0x6FFFF;
	_ =	strace $0x9000004C  }
0xb3: {  	s29 =	simm.s32 $0x9;
	_ =	strace $0x8000004E  }
0xb4: {  	_ =	swait.ge [sflag:s29], $0x1  }
0xb5: {  	[sflag:s29] =	ssyncadd.s32 $0xFFFFFFFF  }
0xb6: {  	_ =	strace $0x9000004E  }
0xb7: {  	_ =	sfence  }
0xb8: {  	s30 =	sld [smem:$0x0];
	_ =	sdelay $0x2  }
0xb9: {  	s31 =	sshll.u32 s1, $0xD;
	s1 =	sshrl.u32 s1, $0x2  }
0xba: {  	s3 =	sand.u32 $0x4000, s31;
	s1 =	sadd.s32 s1, s30  }
0xbb: {  	s0 =	sor.u32 s3, s0;
	s1 =	sshll.u32 s1, $0x11  }
0xbc: {  	s0 =	sor.u32 s1, s0  }
0xbd: {  	s0 =	sadd.s32 $0x8F2B, s0  }
0xbe: {  	[sflag:s0] =	ssyncadd.remote.s32 $0x1  }
0xbf: {  	_ =	sfence.sel $0xFFFF  }
0xc0: {  	[dreg:$0x0] =	wrdreg $0xFFFFFFFF;
	(pc) =	sbr.abs _section_cstart, $3  }
0xc1: {  	[dreg:$0x1] =	wrdreg $0xFFFFFFFF  }
0xc2: {  	_ =	task.clear_ibuf [dreg:s6], $0x2FFFF;
	_ =	strace $0x9FFFFFFF  }
0xc3: {  	(tm) =	ssettm $0x7FFFFFFF  }
tec
execute0_lowered:
.L_overlay_start_1:
0x0: {  	(tag) =	ssettag $0x1  }
0x1: {  	s4 =	rddreg [dreg:$0x0]  }
0x2: {  	s0 =	srdreg.scid;
	s2 =	rddreg [dreg:$0x1]  }
0x3: {  	s11 =	stileid.u32;
	s3 =	rddreg [dreg:$0x2];
	s8 =	simm.s32 $0x0  }
0x4: {  	s13 =	simm.s32 $0xB;
	s15 =	simm.s32 $0x1;
	s16 =	simm.s32 $0x4  }
0x5: {  	s17 =	simm.s32 $0x10;
	s18 =	simm.s32 $0xCF20;
	s19 =	simm.s32 $0xF630  }
0x6: {  	s20 =	simm.s32 $0x50;
	s21 =	simm.s32 $0x9D20;
	s5 =	smul.u32 $0x2710, s11  }
0x7: {  	s28 =	simm.s32 $0xBB20;
	s30 =	simm.s32 $0xC520;
	s6 =	smul.u32 $0x9E0, s11  }
0x8: {  	s31 =	simm.s32 $0x2;
	s29 =	simm.s32 $0x9;
	s7 =	smul.u32 $0x13C00, s11  }
0x9: {  	s0 =	sand.u32 $0x1, s0;
	[smem:$0x7FF] =	sst s8;
	s10 =	smul.u32 $0x13880, s11  }
0xa: {  	s23 =	sshll.u32 s11, $0x6;
	s1 =	sshll.u32 s0, $0x4;
	s22 =	smul.u32 $0x13C000, s0  }
0xb: {  	_ =	strace $0x8000004D;
	s0 =	ssub.s32 $0x2, s0;
	s1 =	sor.u32 s11, s1  }
0xc: {  	s5 =	sadd.s32 s5, s4;
	s6 =	sadd.s32 s6, s4;
	s9 =	sshrl.u32 s0, $0x1  }
0xd: {  	s24 =	sshrl.u32 s10, $0x2;
	s1 =	smul.u32 $0x2710, s1;
	s8 =	sadd.s32 s7, s22  }
0xe: {  	s0 =	ssub.s32 s0, s9;
	s7 =	sshrl.u32 s7, $0x2;
	s6 =	sadd.s32 $0x3DA00, s6  }
0xf: {  	s25 =	sadd.s32 s24, s3;
	s5 =	sadd.s32 $0x16800, s5;
	s22 =	simm.s32 $0x7  }
0x10: {  	s24 =	simm.s32 $0x8;
	s8 =	sshrl.u32 s8, $0x3;
	[dreg:$0x4] =	wrdreg s6  }
0x11: {  	s7 =	sadd.s32 s7, s2;
	s6 =	sor.u32 $0x1C0B, s23;
	[dreg:$0x5] =	wrdreg s5  }
0x12: {  	s11 =	smax.u32 s0, $0x1;
	s14 =	sshrl.u32 s25, $0x3;
	s23 =	simm.s32 $0xA720  }
0x13: {  	s25 =	simm.s32 $0xB120;
	s0 =	simm.s32 $0x3;
	s1 =	sshrl.u32 s1, $0x3  }
0x14: {  	s5 =	simm.s32 $0x0;
	s12 =	sshrl.u32 s7, $0x3;
	s1 =	sadd.s32 s1, s4  }
0x15: {  	s4 =	sadd.s32 s8, s4;
	s26 =	sadd.s32 $0x2E00, s1;
	s1 =	sadd.s32 $0xCA40, s1  }
0x16: {  	s10 =	sadd.s32 $0x47800, s4;
	s4 =	simm.s32 $0xA;
	[dreg:$0x6] =	wrdreg s26  }
0x17: {  	[dreg:$0x7] =	wrdreg s1;
	s26 =	simm.s32 $0x5;
	s1 =	simm.s32 $0x6  }
.LBB2_1:
0x18: {  	s7 =	rddreg [dreg:$0x4]  }
0x19: {  	[spmem:s12], [sflag:s6] =	dma.local [hbm:s7], $0x9E0  }
0x1a: {  	_ =	swait.ge [sflag:s13], $0x9E0  }
0x1b: {  	[sflag:s13] =	ssyncset.done $0x0  }
0x1c: {  	s8 =	rddreg [dreg:$0x5];
	[sflag:s13] =	ssyncadd.s32 $0xFFFFF620  }
0x1d: {  	[spmem:s14@s16], [sflag:s6] =	dma.strided [hbm:s8@s17], $0x9C4, s15, $0x4   }
0x1e: {  	_ =	swait.ge [sflag:s13], $0x9C4  }
0x1f: {  	[sflag:s13] =	ssyncset.done $0x0  }
0x20: {  	s7 =	simm.s32 $0x0;
	s8 =	rddreg [dreg:$0x6];
	[sflag:s13] =	ssyncadd.s32 $0xFFFFF63C  }
0x21: {  	[tilespmem:s18], [sflag:$0xB] =	stream.linear.gather [hbm4b:s8+s7], $0x2710, $0x38;
	[tilespmem:$0x11D40] =	vst v63  }
0x22: {  	_ =	swait.ge [sflag:s13], $0x2710  }
0x23: {  	[sflag:s13] =	ssyncset.done $0x0  }
0x24: {  	s9 =	rddreg [dreg:$0x7];
	[sflag:s13] =	ssyncadd.s32 $0xFFFFD8F0  }
0x25: {  	[tilespmem:s19], [sflag:$0xB] =	stream.linear.gather [hbm4b:s9+s7], $0x2710, $0x38;
	[tilespmem:$0x11D40] =	vst v63  }
0x26: {  	_ =	swait.ge [sflag:s13], $0x2710  }
0x27: {  	[sflag:s13] =	ssyncset.done $0x0  }
0x28: {  	[sflag:s13] =	ssyncadd.s32 $0xFFFFD8F0  }
0x29: {  	[bflag:$0x0] =	sbarrier.arrive $0xFFFF  }
0x2a: {  	[tilespmem:s21], [sflag:$0x1] =	stream.indirect.gather [spmem:s3], $0x20, s18, s20, $0xb8;
	[tilespmem:$0x11D40] =	vst v63  }
0x2b: {  	s9 =	simm.s32 $0xCF70  }
0x2c: {  	[tilespmem:s23], [sflag:$0x2] =	stream.indirect.gather [spmem:s3], $0x20, s9, s20, $0xb8;
	[tilespmem:$0x11D40] =	vst v63  }
0x2d: {  	s8 =	simm.s32 $0xCFC0  }
0x2e: {  	[tilespmem:s25], [sflag:$0x3] =	stream.indirect.gather [spmem:s3], $0x20, s8, s20, $0xb8;
	[tilespmem:$0x11D40] =	vst v63  }
0x2f: {  	s9 =	simm.s32 $0xD010  }
0x30: {  	[tilespmem:s28], [sflag:$0x4] =	stream.indirect.gather [spmem:s3], $0x20, s9, s20, $0xb8;
	[tilespmem:$0x11D40] =	vst v63  }
0x31: {  	s8 =	simm.s32 $0xD060  }
0x32: {  	[tilespmem:s30], [sflag:$0x5] =	stream.indirect.gather [spmem:s3], $0x20, s8, s20, $0xb8;
	[tilespmem:$0x11D40] =	vst v63  }
0x33: {  	_ =	swait.ge [sflag:s15], $0xA00  }
0x34: {  	[sflag:s15] =	ssyncset.done $0x0  }
0x35: {  	[sflag:s15] =	ssyncadd.s32 $0xFFFFF600  }
0x36: {  	[spmem:s2] =	stream.indirect.scatter.add.f32 [tilespmem:s21], [sflag:$0x6], $0x20, s19, s20, $0xb8;
	[tilespmem:$0x11D40] =	vst v63  }
0x37: {  	_ =	swait.ge [sflag:s31], $0xA00  }
0x38: {  	[sflag:s31] =	ssyncset.done $0x0  }
0x39: {  	s9 =	simm.s32 $0xF680;
	[sflag:s31] =	ssyncadd.s32 $0xFFFFF600  }
0x3a: {  	[spmem:s2] =	stream.indirect.scatter.add.f32 [tilespmem:s23], [sflag:$0x7], $0x20, s9, s20, $0xb8;
	[tilespmem:$0x11D40] =	vst v63  }
0x3b: {  	_ =	swait.ge [sflag:s0], $0xA00  }
0x3c: {  	[sflag:s0] =	ssyncset.done $0x0  }
0x3d: {  	s8 =	simm.s32 $0xF6D0;
	[sflag:s0] =	ssyncadd.s32 $0xFFFFF600  }
0x3e: {  	[spmem:s2] =	stream.indirect.scatter.add.f32 [tilespmem:s25], [sflag:$0x8], $0x20, s8, s20, $0xb8;
	[tilespmem:$0x11D40] =	vst v63  }
0x3f: {  	_ =	swait.ge [sflag:s16], $0xA00  }
0x40: {  	[sflag:s16] =	ssyncset.done $0x0  }
0x41: {  	s9 =	simm.s32 $0xF720;
	[sflag:s16] =	ssyncadd.s32 $0xFFFFF600  }
0x42: {  	[spmem:s2] =	stream.indirect.scatter.add.f32 [tilespmem:s28], [sflag:$0x9], $0x20, s9, s20, $0xb8;
	[tilespmem:$0x11D40] =	vst v63  }
0x43: {  	_ =	swait.ge [sflag:s26], $0xA00  }
0x44: {  	[sflag:s26] =	ssyncset.done $0x0  }
0x45: {  	s8 =	simm.s32 $0xF770;
	[sflag:s26] =	ssyncadd.s32 $0xFFFFF600  }
0x46: {  	[spmem:s2] =	stream.indirect.scatter.add.f32 [tilespmem:s30], [sflag:$0xA], $0x20, s8, s20, $0xb8;
	[tilespmem:$0x11D40] =	vst v63  }
0x47: {  	_ =	swait.ge [sflag:s1], $0xA00  }
0x48: {  	[sflag:s1] =	ssyncset.done $0x0  }
0x49: {  	s9 =	simm.s32 $0xD0B0;
	[sflag:s1] =	ssyncadd.s32 $0xFFFFF600  }
0x4a: {  	[tilespmem:s21], [sflag:$0x1] =	stream.indirect.gather [spmem:s3], $0x20, s9, s20, $0xb8;
	[tilespmem:$0x11D40] =	vst v63  }
0x4b: {  	_ =	swait.ge [sflag:s22], $0xA00  }
0x4c: {  	[sflag:s22] =	ssyncset.done $0x0  }
0x4d: {  	s8 =	simm.s32 $0xD100;
	[sflag:s22] =	ssyncadd.s32 $0xFFFFF600  }
0x4e: {  	[tilespmem:s23], [sflag:$0x2] =	stream.indirect.gather [spmem:s3], $0x20, s8, s20, $0xb8;
	[tilespmem:$0x11D40] =	vst v63  }
0x4f: {  	_ =	swait.ge [sflag:s24], $0xA00  }
0x50: {  	[sflag:s24] =	ssyncset.done $0x0  }
0x51: {  	s9 =	simm.s32 $0xD150;
	[sflag:s24] =	ssyncadd.s32 $0xFFFFF600  }
0x52: {  	[tilespmem:s25], [sflag:$0x3] =	stream.indirect.gather [spmem:s3], $0x20, s9, s20, $0xb8;
	[tilespmem:$0x11D40] =	vst v63  }
0x53: {  	_ =	swait.ge [sflag:s29], $0xA00  }
0x54: {  	[sflag:s29] =	ssyncset.done $0x0  }
0x55: {  	s8 =	simm.s32 $0xD1A0;
	[sflag:s29] =	ssyncadd.s32 $0xFFFFF600  }
0x56: {  	[tilespmem:s28], [sflag:$0x4] =	stream.indirect.gather [spmem:s3], $0x20, s8, s20, $0xb8;
	[tilespmem:$0x11D40] =	vst v63  }
0x57: {  	_ =	swait.ge [sflag:s4], $0xA00  }
0x58: {  	[sflag:s4] =	ssyncset.done $0x0  }
0x59: {  	s9 =	simm.s32 $0xD1F0;
	[sflag:s4] =	ssyncadd.s32 $0xFFFFF600  }
0x5a: {  	[tilespmem:s30], [sflag:$0x5] =	stream.indirect.gather [spmem:s3], $0x20, s9, s20, $0xb8;
	[tilespmem:$0x11D40] =	vst v63  }
0x5b: {  	_ =	swait.ge [sflag:s15], $0xA00  }
0x5c: {  	[sflag:s15] =	ssyncset.done $0x0  }
0x5d: {  	s8 =	simm.s32 $0xF7C0;
	[sflag:s15] =	ssyncadd.s32 $0xFFFFF600  }
0x5e: {  	[spmem:s2] =	stream.indirect.scatter.add.f32 [tilespmem:s21], [sflag:$0x6], $0x20, s8, s20, $0xb8;
	[tilespmem:$0x11D40] =	vst v63  }
0x5f: {  	_ =	swait.ge [sflag:s31], $0xA00  }
0x60: {  	[sflag:s31] =	ssyncset.done $0x0  }
0x61: {  	s9 =	simm.s32 $0xF810;
	[sflag:s31] =	ssyncadd.s32 $0xFFFFF600  }
0x62: {  	[spmem:s2] =	stream.indirect.scatter.add.f32 [tilespmem:s23], [sflag:$0x7], $0x20, s9, s20, $0xb8;
	[tilespmem:$0x11D40] =	vst v63  }
0x63: {  	_ =	swait.ge [sflag:s0], $0xA00  }
0x64: {  	[sflag:s0] =	ssyncset.done $0x0  }
0x65: {  	s8 =	simm.s32 $0xF860;
	[sflag:s0] =	ssyncadd.s32 $0xFFFFF600  }
0x66: {  	[spmem:s2] =	stream.indirect.scatter.add.f32 [tilespmem:s25], [sflag:$0x8], $0x20, s8, s20, $0xb8;
	[tilespmem:$0x11D40] =	vst v63  }
0x67: {  	_ =	swait.ge [sflag:s16], $0xA00  }
0x68: {  	[sflag:s16] =	ssyncset.done $0x0  }
0x69: {  	s9 =	simm.s32 $0xF8B0;
	[sflag:s16] =	ssyncadd.s32 $0xFFFFF600  }
0x6a: {  	[spmem:s2] =	stream.indirect.scatter.add.f32 [tilespmem:s28], [sflag:$0x9], $0x20, s9, s20, $0xb8;
	[tilespmem:$0x11D40] =	vst v63  }
0x6b: {  	_ =	swait.ge [sflag:s26], $0xA00  }
0x6c: {  	[sflag:s26] =	ssyncset.done $0x0  }
0x6d: {  	s7 =	simm.s32 $0x640;
	s8 =	simm.s32 $0xF900;
	[sflag:s26] =	ssyncadd.s32 $0xFFFFF600  }
.LBB2_2:
0x6e: {  	[spmem:s2] =	stream.indirect.scatter.add.f32 [tilespmem:s30], [sflag:$0xA], $0x20, s8, s20, $0xb8;
	[tilespmem:$0x11D40] =	vst v63  }
0x6f: {  	s8 =	smov.u32 s7  }
0x70: {  	p0 =	sne.s32 s7, $0x8FC0;
	s7 =	sadd.s32 $0x640, s7;
	_ =	swait.ge [sflag:s1], $0xA00  }
0x71: {  	s8 =	sshra.s32 s8, $0x2;
	[sflag:s1] =	ssyncset.done $0x0  }
0x72: {  	s9 =	sadd.s32 $0xD0B0, s8;
	[sflag:s1] =	ssyncadd.s32 $0xFFFFF600  }
0x73: {  	[tilespmem:s21], [sflag:$0x1] =	stream.indirect.gather [spmem:s3], $0x20, s9, s20, $0xb8;
	[tilespmem:$0x11D40] =	vst v63  }
0x74: {  	_ =	swait.ge [sflag:s22], $0xA00  }
0x75: {  	[sflag:s22] =	ssyncset.done $0x0  }
0x76: {  	s9 =	sadd.s32 $0xD100, s8;
	[sflag:s22] =	ssyncadd.s32 $0xFFFFF600  }
0x77: {  	[tilespmem:s23], [sflag:$0x2] =	stream.indirect.gather [spmem:s3], $0x20, s9, s20, $0xb8;
	[tilespmem:$0x11D40] =	vst v63  }
0x78: {  	_ =	swait.ge [sflag:s24], $0xA00  }
0x79: {  	[sflag:s24] =	ssyncset.done $0x0  }
0x7a: {  	s9 =	sadd.s32 $0xD150, s8;
	[sflag:s24] =	ssyncadd.s32 $0xFFFFF600  }
0x7b: {  	[tilespmem:s25], [sflag:$0x3] =	stream.indirect.gather [spmem:s3], $0x20, s9, s20, $0xb8;
	[tilespmem:$0x11D40] =	vst v63  }
0x7c: {  	_ =	swait.ge [sflag:s29], $0xA00  }
0x7d: {  	[sflag:s29] =	ssyncset.done $0x0  }
0x7e: {  	s9 =	sadd.s32 $0xD1A0, s8;
	[sflag:s29] =	ssyncadd.s32 $0xFFFFF600  }
0x7f: {  	[tilespmem:s28], [sflag:$0x4] =	stream.indirect.gather [spmem:s3], $0x20, s9, s20, $0xb8;
	[tilespmem:$0x11D40] =	vst v63  }
0x80: {  	_ =	swait.ge [sflag:s4], $0xA00  }
0x81: {  	[sflag:s4] =	ssyncset.done $0x0  }
0x82: {  	s9 =	sadd.s32 $0xD1F0, s8;
	[sflag:s4] =	ssyncadd.s32 $0xFFFFF600  }
0x83: {  	[tilespmem:s30], [sflag:$0x5] =	stream.indirect.gather [spmem:s3], $0x20, s9, s20, $0xb8;
	[tilespmem:$0x11D40] =	vst v63  }
0x84: {  	_ =	swait.ge [sflag:s15], $0xA00  }
0x85: {  	[sflag:s15] =	ssyncset.done $0x0  }
0x86: {  	s9 =	sadd.s32 $0xF7C0, s8;
	[sflag:s15] =	ssyncadd.s32 $0xFFFFF600  }
0x87: {  	[spmem:s2] =	stream.indirect.scatter.add.f32 [tilespmem:s21], [sflag:$0x6], $0x20, s9, s20, $0xb8;
	[tilespmem:$0x11D40] =	vst v63  }
0x88: {  	_ =	swait.ge [sflag:s31], $0xA00  }
0x89: {  	[sflag:s31] =	ssyncset.done $0x0  }
0x8a: {  	s9 =	sadd.s32 $0xF810, s8;
	[sflag:s31] =	ssyncadd.s32 $0xFFFFF600  }
0x8b: {  	[spmem:s2] =	stream.indirect.scatter.add.f32 [tilespmem:s23], [sflag:$0x7], $0x20, s9, s20, $0xb8;
	[tilespmem:$0x11D40] =	vst v63  }
0x8c: {  	_ =	swait.ge [sflag:s0], $0xA00  }
0x8d: {  	[sflag:s0] =	ssyncset.done $0x0  }
0x8e: {  	s9 =	sadd.s32 $0xF860, s8;
	[sflag:s0] =	ssyncadd.s32 $0xFFFFF600  }
0x8f: {  	[spmem:s2] =	stream.indirect.scatter.add.f32 [tilespmem:s25], [sflag:$0x8], $0x20, s9, s20, $0xb8;
	[tilespmem:$0x11D40] =	vst v63  }
0x90: {  	_ =	swait.ge [sflag:s16], $0xA00  }
0x91: {  	[sflag:s16] =	ssyncset.done $0x0  }
.Ltmp0:
0x92: {  	s9 =	sadd.s32 $0xF8B0, s8;
	[sflag:s16] =	ssyncadd.s32 $0xFFFFF600;
	(pc) =	sbr.rel @p0 .LBB2_2-.Ltmp0, $4  }
0x93: {  	[spmem:s2] =	stream.indirect.scatter.add.f32 [tilespmem:s28], [sflag:$0x9], $0x20, s9, s20, $0xb8;
	[tilespmem:$0x11D40] =	vst v63  }
0x94: {  	_ =	swait.ge [sflag:s26], $0xA00  }
0x95: {  	[sflag:s26] =	ssyncset.done $0x0  }
0x96: {  	s8 =	sadd.s32 $0xF900, s8;
	[sflag:s26] =	ssyncadd.s32 $0xFFFFF600  }
0x97: {  	[spmem:s2] =	stream.indirect.scatter.add.f32 [tilespmem:s30], [sflag:$0xA], $0x20, s8, s20, $0xb8;
	[tilespmem:$0x11D40] =	vst v63  }
0x98: {  	_ =	swait.ge [sflag:s1], $0xA00  }
0x99: {  	[sflag:s1] =	ssyncset.done $0x0  }
0x9a: {  	[sflag:s1] =	ssyncadd.s32 $0xFFFFF600  }
0x9b: {  	_ =	swait.ge [sflag:s22], $0xA00  }
0x9c: {  	[sflag:s22] =	ssyncset.done $0x0  }
0x9d: {  	[sflag:s22] =	ssyncadd.s32 $0xFFFFF600  }
0x9e: {  	_ =	swait.ge [sflag:s24], $0xA00  }
0x9f: {  	[sflag:s24] =	ssyncset.done $0x0  }
0xa0: {  	[sflag:s24] =	ssyncadd.s32 $0xFFFFF600  }
0xa1: {  	_ =	swait.ge [sflag:s29], $0xA00  }
0xa2: {  	[sflag:s29] =	ssyncset.done $0x0  }
0xa3: {  	[sflag:s29] =	ssyncadd.s32 $0xFFFFF600  }
0xa4: {  	_ =	swait.ge [sflag:s4], $0xA00  }
0xa5: {  	s5 =	sadd.s32 $0x1, s5;
	[sflag:s4] =	ssyncset.done $0x0  }
0xa6: {  	p0 =	sne.s32 s5, s11;
	[sflag:s4] =	ssyncadd.s32 $0xFFFFF600  }
.Ltmp1:
0xa7: {  	[bflag:$0x0] =	sbarrier.arrive $0xFFFF;
	(pc) =	sbr.rel @p0 .LBB2_1-.Ltmp1, $4  }
0xa8: {  	[hbm:s10@s17], [sflag:s6] =	dma.strided [spmem:s12@s16], $0x9E0, s15, $0x4   }
0xa9: {  	_ =	swait.ge [sflag:s13], $0x9E0  }
0xaa: {  	[sflag:s13] =	ssyncset.done $0x0  }
0xab: {  	[sflag:s13] =	ssyncadd.s32 $0xFFFFF620  }
0xac: {  	_ =	sfence.sel $0x180000  }
0xad: {  	[bflag:$0x0] =	sbarrier.arrive $0xFFFF  }
0xae: {  	_ =	strace $0x9000004D  }
0xaf: {  	s0 =	stileid.u32;
	[bflag:$0x2] =	sbarrier.arrive $0xFFFF  }
0xb0: {  	p0 =	sne.s32 s0, $0x0;
	s0 =	rddreg [dreg:$0x3]  }
0xb1: {  	s0 =	sadd.s32 @!p0 $0x100000, s0  }
0xb2: {  	[sflag:s0] =	ssyncadd.tile.s32 @!p0 $0x1;
	_ =	shalt  }
.Lfunc_end2:
_tile_overlayer_lowered:
.L_overlay_start_2:
0xb3: {  	(tag) =	ssettag $0x2  }
0xb4: {  	s0 =	rddreg [dreg:$0x0];
	s2 =	stileid.u32  }
0xb5: {  	s1 =	rddreg [dreg:$0x1];
	p0 =	sne.s32 s2, $0x0  }
0xb6: {  	s3 =	rddreg [dreg:$0x2];
	[bflag:$0x3] =	sbarrier.arrive $0xFFFF;
	s2 =	simm.s32 @!p0 $0x1C0B  }
0xb7: {  	[timem:s3], [sflag:s2] =	dma.local @!p0 [hbm:s0], s1  }
0xb8: {  	s0 =	simm.s32 @!p0 $0xB  }
0xb9: {  	_ =	swait.ge @!p0 [sflag:s0], s1  }
0xba: {  	s1 =	ssub.s32 @!p0 $0x0, s1;
	[sflag:s0] =	ssyncset.done @!p0 $0x0  }
0xbb: {  	[sflag:s0] =	ssyncadd.s32 @!p0 s1  }
0xbc: {  	[bflag:$0x3] =	sbarrier.arrive $0xFFFF  }
0xbd: {  	_ =	shalt  }

// kernel: kernel.9.cloned.1.call-start
scs
__scs_entry_jumppad:
0x0: {  	(pc) =	sbr.rel $0x88, $3  }
0x1: {  	(tag) =	ssettag $0x0;
	lr =	simm.s32 $0x1  }
0x2: {  	[smem:$0x3F99] =	sst lr;
	_ =	strace $0xD0000000  }
0x3: {  	_ = 	snop  }
0x4: {  	_ = 	snop  }
0x5: {  	_ = 	snop  }
0x6: {  	_ = 	snop  }
0x7: {  	_ = 	snop  }
__scs_overlays_trampoline_lowered:
0x8: {  	[smem:$0x3FA8] =	sst s0  }
0x9: {  	[smem:$0x3FA9] =	sst s1  }
0xa: {  	[smem:$0x3FAA] =	sst s2  }
0xb: {  	[smem:$0x3FAB] =	sst s3  }
0xc: {  	[smem:$0x3FAC] =	sst s4  }
0xd: {  	[smem:$0x3FAD] =	sst s5  }
0xe: {  	[smem:$0x3FAE] =	sst s6  }
0xf: {  	[smem:$0x3FAF] =	sst s7  }
0x10: {  	[smem:$0x3FB0] =	sst s8  }
0x11: {  	[smem:$0x3FB1] =	sst s9;
	s0 =	simm.s32 @!p0 $0x0  }
0x12: {  	s1 =	sld [smem:$0x3F97];
	s0 =	simm.s32 @p0 $0x1  }
0x13: {  	[smem:$0x3FB2] =	sst s0;
	s0 =	simm.s32 @!p1 $0x0  }
0x14: {  	s2 =	sld [smem:$0x3F96];
	s0 =	simm.s32 @p1 $0x1  }
0x15: {  	[smem:$0x3FB3] =	sst s0;
	s0 =	simm.s32 @!p2 $0x0  }
0x16: {  	s3 =	sld [smem:$0x3FDB];
	s0 =	simm.s32 @p2 $0x1  }
0x17: {  	s4 =	simm.s32 $0x1BF5;
	[smem:$0x3FB5] =	sst s0  }
0x18: {  	s0 =	sld [smem:$0x3F98];
	_ =	swait.ge [sflag:s4], $0x0  }
0x19: {  	s7 =	sld [smem:$0x3F99]  }
0x1a: {  	s8 =	sadd.s32 $0xFFFFE003, lr  }
0x1b: {  	s9 =	sadd.s32 $0xFFFFFEF7, lr;
	s5 =	simm.s32 $0xFFFFFFFF;
	p2 =	slt.u32 s8, $0xFFFFF086  }
0x1c: {  	p1 =	slt.u32 s9, $0xF7A;
	s5 =	simm.s32 @!p2 $0x0  }
0x1d: {  	s5 =	simm.s32 @p1 $0x1;
	p0 =	seq.s32 s7, s2  }
0x1e: {  	s7 =	smul.u32 @!p0 $0xF7A, s2;
	p2 =	seq.s32 @!p0 s5, $0x0  }
0x1f: {  	s9 =	smul.u32 $0xF7A, s1;
	s8 =	simm.s32 @!p0 $0x1BF5;
	p2 =	por !p2, p0  }
0x20: {  	[sflag:s8] =	ssyncset.s32 @!p0 $0xFFFFF086;
	s6 =	sadd.s32 @!p0 s3, s7;
	s7 =	simm.s32 @!p0 $0x108  }
0x21: {  	s3 =	sadd.s32 s3, s9;
	s6 =	sadd.s32 @!p0 $0x88, s6;
	s7 =	simm.s32 @p2 $0x1082  }
0x22: {  	[simem:s7], [sflag:s8] =	dma.local @!p0 [hbm:s6], $0xF7A  }
0x23: {  	s9 =	sor.u32 $0xD0000000, s2;
	s6 =	simm.s32 $0x108;
	_ =	swait.ge @!p0 [sflag:s8], $0x0  }
0x24: {  	s3 =	sadd.s32 $0x88, s3;
	s6 =	simm.s32 @!p1 $0x1082;
	[sflag:s4] =	ssyncset.s32 $0xFFFFF086  }
0x25: {  	[simem:s6], [sflag:s4] =	dma.local [hbm:s3], $0xF7A  }
0x26: {  	[smem:$0x3F99] =	sst s1;
	(tag) =	ssettag s2;
	_ =	strace s9  }
0x27: {  	s1 =	sld [smem:$0x3FA9]  }
0x28: {  	s2 =	sld [smem:$0x3FAA]  }
0x29: {  	s4 =	sld [smem:$0x3FAC]  }
0x2a: {  	p0 =	seq.s32 s5, $0x0;
	s5 =	sld [smem:$0x3FAD]  }
0x2b: {  	s6 =	sld [smem:$0x3FAE]  }
0x2c: {  	s7 =	sld [smem:$0x3FAF]  }
0x2d: {  	s3 =	simm.s32 $0x108;
	s8 =	sld [smem:$0x3FB0]  }
0x2e: {  	s3 =	simm.s32 @!p0 $0x1082;
	s9 =	sld [smem:$0x3FB1]  }
0x2f: {  	lr =	sadd.s32 s0, s3;
	s0 =	sld [smem:$0x3FA8]  }
0x30: {  	s3 =	sld [smem:$0x3FAB]  }
0x31: {  	[smem:$0x3FB4] =	sst s10  }
0x32: {  	s10 =	sld [smem:$0x3FB2];
	_ =	sdelay $0x3  }
0x33: {  	p0 =	seq.s32 s10, $0x1;
	s10 =	sld [smem:$0x3FB4];
	_ =	sdelay $0x3  }
0x34: {  	[smem:$0x3FB4] =	sst s10  }
0x35: {  	s10 =	sld [smem:$0x3FB3];
	_ =	sdelay $0x3  }
0x36: {  	p1 =	seq.s32 s10, $0x1;
	s10 =	sld [smem:$0x3FB4];
	_ =	sdelay $0x3  }
0x37: {  	[smem:$0x3FB4] =	sst s10  }
0x38: {  	s10 =	sld [smem:$0x3FB5]  }
0x39: {  	_ = 	snop;
	(pc) =	sbr.ind lr, $3  }
0x3a: {  	_ = 	snop  }
0x3b: {  	_ = 	snop  }
0x3c: {  	p2 =	seq.s32 s10, $0x1;
	s10 =	sld [smem:$0x3FB4]  }
0x3d: {  	_ =	shalt  }
0x3e: {  	_ =	shalt  }
0x3f: {  	_ =	shalt  }
0x40: {  	_ =	shalt  }
0x41: {  	_ =	shalt  }
0x42: {  	_ =	shalt  }
0x43: {  	_ =	shalt  }
0x44: {  	_ =	shalt  }
0x45: {  	_ =	shalt  }
0x46: {  	_ =	shalt  }
0x47: {  	_ =	shalt  }
0x48: {  	_ =	shalt  }
0x49: {  	_ =	shalt  }
0x4a: {  	_ =	shalt  }
0x4b: {  	_ =	shalt  }
0x4c: {  	_ =	shalt  }
0x4d: {  	_ =	shalt  }
0x4e: {  	_ =	shalt  }
0x4f: {  	_ =	shalt  }
0x50: {  	_ =	shalt  }
0x51: {  	_ =	shalt  }
0x52: {  	_ =	shalt  }
0x53: {  	_ =	shalt  }
0x54: {  	_ =	shalt  }
0x55: {  	_ =	shalt  }
0x56: {  	_ =	shalt  }
0x57: {  	_ =	shalt  }
0x58: {  	_ =	shalt  }
0x59: {  	_ =	shalt  }
0x5a: {  	_ =	shalt  }
0x5b: {  	_ =	shalt  }
0x5c: {  	_ =	shalt  }
0x5d: {  	_ =	shalt  }
0x5e: {  	_ =	shalt  }
0x5f: {  	_ =	shalt  }
0x60: {  	_ =	shalt  }
0x61: {  	_ =	shalt  }
0x62: {  	_ =	shalt  }
0x63: {  	_ =	shalt  }
0x64: {  	_ =	shalt  }
0x65: {  	_ =	shalt  }
0x66: {  	_ =	shalt  }
0x67: {  	_ =	shalt  }
0x68: {  	_ =	shalt  }
0x69: {  	_ =	shalt  }
0x6a: {  	_ =	shalt  }
0x6b: {  	_ =	shalt  }
0x6c: {  	_ =	shalt  }
0x6d: {  	_ =	shalt  }
0x6e: {  	_ =	shalt  }
0x6f: {  	_ =	shalt  }
0x70: {  	_ =	shalt  }
0x71: {  	_ =	shalt  }
0x72: {  	_ =	shalt  }
0x73: {  	_ =	shalt  }
0x74: {  	_ =	shalt  }
0x75: {  	_ =	shalt  }
0x76: {  	_ =	shalt  }
0x77: {  	_ =	shalt  }
0x78: {  	_ =	shalt  }
0x79: {  	_ =	shalt  }
0x7a: {  	_ =	shalt  }
0x7b: {  	_ =	shalt  }
0x7c: {  	_ =	shalt  }
0x7d: {  	_ =	shalt  }
0x7e: {  	_ =	shalt  }
0x7f: {  	_ =	shalt  }
0x80: {  	_ =	shalt  }
0x81: {  	_ =	shalt  }
0x82: {  	_ =	shalt  }
0x83: {  	_ =	shalt  }
0x84: {  	_ =	shalt  }
0x85: {  	_ =	shalt  }
0x86: {  	_ =	shalt  }
0x87: {  	_ =	shalt  }
.Lfunc_end0:
.L_simem_size_0:
called_computation_lowered:
.L_overlay_start_0:
0x88: {  	s2 =	sld [smem:$0x3FD9]  }
0x89: {  	s3 =	sld [smem:$0x3FFE];
	_ =	sdelay $0x1  }
0x8a: {  	s1 =	srdreg.scid  }
0x8b: {  	s0 =	sand.u32 $0x1, s1  }
0x8c: {  	s17 =	sshll.u32 s0, $0xA;
	s2 =	sadd.s32 s3, s2  }
0x8d: {  	s2 =	sadd.s32 s2, s17  }
0x8e: {  	[smem:$0x3FC0] =	sst s2  }
0x8f: {  	_ = 	snop  }
0x90: {  	s2 =	sld [smem:$0x3FD0];
	(tm) =	ssettm $0x1  }
0x91: {  	s18 =	sld [smem:$0x3FFB];
	_ =	sdelay $0x3  }
0x92: {  	_ =	strace s18  }
0x93: {  	s3 =	sld [smem:$0x3FFC];
	_ =	sdelay $0x3  }
0x94: {  	_ =	strace s3  }
0x95: {  	s3 =	sld [smem:$0x3FFD];
	_ =	sdelay $0x3  }
0x96: {  	_ =	strace s3  }
0x97: {  	_ =	strace $0x8FFFFFFF  }
0x98: {  	s19 =	sld [smem:$0x3FDB];
	_ =	sdelay $0x1  }
0x99: {  	s4 =	simm.s32 $_scs_section_size  }
0x9a: {  	s5 =	simm.s32 $_size__tile_overlayer_lowered;
	s6 =	simm.s32 $_tile_overlayer_lowered  }
0x9b: {  	s22 =	simm.s32 $0x1BFF;
	s21 =	sshll.u32 s6, $0x1;
	s3 =	sadd.s32 s4, s19  }
0x9c: {  	s7 =	simm.s32 $0x0;
	s20 =	sshll.u32 s5, $0x1;
	s5 =	sadd.s32 s21, s3  }
0x9d: {  	[timem:s7], [sflag:s22] =	dma.local [hbm:s5], s20  }
0x9e: {  	_ =	swait.ge [sflag:s22], s20  }
0x9f: {  	s4 =	ssub.s32 $0x0, s20;
	[sflag:s22] =	ssyncset.done $0x0  }
0xa0: {  	[sflag:s22] =	ssyncadd.s32 s4;
	_ =	sdelay $0x1  }
0xa1: {  	s23 =	simm.s32 $0x1B8B  }
0xa2: {  	_ =	swait.ge [sflag:s23], $0x1  }
0xa3: {  	[sflag:s23] =	ssyncset.done $0x0  }
0xa4: {  	s25 =	simm.s32 $0x1B8E;
	s24 =	sld [smem:$0x3FFE];
	[sflag:s23] =	ssyncadd.s32 $0xFFFFFFFF  }
0xa5: {  	s26 =	simm.s32 $execute0_lowered;
	[smem:$0x3FD2] =	sst s25  }
0xa6: {  	s5 =	sshll.u32 s26, $0x1;
	_ =	strace $0x80000046;
	[dreg:$0x1] =	wrdreg $0xFFFFFFFF  }
0xa7: {  	s28 =	simm.s32 $_size_execute0_lowered;
	s3 =	sadd.s32 s3, s5;
	[dreg:$0x0] =	wrdreg $0x0  }
0xa8: {  	s5 =	sshll.u32 s28, $0x1;
	[dreg:$0x2] =	wrdreg s3  }
0xa9: {  	[dreg:$0x3] =	wrdreg s5  }
0xaa: {  	[dreg:$0x4] =	wrdreg $0xC0  }
0xab: {  	_ =	task [dreg:s7], $0x5FFFF  }
0xac: {  	[dreg:$0x1] =	wrdreg $0xFFFFFFFF  }
0xad: {  	[dreg:$0x0] =	wrdreg $0x60  }
0xae: {  	[dreg:$0x2] =	wrdreg s24  }
0xaf: {  	[dreg:$0x3] =	wrdreg s2  }
0xb0: {  	[dreg:$0x4] =	wrdreg $0x0  }
0xb1: {  	[dreg:$0x5] =	wrdreg $0x9  }
0xb2: {  	_ =	task.clear_ibuf [dreg:s7], $0x6FFFF;
	_ =	strace $0x90000046  }
0xb3: {  	s29 =	simm.s32 $0x9;
	_ =	strace $0x80000048  }
0xb4: {  	_ =	swait.ge [sflag:s29], $0x1  }
0xb5: {  	[sflag:s29] =	ssyncadd.s32 $0xFFFFFFFF  }
0xb6: {  	_ =	strace $0x90000048  }
0xb7: {  	_ =	sfence  }
0xb8: {  	s30 =	sld [smem:$0x0];
	_ =	sdelay $0x2  }
0xb9: {  	s31 =	sshll.u32 s1, $0xD;
	s1 =	sshrl.u32 s1, $0x2  }
0xba: {  	s3 =	sand.u32 $0x4000, s31;
	s1 =	sadd.s32 s1, s30  }
0xbb: {  	s0 =	sor.u32 s3, s0;
	s1 =	sshll.u32 s1, $0x11  }
0xbc: {  	s0 =	sor.u32 s1, s0  }
0xbd: {  	s0 =	sadd.s32 $0x8F2B, s0  }
0xbe: {  	[sflag:s0] =	ssyncadd.remote.s32 $0x1  }
0xbf: {  	_ =	sfence.sel $0xFFFF  }
0xc0: {  	[dreg:$0x0] =	wrdreg $0xFFFFFFFF;
	(pc) =	sbr.abs _section_cstart, $3  }
0xc1: {  	[dreg:$0x1] =	wrdreg $0xFFFFFFFF  }
0xc2: {  	_ =	task.clear_ibuf [dreg:s7], $0x2FFFF;
	_ =	strace $0x9FFFFFFF  }
0xc3: {  	(tm) =	ssettm $0x7FFFFFFF  }
tec
execute0_lowered:
.L_overlay_start_1:
0x0: {  	(tag) =	ssettag $0x1  }
0x1: {  	s6 =	rddreg [dreg:$0x0]  }
0x2: {  	s2 =	rddreg [dreg:$0x1];
	s0 =	stileid.u32  }
0x3: {  	s1 =	srdreg.scid;
	s3 =	rddreg [dreg:$0x2];
	s4 =	simm.s32 $0x0  }
0x4: {  	s13 =	simm.s32 $0x2C80;
	s14 =	simm.s32 $0x50;
	s15 =	simm.s32 $0x1  }
0x5: {  	s16 =	simm.s32 $0x10;
	s17 =	simm.s32 $0x0;
	s5 =	smul.u32 $0x4F0, s0  }
0x6: {  	s7 =	sand.u32 $0x1, s1;
	s1 =	rddreg [dreg:$0x3];
	s9 =	smul.u32 $0x13C00, s0  }
0x7: {  	[smem:$0x7FF] =	sst s4;
	s29 =	smul.u32 $0x9E00, s0;
	s31 =	sshll.u32 s0, $0x6  }
0x8: {  	s8 =	smul.u32 $0x13C000, s7;
	_ =	strace $0x80000047;
	s10 =	sshll.u32 s7, $0x4  }
0x9: {  	s7 =	ssub.s32 $0x2, s7;
	s5 =	sadd.s32 s5, s6;
	s10 =	sor.u32 s0, s10  }
0xa: {  	s11 =	sshrl.u32 s7, $0x1;
	s8 =	sadd.s32 s9, s8;
	s10 =	smul.u32 $0x2710, s10  }
0xb: {  	s9 =	sshrl.u32 s29, $0x2;
	s11 =	ssub.s32 s7, s11;
	s5 =	sadd.s32 $0x16800, s5  }
0xc: {  	s8 =	sshrl.u32 s8, $0x3;
	s12 =	sadd.s32 s9, s3;
	s9 =	smax.u32 s11, $0x1  }
0xd: {  	s11 =	simm.s32 $0x2;
	s8 =	sadd.s32 s8, s6;
	s30 =	sshrl.u32 s10, $0x3  }
0xe: {  	s10 =	sshrl.u32 s12, $0x3;
	s12 =	simm.s32 $0x2780;
	s7 =	sadd.s32 s6, s30  }
0xf: {  	s6 =	sor.u32 $0x1C02, s31;
	s8 =	sadd.s32 $0x1B800, s8;
	s7 =	sadd.s32 $0xCA40, s7  }
.LBB2_1:
0x10: {  	[spmem:s10], [sflag:s6] =	dma.local [hbm:s5], $0x4F0  }
0x11: {  	_ =	swait.ge [sflag:s11], $0x4F0  }
0x12: {  	[sflag:s11] =	ssyncset.done $0x0  }
0x13: {  	[sflag:s11] =	ssyncadd.s32 $0xFFFFFB10  }
0x14: {  	[tilespmem:s12], [sflag:$0x2] =	stream.linear.gather [hbm4b:s2+s4], $0x500, $0x38;
	[tilespmem:$0x5390] =	vst v63  }
0x15: {  	_ =	swait.ge [sflag:s11], $0x500  }
0x16: {  	[sflag:s11] =	ssyncset.done $0x0  }
0x17: {  	[sflag:s11] =	ssyncadd.s32 $0xFFFFFB00  }
0x18: {  	[tilespmem:s13], [sflag:$0x2] =	stream.linear.gather [hbm4b:s7+s4], $0x2710, $0x38;
	[tilespmem:$0x5390] =	vst v63  }
0x19: {  	_ =	swait.ge [sflag:s11], $0x2710  }
0x1a: {  	[sflag:s11] =	ssyncset.done $0x0  }
0x1b: {  	[sflag:s11] =	ssyncadd.s32 $0xFFFFD8F0  }
0x1c: {  	s18 =	simm.s32 $0x0;
	[bflag:$0x0] =	sbarrier.arrive $0xFFFF  }
.LBB2_2:
0x1d: {  	p0 =	sne.s32 s18, $0x9B00  }
.Ltmp0:
0x1e: {  	_ = 	snop;
	(pc) =	sbr.rel @p0 .LBB2_2-.Ltmp0, $4  }
0x1f: {  	_ = 	snop  }
0x20: {  	s19 =	sshra.s32 s18, $0x2  }
0x21: {  	s18 =	sadd.s32 $0x140, s18;
	s19 =	sadd.s32 $0x2C80, s19  }
0x22: {  	[spmem:s3] =	stream.indirect.scatter.add.f32 [tilespmem:s12], [sflag:$0x1], $0x10, s19, s14, $0xb8;
	[tilespmem:$0x5390] =	vst v63  }
0x23: {  	_ =	swait.ge [sflag:s15], $0x500  }
0x24: {  	s18 =	simm.s32 $0x7C;
	[sflag:s15] =	ssyncset.done $0x0  }
.LBB2_4:
0x25: {  	p0 =	sne.s32 s18, $0x1;
	s18 =	sadd.s32 $0xFFFFFFFF, s18;
	[sflag:s15] =	ssyncadd.s32 $0xFFFFFB00  }
.Ltmp1:
0x26: {  	(pc) =	sbr.rel @p0 .LBB2_4-.Ltmp1, $3  }
0x27: {  	_ =	sdelay $0x1  }
0x28: {  	_ =	swait.ge [sflag:s15], $0x500  }
0x29: {  	[sflag:s15] =	ssyncset.done $0x0  }
0x2a: {  	s17 =	sadd.s32 $0x1, s17  }
0x2b: {  	[sflag:s15] =	ssyncadd.s32 $0xFFFFFB00;
	p0 =	sne.s32 s17, s9  }
.Ltmp2:
0x2c: {  	[bflag:$0x0] =	sbarrier.arrive $0xFFFF;
	(pc) =	sbr.rel @p0 .LBB2_1-.Ltmp2, $4  }
0x2d: {  	[hbm:s8@s16], [sflag:s6] =	dma.strided [spmem:s10@s11], $0x4F0, s15, $0x2   }
0x2e: {  	_ =	swait.ge [sflag:s11], $0x4F0  }
0x2f: {  	[sflag:s11] =	ssyncset.done $0x0  }
0x30: {  	[sflag:s11] =	ssyncadd.s32 $0xFFFFFB10  }
0x31: {  	_ =	sfence.sel $0x180000  }
0x32: {  	[bflag:$0x0] =	sbarrier.arrive $0xFFFF  }
0x33: {  	p0 =	sne.s32 s0, $0x0;
	_ =	strace $0x90000047  }
0x34: {  	s0 =	sadd.s32 @!p0 $0x100000, s1;
	[bflag:$0x2] =	sbarrier.arrive $0xFFFF  }
0x35: {  	[sflag:s0] =	ssyncadd.tile.s32 @!p0 $0x1;
	_ =	shalt  }
.Lfunc_end2:
_tile_overlayer_lowered:
.L_overlay_start_2:
0x36: {  	(tag) =	ssettag $0x2  }
0x37: {  	s0 =	rddreg [dreg:$0x0];
	s2 =	stileid.u32  }
0x38: {  	s1 =	rddreg [dreg:$0x1];
	p0 =	sne.s32 s2, $0x0  }
0x39: {  	s3 =	rddreg [dreg:$0x2];
	[bflag:$0x3] =	sbarrier.arrive $0xFFFF;
	s2 =	simm.s32 @!p0 $0x1C02  }
0x3a: {  	[timem:s3], [sflag:s2] =	dma.local @!p0 [hbm:s0], s1  }
0x3b: {  	s0 =	simm.s32 @!p0 $0x2  }
0x3c: {  	_ =	swait.ge @!p0 [sflag:s0], s1  }
0x3d: {  	s1 =	ssub.s32 @!p0 $0x0, s1;
	[sflag:s0] =	ssyncset.done @!p0 $0x0  }
0x3e: {  	[sflag:s0] =	ssyncadd.s32 @!p0 s1  }
0x3f: {  	[bflag:$0x3] =	sbarrier.arrive $0xFFFF  }
0x40: {  	_ =	shalt  }

</sc_bundles>
